<compile_context>
chip_gen: v7x
topology: tpu7x:2x2x1
jax: 0.10.2.dev20260603
libtpu: 0.0.44.dev20260713+nightly
codegen_flags: <defaults>
</compile_context>

<pallas_src>
import functools

import jax
import jax.numpy as jnp
from jax import lax
from jax.experimental import pallas as pl
from jax.experimental.pallas import tpu as pltpu
from jax.experimental.pallas import tpu_sc as plsc

_NC = 2
_NS = 16
_NW = _NC * _NS

_PREC = lax.Precision.DEFAULT


def _sc_gather(table, idx3w, nch, chunk, contig=False):
  nk = idx3w.shape[1]
  d = table.shape[1]
  mesh = plsc.VectorSubcoreMesh(
      core_axis_name="c", subcore_axis_name="s",
      num_cores=_NC, num_subcores=_NS)

  @functools.partial(
      pl.kernel,
      out_type=jax.ShapeDtypeStruct((nch * chunk, d), table.dtype),
      mesh=mesh,
      scratch_types=[
          pltpu.VMEM((nk, chunk), jnp.int32),
          pltpu.VMEM((chunk, d), table.dtype),
          pltpu.VMEM((chunk, d), table.dtype),
          pltpu.SemaphoreType.DMA,
          pltpu.SemaphoreType.DMA,
          pltpu.SemaphoreType.DMA,
          pltpu.SemaphoreType.DMA,
      ],
  )
  def gather_kernel(table_hbm, idx_hbm, out_hbm, idx_v, r0, r1,
                    sg0, sg1, so0, so1):
    w = lax.axis_index("s") * _NC + lax.axis_index("c")
    pltpu.sync_copy(idx_hbm.at[w], idx_v)
    if contig:
      vc = jnp.clip(nch - w * nk, 0, nk)
    else:
      vc = (nch - w + _NW - 1) // _NW

    def stage(k, rb, sg, so):
      @pl.when(k < vc)
      def _():
        @pl.when(k >= 2)
        def _():
          pltpu.make_async_copy(rb, out_hbm.at[pl.ds(0, chunk)], so).wait()

        pltpu.async_copy(table_hbm.at[idx_v.at[k]], rb, sg)

    def drain(k, rb, sg, so):
      cid = (w * nk + k) if contig else (k * _NW + w)

      @pl.when(k < vc)
      def _():
        pltpu.make_async_copy(table_hbm.at[idx_v.at[k]], rb, sg).wait()
        pltpu.async_copy(rb, out_hbm.at[pl.ds(cid * chunk, chunk)], so)

    stage(0, r0, sg0, so0)

    def body(j, _):
      stage(2 * j + 1, r1, sg1, so1)
      drain(2 * j, r0, sg0, so0)
      stage(2 * j + 2, r0, sg0, so0)
      drain(2 * j + 1, r1, sg1, so1)
      return 0

    lax.fori_loop(0, (nk + 1) // 2, body, 0, unroll=False)

    for p, so in ((0, so0), (1, so1)):
      @pl.when((vc + 1 - p) // 2 >= 1)
      def _():
        pltpu.make_async_copy(r0 if p == 0 else r1,
                              out_hbm.at[pl.ds(0, chunk)], so).wait()

  return gather_kernel(table, idx3w)


def _tc_project(nfeat, w):
  def body(nf_ref, w_ref, out_ref):
    out_ref[...] = jnp.dot(nf_ref[...], w_ref[...], precision=_PREC,
                           preferred_element_type=jnp.float32)

  return pl.pallas_call(
      body,
      out_shape=jax.ShapeDtypeStruct((nfeat.shape[0], w.shape[1]), jnp.float32),
  )(nfeat, w)


def _tc_encode(g0, efeat, ts, w_e, w_t, bt, bf, ph, block):
  e = g0.shape[0]
  h = w_t.shape[1]
  grid = e // block

  _c = (1.00000000e+00, -4.99999999e-01, 4.16666642e-02, -1.38888675e-03,
        2.48006914e-05, -2.75369917e-07, 2.06207486e-09, -9.77506520e-12)

  def _fast_cos(x):
    n = jnp.floor(x * jnp.float32(0.15915494309189535) + jnp.float32(0.5))
    r = (x - n * jnp.float32(6.28125)) - n * jnp.float32(0.0019353071795864769)
    s = r * r
    acc = jnp.float32(_c[7])
    for c in _c[6::-1]:
      acc = acc * s + jnp.float32(c)
    return acc

  def body(g_ref, ef_ref, ts_ref, we_ref, wt_ref, bt_ref, bf_ref, ph_ref, out_ref):
    t_col = ts_ref[0].reshape(block, 1)
    te = _fast_cos(t_col * bf_ref[...] + ph_ref[...])
    acc = g_ref[...] + bt_ref[...]
    acc += lax.dot_general(ef_ref[...], we_ref[...],
                           dimension_numbers=(((0,), (0,)), ((), ())),
                           precision=_PREC,
                           preferred_element_type=jnp.float32)
    acc += jnp.dot(te, wt_ref[...], precision=_PREC,
                   preferred_element_type=jnp.float32)
    out_ref[...] = jnp.maximum(acc, 0.0)

  return pl.pallas_call(
      body,
      grid=(grid,),
      in_specs=[
          pl.BlockSpec((block, h), lambda i: (i, 0)),
          pl.BlockSpec((efeat.shape[0], block), lambda i: (0, i)),
          pl.BlockSpec((1, 1, block), lambda i: (i, 0, 0)),
          pl.BlockSpec(w_e.shape, lambda i: (0, 0)),
          pl.BlockSpec(w_t.shape, lambda i: (0, 0)),
          pl.BlockSpec((1, h), lambda i: (0, 0)),
          pl.BlockSpec((1, h), lambda i: (0, 0)),
          pl.BlockSpec((1, h), lambda i: (0, 0)),
      ],
      out_specs=pl.BlockSpec((block, h), lambda i: (i, 0)),
      out_shape=jax.ShapeDtypeStruct((e, h), jnp.float32),
      compiler_params=pltpu.CompilerParams(
          dimension_semantics=("parallel",)),
  )(g0, efeat, ts, w_e, w_t, bt, bf, ph)


def _tc_sage_layer(dst, gsrc, seg_row, ws, wn, b, block):
  e, h = dst.shape
  grid = e // block

  sub = 320
  nsub = block // sub

  def body(dst_ref, gs_ref, sr_ref, ws_ref, wn_ref, b_ref, out_ref,
           carry_sum, carry_cnt, carry_seg):
    @pl.when(pl.program_id(0) == 0)
    def _():
      carry_seg[0] = -1
      carry_cnt[0] = 0.0
      carry_sum[...] = jnp.zeros_like(carry_sum)

    seg_full = sr_ref[0]
    rowid = lax.broadcasted_iota(jnp.int32, (sub, sub), 0)
    colid = lax.broadcasted_iota(jnp.int32, (sub, sub), 1)
    tri = colid <= rowid

    c_sum = carry_sum[...]
    c_cnt = carry_cnt[0]
    c_seg = carry_seg[0]
    aggs = []
    for p in range(nsub):
      seg_r = seg_full[:, p * sub:(p + 1) * sub]
      seg_c = seg_r.reshape(sub, 1)
      mf = (tri & (seg_c == seg_r)).astype(jnp.float32)
      cs = jnp.dot(mf, gs_ref[p * sub:(p + 1) * sub, :], precision=_PREC,
                   preferred_element_type=jnp.float32)
      cntl = jnp.sum(mf, axis=1, keepdims=True)
      fc = (seg_c == c_seg).astype(jnp.float32)
      total = cs + fc * c_sum
      cnt = cntl + fc * c_cnt
      aggs.append(total / cnt)
      c_sum = total[sub - 1:sub, :]
      c_cnt = cnt[sub - 1, 0]
      c_seg = seg_c[sub - 1, 0]

    agg = jnp.concatenate(aggs, axis=0)
    carry_sum[...] = c_sum
    carry_cnt[0] = c_cnt
    carry_seg[0] = c_seg

    acc = jnp.dot(dst_ref[...], ws_ref[...], precision=_PREC,
                  preferred_element_type=jnp.float32)
    acc += jnp.dot(agg, wn_ref[...], precision=_PREC,
                   preferred_element_type=jnp.float32)
    out_ref[...] = jnp.maximum(acc + b_ref[...], 0.0)

  return pl.pallas_call(
      body,
      grid=(grid,),
      in_specs=[
          pl.BlockSpec((block, h), lambda i: (i, 0)),
          pl.BlockSpec((block, h), lambda i: (i, 0)),
          pl.BlockSpec((1, 1, block), lambda i: (i, 0, 0)),
          pl.BlockSpec((h, h), lambda i: (0, 0)),
          pl.BlockSpec((h, h), lambda i: (0, 0)),
          pl.BlockSpec((1, h), lambda i: (0, 0)),
      ],
      out_specs=pl.BlockSpec((block, h), lambda i: (i, 0)),
      out_shape=jax.ShapeDtypeStruct((e, h), jnp.float32),
      scratch_shapes=[
          pltpu.VMEM((1, h), jnp.float32),
          pltpu.SMEM((1,), jnp.float32),
          pltpu.SMEM((1,), jnp.int32),
      ],
      compiler_params=pltpu.CompilerParams(
          dimension_semantics=("arbitrary",)),
  )(dst, gsrc, seg_row, ws, wn, b)


def kernel(nfeat, efeat, timestamp, basis_freq, phase, Wt, bt,
           Ws1, bs1, Wn1, bn1, Ws2, bs2, Wn2, bn2, dst_ids, src_max_eid):
  e = efeat.shape[0]
  f = nfeat.shape[1]
  h = Wt.shape[1]
  ef = efeat.shape[1]

  gchunk = 128
  dst_i = dst_ids.astype(jnp.int32)
  src_i = src_max_eid.astype(jnp.int32)
  nch = e // gchunk
  nk = (nch + _NW - 1) // _NW
  pad = nk * _NW - nch

  def _worker_major(idx):
    idx2d = idx.reshape(nch, gchunk)
    if pad:
      idx2d = jnp.concatenate(
          [idx2d, jnp.zeros((pad, gchunk), jnp.int32)], axis=0)
    return idx2d.reshape(nk, _NW, gchunk).swapaxes(0, 1)

  def _contig_major(idx):
    idx2d = idx.reshape(nch, gchunk)
    if pad:
      idx2d = jnp.concatenate(
          [idx2d, jnp.zeros((pad, gchunk), jnp.int32)], axis=0)
    return idx2d.reshape(_NW, nk, gchunk)

  dst_idx3 = _contig_major(dst_i)
  src_idx3 = _worker_major(src_i)

  wt_u = Wt[:f]
  wt_e = Wt[f:f + ef]
  wt_t = Wt[f + ef:]

  proj = _tc_project(nfeat, wt_u)
  g0 = _sc_gather(proj, dst_idx3, nch, gchunk, contig=True)

  eblk = 3200
  ts3 = timestamp.reshape(e // eblk, 1, eblk)
  ef_t = jnp.swapaxes(efeat, 0, 1)
  dst0 = _tc_encode(g0, ef_t, ts3, wt_e, wt_t,
                    bt.reshape(1, h), basis_freq.reshape(1, h),
                    phase.reshape(1, h), block=eblk)

  sblk = 3200
  seg_row = dst_i.reshape(e // sblk, 1, sblk)

  gsrc0 = _sc_gather(dst0, src_idx3, nch, gchunk)
  dst1 = _tc_sage_layer(dst0, gsrc0, seg_row,
                        Ws1, Wn1, (bs1 + bn1).reshape(1, h), sblk)
  gsrc1 = _sc_gather(dst1, src_idx3, nch, gchunk)
  dst2 = _tc_sage_layer(dst1, gsrc1, seg_row,
                        Ws2, Wn2, (bs2 + bn2).reshape(1, h), sblk)
  src = _sc_gather(dst2, src_idx3, nch, gchunk)
  return (src, dst2)

# --- scband reference (transcript-rebuilt; emitter-appended) ---
"""Pipeline reference for scband-tgraph-sage-35227321762445 (READ-ONLY COPY).

The authoritative reference and input builder live on the scoring server;
editing this copy changes nothing except your own understanding.
"""

import jax, jax.numpy as jnp
import numpy as np

N_NODES = 10000
N_EDGES = 160000
IN_FEATS = 128
EDGE_FEATS = 16
N_HIDDEN = 128


def setup_inputs(seed: int = 0) -> dict:
    key = jax.random.key(seed)
    ks = jax.random.split(key, 12)
    nfeat = jax.random.normal(ks[0], (N_NODES, IN_FEATS), dtype=jnp.float32)
    efeat = jax.random.normal(ks[1], (N_EDGES, EDGE_FEATS), dtype=jnp.float32)
    timestamp = jax.random.uniform(ks[2], (N_EDGES,), dtype=jnp.float32)
    dst_ids = jnp.sort(jax.random.randint(ks[3], (N_EDGES,), 0, N_NODES, dtype=jnp.int32)).astype(jnp.int64)
    src_max_eid = jax.random.randint(ks[4], (N_EDGES,), 0, N_EDGES, dtype=jnp.int32).astype(jnp.int64)
    # TimeEncodingLayer (cosine) params
    basis_freq = jnp.linspace(0.0, 9.0, N_HIDDEN).astype(jnp.float32)
    phase = jnp.zeros((N_HIDDEN,), jnp.float32)
    fan_t = IN_FEATS + EDGE_FEATS + N_HIDDEN
    st = 1.0 / np.sqrt(fan_t)
    Wt = jax.random.uniform(ks[5], (fan_t, N_HIDDEN), jnp.float32, -st, st)
    bt = jnp.zeros((N_HIDDEN,), jnp.float32)
    # FastTSAGEConv layers (mean agg): fc_self + fc_neigh per layer
    sh = 1.0 / np.sqrt(N_HIDDEN)
    Ws1 = jax.random.uniform(ks[6], (N_HIDDEN, N_HIDDEN), jnp.float32, -sh, sh)
    bs1 = jnp.zeros((N_HIDDEN,), jnp.float32)
    Wn1 = jax.random.uniform(ks[7], (N_HIDDEN, N_HIDDEN), jnp.float32, -sh, sh)
    bn1 = jnp.zeros((N_HIDDEN,), jnp.float32)
    Ws2 = jax.random.uniform(ks[8], (N_HIDDEN, N_HIDDEN), jnp.float32, -sh, sh)
    bs2 = jnp.zeros((N_HIDDEN,), jnp.float32)
    Wn2 = jax.random.uniform(ks[9], (N_HIDDEN, N_HIDDEN), jnp.float32, -sh, sh)
    bn2 = jnp.zeros((N_HIDDEN,), jnp.float32)
    return {"nfeat": nfeat, "efeat": efeat, "timestamp": timestamp,
            "basis_freq": basis_freq, "phase": phase, "Wt": Wt, "bt": bt,
            "Ws1": Ws1, "bs1": bs1, "Wn1": Wn1, "bn1": bn1,
            "Ws2": Ws2, "bs2": bs2, "Wn2": Wn2, "bn2": bn2,
            "dst_ids": dst_ids, "src_max_eid": src_max_eid}


def seg_cummean(x, seg):
    # cumulative mean of per-edge features within contiguous (sorted) dst segments
    E = x.shape[0]
    idx = jnp.arange(E)
    is_start = jnp.concatenate([jnp.ones((1,), bool), seg[1:] != seg[:-1]])
    start_idx = jax.lax.associative_scan(jnp.maximum, jnp.where(is_start, idx, 0))
    csum = jnp.cumsum(x, axis=0)
    prev = csum[jnp.maximum(start_idx - 1, 0)]
    base = jnp.where((start_idx > 0)[:, None], prev, jnp.zeros_like(prev))
    cnt = (idx - start_idx + 1).astype(x.dtype)[:, None]
    return (csum - base) / cnt


def reference(nfeat, efeat, timestamp, basis_freq, phase, Wt, bt,
              Ws1, bs1, Wn1, bn1, Ws2, bs2, Wn2, bn2, dst_ids, src_max_eid):
    # combine_feats: dst node feature gathered per edge, concat edge feature
    u = jnp.concatenate([jnp.take(nfeat, dst_ids, axis=0), efeat], axis=1)
    # TimeEncodingLayer (cosine): cos(t * freq + phase), concat, linear, relu
    te = jnp.cos(timestamp[:, None] * basis_freq[None, :] + phase[None, :])
    dst = jax.nn.relu(jnp.concatenate([u, te], axis=1) @ Wt + bt)
    src = jnp.take(dst, src_max_eid, axis=0)
    for (Ws, bs, Wn, bn) in ((Ws1, bs1, Wn1, bn1), (Ws2, bs2, Wn2, bn2)):
        agg = seg_cummean(src, dst_ids)          # temporal mean aggregation per dst segment
        new_dst = dst @ Ws + bs + agg @ Wn + bn  # FastTSAGEConv (mean): fc_self + fc_neigh
        dst = jax.nn.relu(new_dst)               # activation(dropout(.)), dropout p=0
        src = jnp.take(dst, src_max_eid, axis=0)
    return (src, dst)

if __name__ == "__main__":
    import jax
    _d = setup_inputs()
    print(jax.jit(kernel)(*tuple(_d.values())))

</pallas_src>

<mosaic_0001>
#map = affine_map<(d0, d1) -> (0, 0)>
#map1 = affine_map<(d0, d1) -> (0, 0, 0)>
module attributes {stable_mosaic.version = 14 : i64} {
  func.func @gather_kernel(%arg0: i32, %arg1: i32, %arg2: memref<10000x128xf32, #tpu.memory_space<hbm>>, %arg3: memref<32x40x128xi32, #tpu.memory_space<hbm>>, %arg4: memref<160000x128xf32, #tpu.memory_space<hbm>>, %arg5: memref<40x128xi32, #tpu.memory_space<vmem>>, %arg6: memref<128x128xf32, #tpu.memory_space<vmem>>, %arg7: memref<128x128xf32, #tpu.memory_space<vmem>>, %arg8: memref<!tpu.dma_semaphore, #tpu.memory_space<semaphore_mem>>, %arg9: memref<!tpu.dma_semaphore, #tpu.memory_space<semaphore_mem>>, %arg10: memref<!tpu.dma_semaphore, #tpu.memory_space<semaphore_mem>>, %arg11: memref<!tpu.dma_semaphore, #tpu.memory_space<semaphore_mem>>) attributes {dimension_semantics = [#tpu.dimension_semantics<core_parallel>, #tpu.dimension_semantics<subcore_parallel>], iteration_bounds = array<i64: 2, 16>, scalar_prefetch = 0 : i64, scratch_operands = 7 : i64, tpu.core_type = #tpu.core_type<sc_vector_subcore>, window_params = [{transform_indices = #map}, {transform_indices = #map1}, {transform_indices = #map}]} {
    %mul3A = arith.constant 2 : i32
    %mul3A_0 = arith.muli %arg1, %mul3A : i32
    %add3A = arith.addi %mul3A_0, %arg0 : i32
    "tpu.region"() ({
      %run_scoped3A = tpu.sem_alloc : memref<!tpu.dma_semaphore, #tpu.memory_space<semaphore_mem>>
      %dma_start3A = arith.constant 0 : i32
      %dma_start3A_72 = arith.constant 0 : i32
      %dma_start3A_73 = tpu.memref_slice %arg3[%add3A, %dma_start3A, %dma_start3A_72] : memref<32x40x128xi32, #tpu.memory_space<hbm>> -> memref<1x40x128xi32, #tpu.memory_space<hbm>>
      %dma_start3A_74 = tpu.memref_squeeze %dma_start3A_73 : memref<1x40x128xi32, #tpu.memory_space<hbm>> -> memref<40x128xi32, #tpu.memory_space<hbm>>
      %dma_start3A_75 = arith.constant 0 : i32
      %dma_start3A_76 = arith.constant 0 : i32
      %dma_start3A_77 = tpu.memref_slice %arg3[%add3A, %dma_start3A_75, %dma_start3A_76] : memref<32x40x128xi32, #tpu.memory_space<hbm>> -> memref<1x40x128xi32, #tpu.memory_space<hbm>>
      %dma_start3A_78 = tpu.memref_squeeze %dma_start3A_77 : memref<1x40x128xi32, #tpu.memory_space<hbm>> -> memref<40x128xi32, #tpu.memory_space<hbm>>
      tpu.enqueue_dma source(%dma_start3A_78 : memref<40x128xi32, #tpu.memory_space<hbm>>) target(%arg5 : memref<40x128xi32, #tpu.memory_space<vmem>>) target_semaphore(%run_scoped3A : memref<!tpu.dma_semaphore, #tpu.memory_space<semaphore_mem>>)
      %dma_wait3A = arith.constant 0 : i32
      %dma_wait3A_79 = arith.constant 0 : i32
      %dma_wait3A_80 = tpu.memref_slice %arg3[%add3A, %dma_wait3A, %dma_wait3A_79] : memref<32x40x128xi32, #tpu.memory_space<hbm>> -> memref<1x40x128xi32, #tpu.memory_space<hbm>>
      %dma_wait3A_81 = tpu.memref_squeeze %dma_wait3A_80 : memref<1x40x128xi32, #tpu.memory_space<hbm>> -> memref<40x128xi32, #tpu.memory_space<hbm>>
      %dma_wait3A_82 = arith.constant 0 : i32
      %dma_wait3A_83 = arith.constant 0 : i32
      %dma_wait3A_84 = tpu.memref_slice %arg3[%add3A, %dma_wait3A_82, %dma_wait3A_83] : memref<32x40x128xi32, #tpu.memory_space<hbm>> -> memref<1x40x128xi32, #tpu.memory_space<hbm>>
      %dma_wait3A_85 = tpu.memref_squeeze %dma_wait3A_84 : memref<1x40x128xi32, #tpu.memory_space<hbm>> -> memref<40x128xi32, #tpu.memory_space<hbm>>
      tpu.wait_dma2 semaphore(%run_scoped3A : memref<!tpu.dma_semaphore, #tpu.memory_space<semaphore_mem>>) src(%dma_wait3A_85 : memref<40x128xi32, #tpu.memory_space<hbm>>) dst(%arg5 : memref<40x128xi32, #tpu.memory_space<vmem>>)
      tpu.yield
    }) : () -> ()
    %mul3A_1 = arith.constant 40 : i32
    %mul3A_2 = arith.muli %add3A, %mul3A_1 : i32
    %sub3A = arith.constant 1250 : i32
    %sub3A_3 = arith.subi %sub3A, %mul3A_2 : i32
    %jit3A = arith.constant 0 : i32
    %jit3A_4 = arith.constant 40 : i32
    %max3A = arith.maxsi %jit3A, %sub3A_3 : i32
    %min3A = arith.minsi %jit3A_4, %max3A : i32
    %gt3A = arith.constant 0 : i32
    %gt3A_5 = arith.cmpi sgt, %min3A, %gt3A : i32
    %convert_element_type3A = arith.extui %gt3A_5 : i1 to i32
    %cond3A = arith.constant 0 : i32
    %cond3A_6 = arith.cmpi ne, %convert_element_type3A, %cond3A : i32
    scf.if %cond3A_6 {
      %dma_start3A = arith.constant 0 : i32
      %dma_start3A_72 = arith.constant 0 : i32
      %dma_start3A_73 = tpu.memref_slice %arg5[%dma_start3A, %dma_start3A_72] : memref<40x128xi32, #tpu.memory_space<vmem>> -> memref<1x128xi32, #tpu.memory_space<vmem>>
      %dma_start3A_74 = tpu.memref_squeeze %dma_start3A_73 : memref<1x128xi32, #tpu.memory_space<vmem>> -> memref<128xi32, #tpu.memory_space<vmem>>
      %dma_start3A_75 = arith.constant 0 : i32
      %dma_start3A_76 = arith.constant 0 : i32
      %dma_start3A_77 = tpu.memref_slice %arg2[%dma_start3A_75, %dma_start3A_76] : memref<10000x128xf32, #tpu.memory_space<hbm>> -> memref<10000x128xf32, #tpu.memory_space<hbm>>
      tpu.enqueue_indirect_dma source(%dma_start3A_77 : memref<10000x128xf32, #tpu.memory_space<hbm>>) target(%arg6 : memref<128x128xf32, #tpu.memory_space<vmem>>) offsets(%dma_start3A_74 : memref<128xi32, #tpu.memory_space<vmem>>) semaphore(%arg8 : memref<!tpu.dma_semaphore, #tpu.memory_space<semaphore_mem>>)
    } else {
    }
    %scan3A = arith.constant 0 : i32
    %scan3A_7 = arith.constant 0 : i32
    %scan3A_8 = arith.constant 20 : i32
    %scan3A_9 = arith.addi %scan3A_7, %scan3A_8 : i32
    %scan3A_10 = arith.constant 1 : i32
    %scan3A_11 = scf.for %scan3A_72 = %scan3A_7 to %scan3A_9 step %scan3A_10 iter_args(%scan3A_73 = %scan3A) -> (i32)  : i32 {
      %mul3A_74 = arith.constant 2 : i32
      %mul3A_75 = arith.muli %mul3A_74, %scan3A_72 : i32
      %add3A_76 = arith.constant 1 : i32
      %add3A_77 = arith.addi %mul3A_75, %add3A_76 : i32
      %lt3A = arith.cmpi slt, %add3A_77, %min3A : i32
      %convert_element_type3A_78 = arith.extui %lt3A : i1 to i32
      %cond3A_79 = arith.constant 0 : i32
      %cond3A_80 = arith.cmpi ne, %convert_element_type3A_78, %cond3A_79 : i32
      scf.if %cond3A_80 {
        %ge3A_110 = arith.constant 2 : i32
        %ge3A_111 = arith.cmpi sge, %add3A_77, %ge3A_110 : i32
        %convert_element_type3A_112 = arith.extui %ge3A_111 : i1 to i32
        %cond3A_113 = arith.constant 0 : i32
        %cond3A_114 = arith.cmpi ne, %convert_element_type3A_112, %cond3A_113 : i32
        scf.if %cond3A_114 {
          %dma_wait3A = arith.constant 0 : i32
          %dma_wait3A_120 = arith.constant 0 : i32
          %dma_wait3A_121 = tpu.memref_slice %arg4[%dma_wait3A, %dma_wait3A_120] : memref<160000x128xf32, #tpu.memory_space<hbm>> -> memref<128x128xf32, #tpu.memory_space<hbm>>
          %dma_wait3A_122 = arith.constant 0 : i32
          %dma_wait3A_123 = arith.constant 0 : i32
          %dma_wait3A_124 = tpu.memref_slice %arg4[%dma_wait3A_122, %dma_wait3A_123] : memref<160000x128xf32, #tpu.memory_space<hbm>> -> memref<128x128xf32, #tpu.memory_space<hbm>>
          tpu.wait_dma2 semaphore(%arg11 : memref<!tpu.dma_semaphore, #tpu.memory_space<semaphore_mem>>) src(%arg7 : memref<128x128xf32, #tpu.memory_space<vmem>>) dst(%dma_wait3A_124 : memref<128x128xf32, #tpu.memory_space<hbm>>)
        } else {
        }
        %dma_start3A = arith.constant 0 : i32
        %dma_start3A_115 = tpu.memref_slice %arg5[%add3A_77, %dma_start3A] : memref<40x128xi32, #tpu.memory_space<vmem>> -> memref<1x128xi32, #tpu.memory_space<vmem>>
        %dma_start3A_116 = tpu.memref_squeeze %dma_start3A_115 : memref<1x128xi32, #tpu.memory_space<vmem>> -> memref<128xi32, #tpu.memory_space<vmem>>
        %dma_start3A_117 = arith.constant 0 : i32
        %dma_start3A_118 = arith.constant 0 : i32
        %dma_start3A_119 = tpu.memref_slice %arg2[%dma_start3A_117, %dma_start3A_118] : memref<10000x128xf32, #tpu.memory_space<hbm>> -> memref<10000x128xf32, #tpu.memory_space<hbm>>
        tpu.enqueue_indirect_dma source(%dma_start3A_119 : memref<10000x128xf32, #tpu.memory_space<hbm>>) target(%arg7 : memref<128x128xf32, #tpu.memory_space<vmem>>) offsets(%dma_start3A_116 : memref<128xi32, #tpu.memory_space<vmem>>) semaphore(%arg9 : memref<!tpu.dma_semaphore, #tpu.memory_space<semaphore_mem>>)
      } else {
      }
      %mul3A_81 = arith.constant 2 : i32
      %mul3A_82 = arith.muli %mul3A_81, %scan3A_72 : i32
      %mul3A_83 = arith.constant 40 : i32
      %mul3A_84 = arith.muli %add3A, %mul3A_83 : i32
      %add3A_85 = arith.addi %mul3A_84, %mul3A_82 : i32
      %lt3A_86 = arith.cmpi slt, %mul3A_82, %min3A : i32
      %convert_element_type3A_87 = arith.extui %lt3A_86 : i1 to i32
      %cond3A_88 = arith.constant 0 : i32
      %cond3A_89 = arith.cmpi ne, %convert_element_type3A_87, %cond3A_88 : i32
      scf.if %cond3A_89 {
        %dma_wait3A = arith.constant 0 : i32
        %dma_wait3A_110 = tpu.memref_slice %arg5[%mul3A_82, %dma_wait3A] : memref<40x128xi32, #tpu.memory_space<vmem>> -> memref<1x128xi32, #tpu.memory_space<vmem>>
        %dma_wait3A_111 = tpu.memref_squeeze %dma_wait3A_110 : memref<1x128xi32, #tpu.memory_space<vmem>> -> memref<128xi32, #tpu.memory_space<vmem>>
        %dma_wait3A_112 = arith.constant 0 : i32
        %dma_wait3A_113 = arith.constant 0 : i32
        %dma_wait3A_114 = tpu.memref_slice %arg2[%dma_wait3A_112, %dma_wait3A_113] : memref<10000x128xf32, #tpu.memory_space<hbm>> -> memref<10000x128xf32, #tpu.memory_space<hbm>>
        tpu.wait_indirect_dma semaphore(%arg8 : memref<!tpu.dma_semaphore, #tpu.memory_space<semaphore_mem>>) src(%dma_wait3A_114 : memref<10000x128xf32, #tpu.memory_space<hbm>>) dst(%arg6 : memref<128x128xf32, #tpu.memory_space<vmem>>)
        %mul3A_115 = arith.constant 128 : i32
        %mul3A_116 = arith.muli %add3A_85, %mul3A_115 : i32
        %dma_start3A = arith.constant 0 : i32
        %dma_start3A_117 = tpu.memref_slice %arg4[%mul3A_116, %dma_start3A] : memref<160000x128xf32, #tpu.memory_space<hbm>> -> memref<128x128xf32, #tpu.memory_space<hbm>>
        %dma_start3A_118 = arith.constant 0 : i32
        %dma_start3A_119 = tpu.memref_slice %arg4[%mul3A_116, %dma_start3A_118] : memref<160000x128xf32, #tpu.memory_space<hbm>> -> memref<128x128xf32, #tpu.memory_space<hbm>>
        tpu.enqueue_dma source(%arg6 : memref<128x128xf32, #tpu.memory_space<vmem>>) target(%dma_start3A_119 : memref<128x128xf32, #tpu.memory_space<hbm>>) target_semaphore(%arg10 : memref<!tpu.dma_semaphore, #tpu.memory_space<semaphore_mem>>)
      } else {
      }
      %mul3A_90 = arith.constant 2 : i32
      %mul3A_91 = arith.muli %mul3A_90, %scan3A_72 : i32
      %add3A_92 = arith.constant 2 : i32
      %add3A_93 = arith.addi %mul3A_91, %add3A_92 : i32
      %lt3A_94 = arith.cmpi slt, %add3A_93, %min3A : i32
      %convert_element_type3A_95 = arith.extui %lt3A_94 : i1 to i32
      %cond3A_96 = arith.constant 0 : i32
      %cond3A_97 = arith.cmpi ne, %convert_element_type3A_95, %cond3A_96 : i32
      scf.if %cond3A_97 {
        %ge3A_110 = arith.constant 2 : i32
        %ge3A_111 = arith.cmpi sge, %add3A_93, %ge3A_110 : i32
        %convert_element_type3A_112 = arith.extui %ge3A_111 : i1 to i32
        %cond3A_113 = arith.constant 0 : i32
        %cond3A_114 = arith.cmpi ne, %convert_element_type3A_112, %cond3A_113 : i32
        scf.if %cond3A_114 {
          %dma_wait3A = arith.constant 0 : i32
          %dma_wait3A_120 = arith.constant 0 : i32
          %dma_wait3A_121 = tpu.memref_slice %arg4[%dma_wait3A, %dma_wait3A_120] : memref<160000x128xf32, #tpu.memory_space<hbm>> -> memref<128x128xf32, #tpu.memory_space<hbm>>
          %dma_wait3A_122 = arith.constant 0 : i32
          %dma_wait3A_123 = arith.constant 0 : i32
          %dma_wait3A_124 = tpu.memref_slice %arg4[%dma_wait3A_122, %dma_wait3A_123] : memref<160000x128xf32, #tpu.memory_space<hbm>> -> memref<128x128xf32, #tpu.memory_space<hbm>>
          tpu.wait_dma2 semaphore(%arg10 : memref<!tpu.dma_semaphore, #tpu.memory_space<semaphore_mem>>) src(%arg6 : memref<128x128xf32, #tpu.memory_space<vmem>>) dst(%dma_wait3A_124 : memref<128x128xf32, #tpu.memory_space<hbm>>)
        } else {
        }
        %dma_start3A = arith.constant 0 : i32
        %dma_start3A_115 = tpu.memref_slice %arg5[%add3A_93, %dma_start3A] : memref<40x128xi32, #tpu.memory_space<vmem>> -> memref<1x128xi32, #tpu.memory_space<vmem>>
        %dma_start3A_116 = tpu.memref_squeeze %dma_start3A_115 : memref<1x128xi32, #tpu.memory_space<vmem>> -> memref<128xi32, #tpu.memory_space<vmem>>
        %dma_start3A_117 = arith.constant 0 : i32
        %dma_start3A_118 = arith.constant 0 : i32
        %dma_start3A_119 = tpu.memref_slice %arg2[%dma_start3A_117, %dma_start3A_118] : memref<10000x128xf32, #tpu.memory_space<hbm>> -> memref<10000x128xf32, #tpu.memory_space<hbm>>
        tpu.enqueue_indirect_dma source(%dma_start3A_119 : memref<10000x128xf32, #tpu.memory_space<hbm>>) target(%arg6 : memref<128x128xf32, #tpu.memory_space<vmem>>) offsets(%dma_start3A_116 : memref<128xi32, #tpu.memory_space<vmem>>) semaphore(%arg8 : memref<!tpu.dma_semaphore, #tpu.memory_space<semaphore_mem>>)
      } else {
      }
      %mul3A_98 = arith.constant 2 : i32
      %mul3A_99 = arith.muli %mul3A_98, %scan3A_72 : i32
      %add3A_100 = arith.constant 1 : i32
      %add3A_101 = arith.addi %mul3A_99, %add3A_100 : i32
      %mul3A_102 = arith.constant 40 : i32
      %mul3A_103 = arith.muli %add3A, %mul3A_102 : i32
      %add3A_104 = arith.addi %mul3A_103, %add3A_101 : i32
      %lt3A_105 = arith.cmpi slt, %add3A_101, %min3A : i32
      %convert_element_type3A_106 = arith.extui %lt3A_105 : i1 to i32
      %cond3A_107 = arith.constant 0 : i32
      %cond3A_108 = arith.cmpi ne, %convert_element_type3A_106, %cond3A_107 : i32
      scf.if %cond3A_108 {
        %dma_wait3A = arith.constant 0 : i32
        %dma_wait3A_110 = tpu.memref_slice %arg5[%add3A_101, %dma_wait3A] : memref<40x128xi32, #tpu.memory_space<vmem>> -> memref<1x128xi32, #tpu.memory_space<vmem>>
        %dma_wait3A_111 = tpu.memref_squeeze %dma_wait3A_110 : memref<1x128xi32, #tpu.memory_space<vmem>> -> memref<128xi32, #tpu.memory_space<vmem>>
        %dma_wait3A_112 = arith.constant 0 : i32
        %dma_wait3A_113 = arith.constant 0 : i32
        %dma_wait3A_114 = tpu.memref_slice %arg2[%dma_wait3A_112, %dma_wait3A_113] : memref<10000x128xf32, #tpu.memory_space<hbm>> -> memref<10000x128xf32, #tpu.memory_space<hbm>>
        tpu.wait_indirect_dma semaphore(%arg9 : memref<!tpu.dma_semaphore, #tpu.memory_space<semaphore_mem>>) src(%dma_wait3A_114 : memref<10000x128xf32, #tpu.memory_space<hbm>>) dst(%arg7 : memref<128x128xf32, #tpu.memory_space<vmem>>)
        %mul3A_115 = arith.constant 128 : i32
        %mul3A_116 = arith.muli %add3A_104, %mul3A_115 : i32
        %dma_start3A = arith.constant 0 : i32
        %dma_start3A_117 = tpu.memref_slice %arg4[%mul3A_116, %dma_start3A] : memref<160000x128xf32, #tpu.memory_space<hbm>> -> memref<128x128xf32, #tpu.memory_space<hbm>>
        %dma_start3A_118 = arith.constant 0 : i32
        %dma_start3A_119 = tpu.memref_slice %arg4[%mul3A_116, %dma_start3A_118] : memref<160000x128xf32, #tpu.memory_space<hbm>> -> memref<128x128xf32, #tpu.memory_space<hbm>>
        tpu.enqueue_dma source(%arg7 : memref<128x128xf32, #tpu.memory_space<vmem>>) target(%dma_start3A_119 : memref<128x128xf32, #tpu.memory_space<hbm>>) target_semaphore(%arg11 : memref<!tpu.dma_semaphore, #tpu.memory_space<semaphore_mem>>)
      } else {
      }
      %scan3A_109 = arith.constant 0 : i32
      scf.yield %scan3A_109 : i32
    }
    %scan3A_12 = arith.constant 20 : i32
    %add3A_13 = arith.constant 1 : i32
    %add3A_14 = arith.addi %min3A, %add3A_13 : i32
    %sub3A_15 = arith.constant 0 : i32
    %sub3A_16 = arith.subi %add3A_14, %sub3A_15 : i32
    %jit3A_17 = arith.constant 2 : i32
    %div3A = arith.divsi %sub3A_16, %jit3A_17 : i32
    %sign3A = arith.constant 0 : i32
    %sign3A_18 = arith.cmpi sgt, %sub3A_16, %sign3A : i32
    %sign3A_19 = arith.extui %sign3A_18 : i1 to i32
    %sign3A_20 = arith.constant 0 : i32
    %sign3A_21 = arith.cmpi slt, %sub3A_16, %sign3A_20 : i32
    %sign3A_22 = arith.extui %sign3A_21 : i1 to i32
    %sign3A_23 = arith.subi %sign3A_19, %sign3A_22 : i32
    %sign3A_24 = arith.constant 0 : i32
    %sign3A_25 = arith.cmpi sgt, %jit3A_17, %sign3A_24 : i32
    %sign3A_26 = arith.extui %sign3A_25 : i1 to i32
    %sign3A_27 = arith.constant 0 : i32
    %sign3A_28 = arith.cmpi slt, %jit3A_17, %sign3A_27 : i32
    %sign3A_29 = arith.extui %sign3A_28 : i1 to i32
    %sign3A_30 = arith.subi %sign3A_26, %sign3A_29 : i32
    %ne3A = arith.cmpi ne, %sign3A_23, %sign3A_30 : i32
    %rem3A = arith.remsi %sub3A_16, %jit3A_17 : i32
    %ne3A_31 = arith.constant 0 : i32
    %ne3A_32 = arith.cmpi ne, %rem3A, %ne3A_31 : i32
    %and3A = arith.andi %ne3A, %ne3A_32 : i1
    %sub3A_33 = arith.constant 1 : i32
    %sub3A_34 = arith.subi %div3A, %sub3A_33 : i32
    %select_n3A = arith.select %and3A, %sub3A_34, %div3A : i32
    %ge3A = arith.constant 1 : i32
    %ge3A_35 = arith.cmpi sge, %select_n3A, %ge3A : i32
    %convert_element_type3A_36 = arith.extui %ge3A_35 : i1 to i32
    %cond3A_37 = arith.constant 0 : i32
    %cond3A_38 = arith.cmpi ne, %convert_element_type3A_36, %cond3A_37 : i32
    scf.if %cond3A_38 {
      %dma_wait3A = arith.constant 0 : i32
      %dma_wait3A_72 = arith.constant 0 : i32
      %dma_wait3A_73 = tpu.memref_slice %arg4[%dma_wait3A, %dma_wait3A_72] : memref<160000x128xf32, #tpu.memory_space<hbm>> -> memref<128x128xf32, #tpu.memory_space<hbm>>
      %dma_wait3A_74 = arith.constant 0 : i32
      %dma_wait3A_75 = arith.constant 0 : i32
      %dma_wait3A_76 = tpu.memref_slice %arg4[%dma_wait3A_74, %dma_wait3A_75] : memref<160000x128xf32, #tpu.memory_space<hbm>> -> memref<128x128xf32, #tpu.memory_space<hbm>>
      tpu.wait_dma2 semaphore(%arg10 : memref<!tpu.dma_semaphore, #tpu.memory_space<semaphore_mem>>) src(%arg6 : memref<128x128xf32, #tpu.memory_space<vmem>>) dst(%dma_wait3A_76 : memref<128x128xf32, #tpu.memory_space<hbm>>)
    } else {
    }
    %add3A_39 = arith.constant 1 : i32
    %add3A_40 = arith.addi %min3A, %add3A_39 : i32
    %sub3A_41 = arith.constant 1 : i32
    %sub3A_42 = arith.subi %add3A_40, %sub3A_41 : i32
    %jit3A_43 = arith.constant 2 : i32
    %div3A_44 = arith.divsi %sub3A_42, %jit3A_43 : i32
    %sign3A_45 = arith.constant 0 : i32
    %sign3A_46 = arith.cmpi sgt, %sub3A_42, %sign3A_45 : i32
    %sign3A_47 = arith.extui %sign3A_46 : i1 to i32
    %sign3A_48 = arith.constant 0 : i32
    %sign3A_49 = arith.cmpi slt, %sub3A_42, %sign3A_48 : i32
    %sign3A_50 = arith.extui %sign3A_49 : i1 to i32
    %sign3A_51 = arith.subi %sign3A_47, %sign3A_50 : i32
    %sign3A_52 = arith.constant 0 : i32
    %sign3A_53 = arith.cmpi sgt, %jit3A_43, %sign3A_52 : i32
    %sign3A_54 = arith.extui %sign3A_53 : i1 to i32
    %sign3A_55 = arith.constant 0 : i32
    %sign3A_56 = arith.cmpi slt, %jit3A_43, %sign3A_55 : i32
    %sign3A_57 = arith.extui %sign3A_56 : i1 to i32
    %sign3A_58 = arith.subi %sign3A_54, %sign3A_57 : i32
    %ne3A_59 = arith.cmpi ne, %sign3A_51, %sign3A_58 : i32
    %rem3A_60 = arith.remsi %sub3A_42, %jit3A_43 : i32
    %ne3A_61 = arith.constant 0 : i32
    %ne3A_62 = arith.cmpi ne, %rem3A_60, %ne3A_61 : i32
    %and3A_63 = arith.andi %ne3A_59, %ne3A_62 : i1
    %sub3A_64 = arith.constant 1 : i32
    %sub3A_65 = arith.subi %div3A_44, %sub3A_64 : i32
    %select_n3A_66 = arith.select %and3A_63, %sub3A_65, %div3A_44 : i32
    %ge3A_67 = arith.constant 1 : i32
    %ge3A_68 = arith.cmpi sge, %select_n3A_66, %ge3A_67 : i32
    %convert_element_type3A_69 = arith.extui %ge3A_68 : i1 to i32
    %cond3A_70 = arith.constant 0 : i32
    %cond3A_71 = arith.cmpi ne, %convert_element_type3A_69, %cond3A_70 : i32
    scf.if %cond3A_71 {
      %dma_wait3A = arith.constant 0 : i32
      %dma_wait3A_72 = arith.constant 0 : i32
      %dma_wait3A_73 = tpu.memref_slice %arg4[%dma_wait3A, %dma_wait3A_72] : memref<160000x128xf32, #tpu.memory_space<hbm>> -> memref<128x128xf32, #tpu.memory_space<hbm>>
      %dma_wait3A_74 = arith.constant 0 : i32
      %dma_wait3A_75 = arith.constant 0 : i32
      %dma_wait3A_76 = tpu.memref_slice %arg4[%dma_wait3A_74, %dma_wait3A_75] : memref<160000x128xf32, #tpu.memory_space<hbm>> -> memref<128x128xf32, #tpu.memory_space<hbm>>
      tpu.wait_dma2 semaphore(%arg11 : memref<!tpu.dma_semaphore, #tpu.memory_space<semaphore_mem>>) src(%arg7 : memref<128x128xf32, #tpu.memory_space<vmem>>) dst(%dma_wait3A_76 : memref<128x128xf32, #tpu.memory_space<hbm>>)
    } else {
    }
    return
  }
}

#map = affine_map<(d0, d1) -> (0, 0)>
#map1 = affine_map<(d0, d1) -> (0, 0, 0)>
module attributes {stable_mosaic.version = 14 : i64} {
  func.func @gather_kernel(%arg0: i32, %arg1: i32, %arg2: memref<160000x128xf32, #tpu.memory_space<hbm>>, %arg3: memref<32x40x128xi32, #tpu.memory_space<hbm>>, %arg4: memref<160000x128xf32, #tpu.memory_space<hbm>>, %arg5: memref<40x128xi32, #tpu.memory_space<vmem>>, %arg6: memref<128x128xf32, #tpu.memory_space<vmem>>, %arg7: memref<128x128xf32, #tpu.memory_space<vmem>>, %arg8: memref<!tpu.dma_semaphore, #tpu.memory_space<semaphore_mem>>, %arg9: memref<!tpu.dma_semaphore, #tpu.memory_space<semaphore_mem>>, %arg10: memref<!tpu.dma_semaphore, #tpu.memory_space<semaphore_mem>>, %arg11: memref<!tpu.dma_semaphore, #tpu.memory_space<semaphore_mem>>) attributes {dimension_semantics = [#tpu.dimension_semantics<core_parallel>, #tpu.dimension_semantics<subcore_parallel>], iteration_bounds = array<i64: 2, 16>, scalar_prefetch = 0 : i64, scratch_operands = 7 : i64, tpu.core_type = #tpu.core_type<sc_vector_subcore>, window_params = [{transform_indices = #map}, {transform_indices = #map1}, {transform_indices = #map}]} {
    %mul3A = arith.constant 2 : i32
    %mul3A_0 = arith.muli %arg1, %mul3A : i32
    %add3A = arith.addi %mul3A_0, %arg0 : i32
    "tpu.region"() ({
      %run_scoped3A = tpu.sem_alloc : memref<!tpu.dma_semaphore, #tpu.memory_space<semaphore_mem>>
      %dma_start3A = arith.constant 0 : i32
      %dma_start3A_96 = arith.constant 0 : i32
      %dma_start3A_97 = tpu.memref_slice %arg3[%add3A, %dma_start3A, %dma_start3A_96] : memref<32x40x128xi32, #tpu.memory_space<hbm>> -> memref<1x40x128xi32, #tpu.memory_space<hbm>>
      %dma_start3A_98 = tpu.memref_squeeze %dma_start3A_97 : memref<1x40x128xi32, #tpu.memory_space<hbm>> -> memref<40x128xi32, #tpu.memory_space<hbm>>
      %dma_start3A_99 = arith.constant 0 : i32
      %dma_start3A_100 = arith.constant 0 : i32
      %dma_start3A_101 = tpu.memref_slice %arg3[%add3A, %dma_start3A_99, %dma_start3A_100] : memref<32x40x128xi32, #tpu.memory_space<hbm>> -> memref<1x40x128xi32, #tpu.memory_space<hbm>>
      %dma_start3A_102 = tpu.memref_squeeze %dma_start3A_101 : memref<1x40x128xi32, #tpu.memory_space<hbm>> -> memref<40x128xi32, #tpu.memory_space<hbm>>
      tpu.enqueue_dma source(%dma_start3A_102 : memref<40x128xi32, #tpu.memory_space<hbm>>) target(%arg5 : memref<40x128xi32, #tpu.memory_space<vmem>>) target_semaphore(%run_scoped3A : memref<!tpu.dma_semaphore, #tpu.memory_space<semaphore_mem>>)
      %dma_wait3A = arith.constant 0 : i32
      %dma_wait3A_103 = arith.constant 0 : i32
      %dma_wait3A_104 = tpu.memref_slice %arg3[%add3A, %dma_wait3A, %dma_wait3A_103] : memref<32x40x128xi32, #tpu.memory_space<hbm>> -> memref<1x40x128xi32, #tpu.memory_space<hbm>>
      %dma_wait3A_105 = tpu.memref_squeeze %dma_wait3A_104 : memref<1x40x128xi32, #tpu.memory_space<hbm>> -> memref<40x128xi32, #tpu.memory_space<hbm>>
      %dma_wait3A_106 = arith.constant 0 : i32
      %dma_wait3A_107 = arith.constant 0 : i32
      %dma_wait3A_108 = tpu.memref_slice %arg3[%add3A, %dma_wait3A_106, %dma_wait3A_107] : memref<32x40x128xi32, #tpu.memory_space<hbm>> -> memref<1x40x128xi32, #tpu.memory_space<hbm>>
      %dma_wait3A_109 = tpu.memref_squeeze %dma_wait3A_108 : memref<1x40x128xi32, #tpu.memory_space<hbm>> -> memref<40x128xi32, #tpu.memory_space<hbm>>
      tpu.wait_dma2 semaphore(%run_scoped3A : memref<!tpu.dma_semaphore, #tpu.memory_space<semaphore_mem>>) src(%dma_wait3A_109 : memref<40x128xi32, #tpu.memory_space<hbm>>) dst(%arg5 : memref<40x128xi32, #tpu.memory_space<vmem>>)
      tpu.yield
    }) : () -> ()
    %sub3A = arith.constant 1250 : i32
    %sub3A_1 = arith.subi %sub3A, %add3A : i32
    %add3A_2 = arith.constant 32 : i32
    %add3A_3 = arith.addi %sub3A_1, %add3A_2 : i32
    %sub3A_4 = arith.constant 1 : i32
    %sub3A_5 = arith.subi %add3A_3, %sub3A_4 : i32
    %jit3A = arith.constant 32 : i32
    %div3A = arith.divsi %sub3A_5, %jit3A : i32
    %sign3A = arith.constant 0 : i32
    %sign3A_6 = arith.cmpi sgt, %sub3A_5, %sign3A : i32
    %sign3A_7 = arith.extui %sign3A_6 : i1 to i32
    %sign3A_8 = arith.constant 0 : i32
    %sign3A_9 = arith.cmpi slt, %sub3A_5, %sign3A_8 : i32
    %sign3A_10 = arith.extui %sign3A_9 : i1 to i32
    %sign3A_11 = arith.subi %sign3A_7, %sign3A_10 : i32
    %sign3A_12 = arith.constant 0 : i32
    %sign3A_13 = arith.cmpi sgt, %jit3A, %sign3A_12 : i32
    %sign3A_14 = arith.extui %sign3A_13 : i1 to i32
    %sign3A_15 = arith.constant 0 : i32
    %sign3A_16 = arith.cmpi slt, %jit3A, %sign3A_15 : i32
    %sign3A_17 = arith.extui %sign3A_16 : i1 to i32
    %sign3A_18 = arith.subi %sign3A_14, %sign3A_17 : i32
    %ne3A = arith.cmpi ne, %sign3A_11, %sign3A_18 : i32
    %rem3A = arith.remsi %sub3A_5, %jit3A : i32
    %ne3A_19 = arith.constant 0 : i32
    %ne3A_20 = arith.cmpi ne, %rem3A, %ne3A_19 : i32
    %and3A = arith.andi %ne3A, %ne3A_20 : i1
    %sub3A_21 = arith.constant 1 : i32
    %sub3A_22 = arith.subi %div3A, %sub3A_21 : i32
    %select_n3A = arith.select %and3A, %sub3A_22, %div3A : i32
    %gt3A = arith.constant 0 : i32
    %gt3A_23 = arith.cmpi sgt, %select_n3A, %gt3A : i32
    %convert_element_type3A = arith.extui %gt3A_23 : i1 to i32
    %cond3A = arith.constant 0 : i32
    %cond3A_24 = arith.cmpi ne, %convert_element_type3A, %cond3A : i32
    scf.if %cond3A_24 {
      %dma_start3A = arith.constant 0 : i32
      %dma_start3A_96 = arith.constant 0 : i32
      %dma_start3A_97 = tpu.memref_slice %arg5[%dma_start3A, %dma_start3A_96] : memref<40x128xi32, #tpu.memory_space<vmem>> -> memref<1x128xi32, #tpu.memory_space<vmem>>
      %dma_start3A_98 = tpu.memref_squeeze %dma_start3A_97 : memref<1x128xi32, #tpu.memory_space<vmem>> -> memref<128xi32, #tpu.memory_space<vmem>>
      %dma_start3A_99 = arith.constant 0 : i32
      %dma_start3A_100 = arith.constant 0 : i32
      %dma_start3A_101 = tpu.memref_slice %arg2[%dma_start3A_99, %dma_start3A_100] : memref<160000x128xf32, #tpu.memory_space<hbm>> -> memref<160000x128xf32, #tpu.memory_space<hbm>>
      tpu.enqueue_indirect_dma source(%dma_start3A_101 : memref<160000x128xf32, #tpu.memory_space<hbm>>) target(%arg6 : memref<128x128xf32, #tpu.memory_space<vmem>>) offsets(%dma_start3A_98 : memref<128xi32, #tpu.memory_space<vmem>>) semaphore(%arg8 : memref<!tpu.dma_semaphore, #tpu.memory_space<semaphore_mem>>)
    } else {
    }
    %scan3A = arith.constant 0 : i32
    %scan3A_25 = arith.constant 0 : i32
    %scan3A_26 = arith.constant 20 : i32
    %scan3A_27 = arith.addi %scan3A_25, %scan3A_26 : i32
    %scan3A_28 = arith.constant 1 : i32
    %scan3A_29 = scf.for %scan3A_96 = %scan3A_25 to %scan3A_27 step %scan3A_28 iter_args(%scan3A_97 = %scan3A) -> (i32)  : i32 {
      %mul3A_98 = arith.constant 2 : i32
      %mul3A_99 = arith.muli %mul3A_98, %scan3A_96 : i32
      %add3A_100 = arith.constant 1 : i32
      %add3A_101 = arith.addi %mul3A_99, %add3A_100 : i32
      %lt3A = arith.cmpi slt, %add3A_101, %select_n3A : i32
      %convert_element_type3A_102 = arith.extui %lt3A : i1 to i32
      %cond3A_103 = arith.constant 0 : i32
      %cond3A_104 = arith.cmpi ne, %convert_element_type3A_102, %cond3A_103 : i32
      scf.if %cond3A_104 {
        %ge3A_134 = arith.constant 2 : i32
        %ge3A_135 = arith.cmpi sge, %add3A_101, %ge3A_134 : i32
        %convert_element_type3A_136 = arith.extui %ge3A_135 : i1 to i32
        %cond3A_137 = arith.constant 0 : i32
        %cond3A_138 = arith.cmpi ne, %convert_element_type3A_136, %cond3A_137 : i32
        scf.if %cond3A_138 {
          %dma_wait3A = arith.constant 0 : i32
          %dma_wait3A_144 = arith.constant 0 : i32
          %dma_wait3A_145 = tpu.memref_slice %arg4[%dma_wait3A, %dma_wait3A_144] : memref<160000x128xf32, #tpu.memory_space<hbm>> -> memref<128x128xf32, #tpu.memory_space<hbm>>
          %dma_wait3A_146 = arith.constant 0 : i32
          %dma_wait3A_147 = arith.constant 0 : i32
          %dma_wait3A_148 = tpu.memref_slice %arg4[%dma_wait3A_146, %dma_wait3A_147] : memref<160000x128xf32, #tpu.memory_space<hbm>> -> memref<128x128xf32, #tpu.memory_space<hbm>>
          tpu.wait_dma2 semaphore(%arg11 : memref<!tpu.dma_semaphore, #tpu.memory_space<semaphore_mem>>) src(%arg7 : memref<128x128xf32, #tpu.memory_space<vmem>>) dst(%dma_wait3A_148 : memref<128x128xf32, #tpu.memory_space<hbm>>)
        } else {
        }
        %dma_start3A = arith.constant 0 : i32
        %dma_start3A_139 = tpu.memref_slice %arg5[%add3A_101, %dma_start3A] : memref<40x128xi32, #tpu.memory_space<vmem>> -> memref<1x128xi32, #tpu.memory_space<vmem>>
        %dma_start3A_140 = tpu.memref_squeeze %dma_start3A_139 : memref<1x128xi32, #tpu.memory_space<vmem>> -> memref<128xi32, #tpu.memory_space<vmem>>
        %dma_start3A_141 = arith.constant 0 : i32
        %dma_start3A_142 = arith.constant 0 : i32
        %dma_start3A_143 = tpu.memref_slice %arg2[%dma_start3A_141, %dma_start3A_142] : memref<160000x128xf32, #tpu.memory_space<hbm>> -> memref<160000x128xf32, #tpu.memory_space<hbm>>
        tpu.enqueue_indirect_dma source(%dma_start3A_143 : memref<160000x128xf32, #tpu.memory_space<hbm>>) target(%arg7 : memref<128x128xf32, #tpu.memory_space<vmem>>) offsets(%dma_start3A_140 : memref<128xi32, #tpu.memory_space<vmem>>) semaphore(%arg9 : memref<!tpu.dma_semaphore, #tpu.memory_space<semaphore_mem>>)
      } else {
      }
      %mul3A_105 = arith.constant 2 : i32
      %mul3A_106 = arith.muli %mul3A_105, %scan3A_96 : i32
      %mul3A_107 = arith.constant 32 : i32
      %mul3A_108 = arith.muli %mul3A_106, %mul3A_107 : i32
      %add3A_109 = arith.addi %mul3A_108, %add3A : i32
      %lt3A_110 = arith.cmpi slt, %mul3A_106, %select_n3A : i32
      %convert_element_type3A_111 = arith.extui %lt3A_110 : i1 to i32
      %cond3A_112 = arith.constant 0 : i32
      %cond3A_113 = arith.cmpi ne, %convert_element_type3A_111, %cond3A_112 : i32
      scf.if %cond3A_113 {
        %dma_wait3A = arith.constant 0 : i32
        %dma_wait3A_134 = tpu.memref_slice %arg5[%mul3A_106, %dma_wait3A] : memref<40x128xi32, #tpu.memory_space<vmem>> -> memref<1x128xi32, #tpu.memory_space<vmem>>
        %dma_wait3A_135 = tpu.memref_squeeze %dma_wait3A_134 : memref<1x128xi32, #tpu.memory_space<vmem>> -> memref<128xi32, #tpu.memory_space<vmem>>
        %dma_wait3A_136 = arith.constant 0 : i32
        %dma_wait3A_137 = arith.constant 0 : i32
        %dma_wait3A_138 = tpu.memref_slice %arg2[%dma_wait3A_136, %dma_wait3A_137] : memref<160000x128xf32, #tpu.memory_space<hbm>> -> memref<160000x128xf32, #tpu.memory_space<hbm>>
        tpu.wait_indirect_dma semaphore(%arg8 : memref<!tpu.dma_semaphore, #tpu.memory_space<semaphore_mem>>) src(%dma_wait3A_138 : memref<160000x128xf32, #tpu.memory_space<hbm>>) dst(%arg6 : memref<128x128xf32, #tpu.memory_space<vmem>>)
        %mul3A_139 = arith.constant 128 : i32
        %mul3A_140 = arith.muli %add3A_109, %mul3A_139 : i32
        %dma_start3A = arith.constant 0 : i32
        %dma_start3A_141 = tpu.memref_slice %arg4[%mul3A_140, %dma_start3A] : memref<160000x128xf32, #tpu.memory_space<hbm>> -> memref<128x128xf32, #tpu.memory_space<hbm>>
        %dma_start3A_142 = arith.constant 0 : i32
        %dma_start3A_143 = tpu.memref_slice %arg4[%mul3A_140, %dma_start3A_142] : memref<160000x128xf32, #tpu.memory_space<hbm>> -> memref<128x128xf32, #tpu.memory_space<hbm>>
        tpu.enqueue_dma source(%arg6 : memref<128x128xf32, #tpu.memory_space<vmem>>) target(%dma_start3A_143 : memref<128x128xf32, #tpu.memory_space<hbm>>) target_semaphore(%arg10 : memref<!tpu.dma_semaphore, #tpu.memory_space<semaphore_mem>>)
      } else {
      }
      %mul3A_114 = arith.constant 2 : i32
      %mul3A_115 = arith.muli %mul3A_114, %scan3A_96 : i32
      %add3A_116 = arith.constant 2 : i32
      %add3A_117 = arith.addi %mul3A_115, %add3A_116 : i32
      %lt3A_118 = arith.cmpi slt, %add3A_117, %select_n3A : i32
      %convert_element_type3A_119 = arith.extui %lt3A_118 : i1 to i32
      %cond3A_120 = arith.constant 0 : i32
      %cond3A_121 = arith.cmpi ne, %convert_element_type3A_119, %cond3A_120 : i32
      scf.if %cond3A_121 {
        %ge3A_134 = arith.constant 2 : i32
        %ge3A_135 = arith.cmpi sge, %add3A_117, %ge3A_134 : i32
        %convert_element_type3A_136 = arith.extui %ge3A_135 : i1 to i32
        %cond3A_137 = arith.constant 0 : i32
        %cond3A_138 = arith.cmpi ne, %convert_element_type3A_136, %cond3A_137 : i32
        scf.if %cond3A_138 {
          %dma_wait3A = arith.constant 0 : i32
          %dma_wait3A_144 = arith.constant 0 : i32
          %dma_wait3A_145 = tpu.memref_slice %arg4[%dma_wait3A, %dma_wait3A_144] : memref<160000x128xf32, #tpu.memory_space<hbm>> -> memref<128x128xf32, #tpu.memory_space<hbm>>
          %dma_wait3A_146 = arith.constant 0 : i32
          %dma_wait3A_147 = arith.constant 0 : i32
          %dma_wait3A_148 = tpu.memref_slice %arg4[%dma_wait3A_146, %dma_wait3A_147] : memref<160000x128xf32, #tpu.memory_space<hbm>> -> memref<128x128xf32, #tpu.memory_space<hbm>>
          tpu.wait_dma2 semaphore(%arg10 : memref<!tpu.dma_semaphore, #tpu.memory_space<semaphore_mem>>) src(%arg6 : memref<128x128xf32, #tpu.memory_space<vmem>>) dst(%dma_wait3A_148 : memref<128x128xf32, #tpu.memory_space<hbm>>)
        } else {
        }
        %dma_start3A = arith.constant 0 : i32
        %dma_start3A_139 = tpu.memref_slice %arg5[%add3A_117, %dma_start3A] : memref<40x128xi32, #tpu.memory_space<vmem>> -> memref<1x128xi32, #tpu.memory_space<vmem>>
        %dma_start3A_140 = tpu.memref_squeeze %dma_start3A_139 : memref<1x128xi32, #tpu.memory_space<vmem>> -> memref<128xi32, #tpu.memory_space<vmem>>
        %dma_start3A_141 = arith.constant 0 : i32
        %dma_start3A_142 = arith.constant 0 : i32
        %dma_start3A_143 = tpu.memref_slice %arg2[%dma_start3A_141, %dma_start3A_142] : memref<160000x128xf32, #tpu.memory_space<hbm>> -> memref<160000x128xf32, #tpu.memory_space<hbm>>
        tpu.enqueue_indirect_dma source(%dma_start3A_143 : memref<160000x128xf32, #tpu.memory_space<hbm>>) target(%arg6 : memref<128x128xf32, #tpu.memory_space<vmem>>) offsets(%dma_start3A_140 : memref<128xi32, #tpu.memory_space<vmem>>) semaphore(%arg8 : memref<!tpu.dma_semaphore, #tpu.memory_space<semaphore_mem>>)
      } else {
      }
      %mul3A_122 = arith.constant 2 : i32
      %mul3A_123 = arith.muli %mul3A_122, %scan3A_96 : i32
      %add3A_124 = arith.constant 1 : i32
      %add3A_125 = arith.addi %mul3A_123, %add3A_124 : i32
      %mul3A_126 = arith.constant 32 : i32
      %mul3A_127 = arith.muli %add3A_125, %mul3A_126 : i32
      %add3A_128 = arith.addi %mul3A_127, %add3A : i32
      %lt3A_129 = arith.cmpi slt, %add3A_125, %select_n3A : i32
      %convert_element_type3A_130 = arith.extui %lt3A_129 : i1 to i32
      %cond3A_131 = arith.constant 0 : i32
      %cond3A_132 = arith.cmpi ne, %convert_element_type3A_130, %cond3A_131 : i32
      scf.if %cond3A_132 {
        %dma_wait3A = arith.constant 0 : i32
        %dma_wait3A_134 = tpu.memref_slice %arg5[%add3A_125, %dma_wait3A] : memref<40x128xi32, #tpu.memory_space<vmem>> -> memref<1x128xi32, #tpu.memory_space<vmem>>
        %dma_wait3A_135 = tpu.memref_squeeze %dma_wait3A_134 : memref<1x128xi32, #tpu.memory_space<vmem>> -> memref<128xi32, #tpu.memory_space<vmem>>
        %dma_wait3A_136 = arith.constant 0 : i32
        %dma_wait3A_137 = arith.constant 0 : i32
        %dma_wait3A_138 = tpu.memref_slice %arg2[%dma_wait3A_136, %dma_wait3A_137] : memref<160000x128xf32, #tpu.memory_space<hbm>> -> memref<160000x128xf32, #tpu.memory_space<hbm>>
        tpu.wait_indirect_dma semaphore(%arg9 : memref<!tpu.dma_semaphore, #tpu.memory_space<semaphore_mem>>) src(%dma_wait3A_138 : memref<160000x128xf32, #tpu.memory_space<hbm>>) dst(%arg7 : memref<128x128xf32, #tpu.memory_space<vmem>>)
        %mul3A_139 = arith.constant 128 : i32
        %mul3A_140 = arith.muli %add3A_128, %mul3A_139 : i32
        %dma_start3A = arith.constant 0 : i32
        %dma_start3A_141 = tpu.memref_slice %arg4[%mul3A_140, %dma_start3A] : memref<160000x128xf32, #tpu.memory_space<hbm>> -> memref<128x128xf32, #tpu.memory_space<hbm>>
        %dma_start3A_142 = arith.constant 0 : i32
        %dma_start3A_143 = tpu.memref_slice %arg4[%mul3A_140, %dma_start3A_142] : memref<160000x128xf32, #tpu.memory_space<hbm>> -> memref<128x128xf32, #tpu.memory_space<hbm>>
        tpu.enqueue_dma source(%arg7 : memref<128x128xf32, #tpu.memory_space<vmem>>) target(%dma_start3A_143 : memref<128x128xf32, #tpu.memory_space<hbm>>) target_semaphore(%arg11 : memref<!tpu.dma_semaphore, #tpu.memory_space<semaphore_mem>>)
      } else {
      }
      %scan3A_133 = arith.constant 0 : i32
      scf.yield %scan3A_133 : i32
    }
    %scan3A_30 = arith.constant 20 : i32
    %add3A_31 = arith.constant 1 : i32
    %add3A_32 = arith.addi %select_n3A, %add3A_31 : i32
    %sub3A_33 = arith.constant 0 : i32
    %sub3A_34 = arith.subi %add3A_32, %sub3A_33 : i32
    %jit3A_35 = arith.constant 2 : i32
    %div3A_36 = arith.divsi %sub3A_34, %jit3A_35 : i32
    %sign3A_37 = arith.constant 0 : i32
    %sign3A_38 = arith.cmpi sgt, %sub3A_34, %sign3A_37 : i32
    %sign3A_39 = arith.extui %sign3A_38 : i1 to i32
    %sign3A_40 = arith.constant 0 : i32
    %sign3A_41 = arith.cmpi slt, %sub3A_34, %sign3A_40 : i32
    %sign3A_42 = arith.extui %sign3A_41 : i1 to i32
    %sign3A_43 = arith.subi %sign3A_39, %sign3A_42 : i32
    %sign3A_44 = arith.constant 0 : i32
    %sign3A_45 = arith.cmpi sgt, %jit3A_35, %sign3A_44 : i32
    %sign3A_46 = arith.extui %sign3A_45 : i1 to i32
    %sign3A_47 = arith.constant 0 : i32
    %sign3A_48 = arith.cmpi slt, %jit3A_35, %sign3A_47 : i32
    %sign3A_49 = arith.extui %sign3A_48 : i1 to i32
    %sign3A_50 = arith.subi %sign3A_46, %sign3A_49 : i32
    %ne3A_51 = arith.cmpi ne, %sign3A_43, %sign3A_50 : i32
    %rem3A_52 = arith.remsi %sub3A_34, %jit3A_35 : i32
    %ne3A_53 = arith.constant 0 : i32
    %ne3A_54 = arith.cmpi ne, %rem3A_52, %ne3A_53 : i32
    %and3A_55 = arith.andi %ne3A_51, %ne3A_54 : i1
    %sub3A_56 = arith.constant 1 : i32
    %sub3A_57 = arith.subi %div3A_36, %sub3A_56 : i32
    %select_n3A_58 = arith.select %and3A_55, %sub3A_57, %div3A_36 : i32
    %ge3A = arith.constant 1 : i32
    %ge3A_59 = arith.cmpi sge, %select_n3A_58, %ge3A : i32
    %convert_element_type3A_60 = arith.extui %ge3A_59 : i1 to i32
    %cond3A_61 = arith.constant 0 : i32
    %cond3A_62 = arith.cmpi ne, %convert_element_type3A_60, %cond3A_61 : i32
    scf.if %cond3A_62 {
      %dma_wait3A = arith.constant 0 : i32
      %dma_wait3A_96 = arith.constant 0 : i32
      %dma_wait3A_97 = tpu.memref_slice %arg4[%dma_wait3A, %dma_wait3A_96] : memref<160000x128xf32, #tpu.memory_space<hbm>> -> memref<128x128xf32, #tpu.memory_space<hbm>>
      %dma_wait3A_98 = arith.constant 0 : i32
      %dma_wait3A_99 = arith.constant 0 : i32
      %dma_wait3A_100 = tpu.memref_slice %arg4[%dma_wait3A_98, %dma_wait3A_99] : memref<160000x128xf32, #tpu.memory_space<hbm>> -> memref<128x128xf32, #tpu.memory_space<hbm>>
      tpu.wait_dma2 semaphore(%arg10 : memref<!tpu.dma_semaphore, #tpu.memory_space<semaphore_mem>>) src(%arg6 : memref<128x128xf32, #tpu.memory_space<vmem>>) dst(%dma_wait3A_100 : memref<128x128xf32, #tpu.memory_space<hbm>>)
    } else {
    }
    %add3A_63 = arith.constant 1 : i32
    %add3A_64 = arith.addi %select_n3A, %add3A_63 : i32
    %sub3A_65 = arith.constant 1 : i32
    %sub3A_66 = arith.subi %add3A_64, %sub3A_65 : i32
    %jit3A_67 = arith.constant 2 : i32
    %div3A_68 = arith.divsi %sub3A_66, %jit3A_67 : i32
    %sign3A_69 = arith.constant 0 : i32
    %sign3A_70 = arith.cmpi sgt, %sub3A_66, %sign3A_69 : i32
    %sign3A_71 = arith.extui %sign3A_70 : i1 to i32
    %sign3A_72 = arith.constant 0 : i32
    %sign3A_73 = arith.cmpi slt, %sub3A_66, %sign3A_72 : i32
    %sign3A_74 = arith.extui %sign3A_73 : i1 to i32
    %sign3A_75 = arith.subi %sign3A_71, %sign3A_74 : i32
    %sign3A_76 = arith.constant 0 : i32
    %sign3A_77 = arith.cmpi sgt, %jit3A_67, %sign3A_76 : i32
    %sign3A_78 = arith.extui %sign3A_77 : i1 to i32
    %sign3A_79 = arith.constant 0 : i32
    %sign3A_80 = arith.cmpi slt, %jit3A_67, %sign3A_79 : i32
    %sign3A_81 = arith.extui %sign3A_80 : i1 to i32
    %sign3A_82 = arith.subi %sign3A_78, %sign3A_81 : i32
    %ne3A_83 = arith.cmpi ne, %sign3A_75, %sign3A_82 : i32
    %rem3A_84 = arith.remsi %sub3A_66, %jit3A_67 : i32
    %ne3A_85 = arith.constant 0 : i32
    %ne3A_86 = arith.cmpi ne, %rem3A_84, %ne3A_85 : i32
    %and3A_87 = arith.andi %ne3A_83, %ne3A_86 : i1
    %sub3A_88 = arith.constant 1 : i32
    %sub3A_89 = arith.subi %div3A_68, %sub3A_88 : i32
    %select_n3A_90 = arith.select %and3A_87, %sub3A_89, %div3A_68 : i32
    %ge3A_91 = arith.constant 1 : i32
    %ge3A_92 = arith.cmpi sge, %select_n3A_90, %ge3A_91 : i32
    %convert_element_type3A_93 = arith.extui %ge3A_92 : i1 to i32
    %cond3A_94 = arith.constant 0 : i32
    %cond3A_95 = arith.cmpi ne, %convert_element_type3A_93, %cond3A_94 : i32
    scf.if %cond3A_95 {
      %dma_wait3A = arith.constant 0 : i32
      %dma_wait3A_96 = arith.constant 0 : i32
      %dma_wait3A_97 = tpu.memref_slice %arg4[%dma_wait3A, %dma_wait3A_96] : memref<160000x128xf32, #tpu.memory_space<hbm>> -> memref<128x128xf32, #tpu.memory_space<hbm>>
      %dma_wait3A_98 = arith.constant 0 : i32
      %dma_wait3A_99 = arith.constant 0 : i32
      %dma_wait3A_100 = tpu.memref_slice %arg4[%dma_wait3A_98, %dma_wait3A_99] : memref<160000x128xf32, #tpu.memory_space<hbm>> -> memref<128x128xf32, #tpu.memory_space<hbm>>
      tpu.wait_dma2 semaphore(%arg11 : memref<!tpu.dma_semaphore, #tpu.memory_space<semaphore_mem>>) src(%arg7 : memref<128x128xf32, #tpu.memory_space<vmem>>) dst(%dma_wait3A_100 : memref<128x128xf32, #tpu.memory_space<hbm>>)
    } else {
    }
    return
  }
}

#map = affine_map<(d0, d1) -> (0, 0)>
#map1 = affine_map<(d0, d1) -> (0, 0, 0)>
module attributes {stable_mosaic.version = 14 : i64} {
  func.func @gather_kernel(%arg0: i32, %arg1: i32, %arg2: memref<160000x128xf32, #tpu.memory_space<hbm>>, %arg3: memref<32x40x128xi32, #tpu.memory_space<hbm>>, %arg4: memref<160000x128xf32, #tpu.memory_space<hbm>>, %arg5: memref<40x128xi32, #tpu.memory_space<vmem>>, %arg6: memref<128x128xf32, #tpu.memory_space<vmem>>, %arg7: memref<128x128xf32, #tpu.memory_space<vmem>>, %arg8: memref<!tpu.dma_semaphore, #tpu.memory_space<semaphore_mem>>, %arg9: memref<!tpu.dma_semaphore, #tpu.memory_space<semaphore_mem>>, %arg10: memref<!tpu.dma_semaphore, #tpu.memory_space<semaphore_mem>>, %arg11: memref<!tpu.dma_semaphore, #tpu.memory_space<semaphore_mem>>) attributes {dimension_semantics = [#tpu.dimension_semantics<core_parallel>, #tpu.dimension_semantics<subcore_parallel>], iteration_bounds = array<i64: 2, 16>, scalar_prefetch = 0 : i64, scratch_operands = 7 : i64, tpu.core_type = #tpu.core_type<sc_vector_subcore>, window_params = [{transform_indices = #map}, {transform_indices = #map1}, {transform_indices = #map}]} {
    %mul3A = arith.constant 2 : i32
    %mul3A_0 = arith.muli %arg1, %mul3A : i32
    %add3A = arith.addi %mul3A_0, %arg0 : i32
    "tpu.region"() ({
      %run_scoped3A = tpu.sem_alloc : memref<!tpu.dma_semaphore, #tpu.memory_space<semaphore_mem>>
      %dma_start3A = arith.constant 0 : i32
      %dma_start3A_96 = arith.constant 0 : i32
      %dma_start3A_97 = tpu.memref_slice %arg3[%add3A, %dma_start3A, %dma_start3A_96] : memref<32x40x128xi32, #tpu.memory_space<hbm>> -> memref<1x40x128xi32, #tpu.memory_space<hbm>>
      %dma_start3A_98 = tpu.memref_squeeze %dma_start3A_97 : memref<1x40x128xi32, #tpu.memory_space<hbm>> -> memref<40x128xi32, #tpu.memory_space<hbm>>
      %dma_start3A_99 = arith.constant 0 : i32
      %dma_start3A_100 = arith.constant 0 : i32
      %dma_start3A_101 = tpu.memref_slice %arg3[%add3A, %dma_start3A_99, %dma_start3A_100] : memref<32x40x128xi32, #tpu.memory_space<hbm>> -> memref<1x40x128xi32, #tpu.memory_space<hbm>>
      %dma_start3A_102 = tpu.memref_squeeze %dma_start3A_101 : memref<1x40x128xi32, #tpu.memory_space<hbm>> -> memref<40x128xi32, #tpu.memory_space<hbm>>
      tpu.enqueue_dma source(%dma_start3A_102 : memref<40x128xi32, #tpu.memory_space<hbm>>) target(%arg5 : memref<40x128xi32, #tpu.memory_space<vmem>>) target_semaphore(%run_scoped3A : memref<!tpu.dma_semaphore, #tpu.memory_space<semaphore_mem>>)
      %dma_wait3A = arith.constant 0 : i32
      %dma_wait3A_103 = arith.constant 0 : i32
      %dma_wait3A_104 = tpu.memref_slice %arg3[%add3A, %dma_wait3A, %dma_wait3A_103] : memref<32x40x128xi32, #tpu.memory_space<hbm>> -> memref<1x40x128xi32, #tpu.memory_space<hbm>>
      %dma_wait3A_105 = tpu.memref_squeeze %dma_wait3A_104 : memref<1x40x128xi32, #tpu.memory_space<hbm>> -> memref<40x128xi32, #tpu.memory_space<hbm>>
      %dma_wait3A_106 = arith.constant 0 : i32
      %dma_wait3A_107 = arith.constant 0 : i32
      %dma_wait3A_108 = tpu.memref_slice %arg3[%add3A, %dma_wait3A_106, %dma_wait3A_107] : memref<32x40x128xi32, #tpu.memory_space<hbm>> -> memref<1x40x128xi32, #tpu.memory_space<hbm>>
      %dma_wait3A_109 = tpu.memref_squeeze %dma_wait3A_108 : memref<1x40x128xi32, #tpu.memory_space<hbm>> -> memref<40x128xi32, #tpu.memory_space<hbm>>
      tpu.wait_dma2 semaphore(%run_scoped3A : memref<!tpu.dma_semaphore, #tpu.memory_space<semaphore_mem>>) src(%dma_wait3A_109 : memref<40x128xi32, #tpu.memory_space<hbm>>) dst(%arg5 : memref<40x128xi32, #tpu.memory_space<vmem>>)
      tpu.yield
    }) : () -> ()
    %sub3A = arith.constant 1250 : i32
    %sub3A_1 = arith.subi %sub3A, %add3A : i32
    %add3A_2 = arith.constant 32 : i32
    %add3A_3 = arith.addi %sub3A_1, %add3A_2 : i32
    %sub3A_4 = arith.constant 1 : i32
    %sub3A_5 = arith.subi %add3A_3, %sub3A_4 : i32
    %jit3A = arith.constant 32 : i32
    %div3A = arith.divsi %sub3A_5, %jit3A : i32
    %sign3A = arith.constant 0 : i32
    %sign3A_6 = arith.cmpi sgt, %sub3A_5, %sign3A : i32
    %sign3A_7 = arith.extui %sign3A_6 : i1 to i32
    %sign3A_8 = arith.constant 0 : i32
    %sign3A_9 = arith.cmpi slt, %sub3A_5, %sign3A_8 : i32
    %sign3A_10 = arith.extui %sign3A_9 : i1 to i32
    %sign3A_11 = arith.subi %sign3A_7, %sign3A_10 : i32
    %sign3A_12 = arith.constant 0 : i32
    %sign3A_13 = arith.cmpi sgt, %jit3A, %sign3A_12 : i32
    %sign3A_14 = arith.extui %sign3A_13 : i1 to i32
    %sign3A_15 = arith.constant 0 : i32
    %sign3A_16 = arith.cmpi slt, %jit3A, %sign3A_15 : i32
    %sign3A_17 = arith.extui %sign3A_16 : i1 to i32
    %sign3A_18 = arith.subi %sign3A_14, %sign3A_17 : i32
    %ne3A = arith.cmpi ne, %sign3A_11, %sign3A_18 : i32
    %rem3A = arith.remsi %sub3A_5, %jit3A : i32
    %ne3A_19 = arith.constant 0 : i32
    %ne3A_20 = arith.cmpi ne, %rem3A, %ne3A_19 : i32
    %and3A = arith.andi %ne3A, %ne3A_20 : i1
    %sub3A_21 = arith.constant 1 : i32
    %sub3A_22 = arith.subi %div3A, %sub3A_21 : i32
    %select_n3A = arith.select %and3A, %sub3A_22, %div3A : i32
    %gt3A = arith.constant 0 : i32
    %gt3A_23 = arith.cmpi sgt, %select_n3A, %gt3A : i32
    %convert_element_type3A = arith.extui %gt3A_23 : i1 to i32
    %cond3A = arith.constant 0 : i32
    %cond3A_24 = arith.cmpi ne, %convert_element_type3A, %cond3A : i32
    scf.if %cond3A_24 {
      %dma_start3A = arith.constant 0 : i32
      %dma_start3A_96 = arith.constant 0 : i32
      %dma_start3A_97 = tpu.memref_slice %arg5[%dma_start3A, %dma_start3A_96] : memref<40x128xi32, #tpu.memory_space<vmem>> -> memref<1x128xi32, #tpu.memory_space<vmem>>
      %dma_start3A_98 = tpu.memref_squeeze %dma_start3A_97 : memref<1x128xi32, #tpu.memory_space<vmem>> -> memref<128xi32, #tpu.memory_space<vmem>>
      %dma_start3A_99 = arith.constant 0 : i32
      %dma_start3A_100 = arith.constant 0 : i32
      %dma_start3A_101 = tpu.memref_slice %arg2[%dma_start3A_99, %dma_start3A_100] : memref<160000x128xf32, #tpu.memory_space<hbm>> -> memref<160000x128xf32, #tpu.memory_space<hbm>>
      tpu.enqueue_indirect_dma source(%dma_start3A_101 : memref<160000x128xf32, #tpu.memory_space<hbm>>) target(%arg6 : memref<128x128xf32, #tpu.memory_space<vmem>>) offsets(%dma_start3A_98 : memref<128xi32, #tpu.memory_space<vmem>>) semaphore(%arg8 : memref<!tpu.dma_semaphore, #tpu.memory_space<semaphore_mem>>)
    } else {
    }
    %scan3A = arith.constant 0 : i32
    %scan3A_25 = arith.constant 0 : i32
    %scan3A_26 = arith.constant 20 : i32
    %scan3A_27 = arith.addi %scan3A_25, %scan3A_26 : i32
    %scan3A_28 = arith.constant 1 : i32
    %scan3A_29 = scf.for %scan3A_96 = %scan3A_25 to %scan3A_27 step %scan3A_28 iter_args(%scan3A_97 = %scan3A) -> (i32)  : i32 {
      %mul3A_98 = arith.constant 2 : i32
      %mul3A_99 = arith.muli %mul3A_98, %scan3A_96 : i32
      %add3A_100 = arith.constant 1 : i32
      %add3A_101 = arith.addi %mul3A_99, %add3A_100 : i32
      %lt3A = arith.cmpi slt, %add3A_101, %select_n3A : i32
      %convert_element_type3A_102 = arith.extui %lt3A : i1 to i32
      %cond3A_103 = arith.constant 0 : i32
      %cond3A_104 = arith.cmpi ne, %convert_element_type3A_102, %cond3A_103 : i32
      scf.if %cond3A_104 {
        %ge3A_134 = arith.constant 2 : i32
        %ge3A_135 = arith.cmpi sge, %add3A_101, %ge3A_134 : i32
        %convert_element_type3A_136 = arith.extui %ge3A_135 : i1 to i32
        %cond3A_137 = arith.constant 0 : i32
        %cond3A_138 = arith.cmpi ne, %convert_element_type3A_136, %cond3A_137 : i32
        scf.if %cond3A_138 {
          %dma_wait3A = arith.constant 0 : i32
          %dma_wait3A_144 = arith.constant 0 : i32
          %dma_wait3A_145 = tpu.memref_slice %arg4[%dma_wait3A, %dma_wait3A_144] : memref<160000x128xf32, #tpu.memory_space<hbm>> -> memref<128x128xf32, #tpu.memory_space<hbm>>
          %dma_wait3A_146 = arith.constant 0 : i32
          %dma_wait3A_147 = arith.constant 0 : i32
          %dma_wait3A_148 = tpu.memref_slice %arg4[%dma_wait3A_146, %dma_wait3A_147] : memref<160000x128xf32, #tpu.memory_space<hbm>> -> memref<128x128xf32, #tpu.memory_space<hbm>>
          tpu.wait_dma2 semaphore(%arg11 : memref<!tpu.dma_semaphore, #tpu.memory_space<semaphore_mem>>) src(%arg7 : memref<128x128xf32, #tpu.memory_space<vmem>>) dst(%dma_wait3A_148 : memref<128x128xf32, #tpu.memory_space<hbm>>)
        } else {
        }
        %dma_start3A = arith.constant 0 : i32
        %dma_start3A_139 = tpu.memref_slice %arg5[%add3A_101, %dma_start3A] : memref<40x128xi32, #tpu.memory_space<vmem>> -> memref<1x128xi32, #tpu.memory_space<vmem>>
        %dma_start3A_140 = tpu.memref_squeeze %dma_start3A_139 : memref<1x128xi32, #tpu.memory_space<vmem>> -> memref<128xi32, #tpu.memory_space<vmem>>
        %dma_start3A_141 = arith.constant 0 : i32
        %dma_start3A_142 = arith.constant 0 : i32
        %dma_start3A_143 = tpu.memref_slice %arg2[%dma_start3A_141, %dma_start3A_142] : memref<160000x128xf32, #tpu.memory_space<hbm>> -> memref<160000x128xf32, #tpu.memory_space<hbm>>
        tpu.enqueue_indirect_dma source(%dma_start3A_143 : memref<160000x128xf32, #tpu.memory_space<hbm>>) target(%arg7 : memref<128x128xf32, #tpu.memory_space<vmem>>) offsets(%dma_start3A_140 : memref<128xi32, #tpu.memory_space<vmem>>) semaphore(%arg9 : memref<!tpu.dma_semaphore, #tpu.memory_space<semaphore_mem>>)
      } else {
      }
      %mul3A_105 = arith.constant 2 : i32
      %mul3A_106 = arith.muli %mul3A_105, %scan3A_96 : i32
      %mul3A_107 = arith.constant 32 : i32
      %mul3A_108 = arith.muli %mul3A_106, %mul3A_107 : i32
      %add3A_109 = arith.addi %mul3A_108, %add3A : i32
      %lt3A_110 = arith.cmpi slt, %mul3A_106, %select_n3A : i32
      %convert_element_type3A_111 = arith.extui %lt3A_110 : i1 to i32
      %cond3A_112 = arith.constant 0 : i32
      %cond3A_113 = arith.cmpi ne, %convert_element_type3A_111, %cond3A_112 : i32
      scf.if %cond3A_113 {
        %dma_wait3A = arith.constant 0 : i32
        %dma_wait3A_134 = tpu.memref_slice %arg5[%mul3A_106, %dma_wait3A] : memref<40x128xi32, #tpu.memory_space<vmem>> -> memref<1x128xi32, #tpu.memory_space<vmem>>
        %dma_wait3A_135 = tpu.memref_squeeze %dma_wait3A_134 : memref<1x128xi32, #tpu.memory_space<vmem>> -> memref<128xi32, #tpu.memory_space<vmem>>
        %dma_wait3A_136 = arith.constant 0 : i32
        %dma_wait3A_137 = arith.constant 0 : i32
        %dma_wait3A_138 = tpu.memref_slice %arg2[%dma_wait3A_136, %dma_wait3A_137] : memref<160000x128xf32, #tpu.memory_space<hbm>> -> memref<160000x128xf32, #tpu.memory_space<hbm>>
        tpu.wait_indirect_dma semaphore(%arg8 : memref<!tpu.dma_semaphore, #tpu.memory_space<semaphore_mem>>) src(%dma_wait3A_138 : memref<160000x128xf32, #tpu.memory_space<hbm>>) dst(%arg6 : memref<128x128xf32, #tpu.memory_space<vmem>>)
        %mul3A_139 = arith.constant 128 : i32
        %mul3A_140 = arith.muli %add3A_109, %mul3A_139 : i32
        %dma_start3A = arith.constant 0 : i32
        %dma_start3A_141 = tpu.memref_slice %arg4[%mul3A_140, %dma_start3A] : memref<160000x128xf32, #tpu.memory_space<hbm>> -> memref<128x128xf32, #tpu.memory_space<hbm>>
        %dma_start3A_142 = arith.constant 0 : i32
        %dma_start3A_143 = tpu.memref_slice %arg4[%mul3A_140, %dma_start3A_142] : memref<160000x128xf32, #tpu.memory_space<hbm>> -> memref<128x128xf32, #tpu.memory_space<hbm>>
        tpu.enqueue_dma source(%arg6 : memref<128x128xf32, #tpu.memory_space<vmem>>) target(%dma_start3A_143 : memref<128x128xf32, #tpu.memory_space<hbm>>) target_semaphore(%arg10 : memref<!tpu.dma_semaphore, #tpu.memory_space<semaphore_mem>>)
      } else {
      }
      %mul3A_114 = arith.constant 2 : i32
      %mul3A_115 = arith.muli %mul3A_114, %scan3A_96 : i32
      %add3A_116 = arith.constant 2 : i32
      %add3A_117 = arith.addi %mul3A_115, %add3A_116 : i32
      %lt3A_118 = arith.cmpi slt, %add3A_117, %select_n3A : i32
      %convert_element_type3A_119 = arith.extui %lt3A_118 : i1 to i32
      %cond3A_120 = arith.constant 0 : i32
      %cond3A_121 = arith.cmpi ne, %convert_element_type3A_119, %cond3A_120 : i32
      scf.if %cond3A_121 {
        %ge3A_134 = arith.constant 2 : i32
        %ge3A_135 = arith.cmpi sge, %add3A_117, %ge3A_134 : i32
        %convert_element_type3A_136 = arith.extui %ge3A_135 : i1 to i32
        %cond3A_137 = arith.constant 0 : i32
        %cond3A_138 = arith.cmpi ne, %convert_element_type3A_136, %cond3A_137 : i32
        scf.if %cond3A_138 {
          %dma_wait3A = arith.constant 0 : i32
          %dma_wait3A_144 = arith.constant 0 : i32
          %dma_wait3A_145 = tpu.memref_slice %arg4[%dma_wait3A, %dma_wait3A_144] : memref<160000x128xf32, #tpu.memory_space<hbm>> -> memref<128x128xf32, #tpu.memory_space<hbm>>
          %dma_wait3A_146 = arith.constant 0 : i32
          %dma_wait3A_147 = arith.constant 0 : i32
          %dma_wait3A_148 = tpu.memref_slice %arg4[%dma_wait3A_146, %dma_wait3A_147] : memref<160000x128xf32, #tpu.memory_space<hbm>> -> memref<128x128xf32, #tpu.memory_space<hbm>>
          tpu.wait_dma2 semaphore(%arg10 : memref<!tpu.dma_semaphore, #tpu.memory_space<semaphore_mem>>) src(%arg6 : memref<128x128xf32, #tpu.memory_space<vmem>>) dst(%dma_wait3A_148 : memref<128x128xf32, #tpu.memory_space<hbm>>)
        } else {
        }
        %dma_start3A = arith.constant 0 : i32
        %dma_start3A_139 = tpu.memref_slice %arg5[%add3A_117, %dma_start3A] : memref<40x128xi32, #tpu.memory_space<vmem>> -> memref<1x128xi32, #tpu.memory_space<vmem>>
        %dma_start3A_140 = tpu.memref_squeeze %dma_start3A_139 : memref<1x128xi32, #tpu.memory_space<vmem>> -> memref<128xi32, #tpu.memory_space<vmem>>
        %dma_start3A_141 = arith.constant 0 : i32
        %dma_start3A_142 = arith.constant 0 : i32
        %dma_start3A_143 = tpu.memref_slice %arg2[%dma_start3A_141, %dma_start3A_142] : memref<160000x128xf32, #tpu.memory_space<hbm>> -> memref<160000x128xf32, #tpu.memory_space<hbm>>
        tpu.enqueue_indirect_dma source(%dma_start3A_143 : memref<160000x128xf32, #tpu.memory_space<hbm>>) target(%arg6 : memref<128x128xf32, #tpu.memory_space<vmem>>) offsets(%dma_start3A_140 : memref<128xi32, #tpu.memory_space<vmem>>) semaphore(%arg8 : memref<!tpu.dma_semaphore, #tpu.memory_space<semaphore_mem>>)
      } else {
      }
      %mul3A_122 = arith.constant 2 : i32
      %mul3A_123 = arith.muli %mul3A_122, %scan3A_96 : i32
      %add3A_124 = arith.constant 1 : i32
      %add3A_125 = arith.addi %mul3A_123, %add3A_124 : i32
      %mul3A_126 = arith.constant 32 : i32
      %mul3A_127 = arith.muli %add3A_125, %mul3A_126 : i32
      %add3A_128 = arith.addi %mul3A_127, %add3A : i32
      %lt3A_129 = arith.cmpi slt, %add3A_125, %select_n3A : i32
      %convert_element_type3A_130 = arith.extui %lt3A_129 : i1 to i32
      %cond3A_131 = arith.constant 0 : i32
      %cond3A_132 = arith.cmpi ne, %convert_element_type3A_130, %cond3A_131 : i32
      scf.if %cond3A_132 {
        %dma_wait3A = arith.constant 0 : i32
        %dma_wait3A_134 = tpu.memref_slice %arg5[%add3A_125, %dma_wait3A] : memref<40x128xi32, #tpu.memory_space<vmem>> -> memref<1x128xi32, #tpu.memory_space<vmem>>
        %dma_wait3A_135 = tpu.memref_squeeze %dma_wait3A_134 : memref<1x128xi32, #tpu.memory_space<vmem>> -> memref<128xi32, #tpu.memory_space<vmem>>
        %dma_wait3A_136 = arith.constant 0 : i32
        %dma_wait3A_137 = arith.constant 0 : i32
        %dma_wait3A_138 = tpu.memref_slice %arg2[%dma_wait3A_136, %dma_wait3A_137] : memref<160000x128xf32, #tpu.memory_space<hbm>> -> memref<160000x128xf32, #tpu.memory_space<hbm>>
        tpu.wait_indirect_dma semaphore(%arg9 : memref<!tpu.dma_semaphore, #tpu.memory_space<semaphore_mem>>) src(%dma_wait3A_138 : memref<160000x128xf32, #tpu.memory_space<hbm>>) dst(%arg7 : memref<128x128xf32, #tpu.memory_space<vmem>>)
        %mul3A_139 = arith.constant 128 : i32
        %mul3A_140 = arith.muli %add3A_128, %mul3A_139 : i32
        %dma_start3A = arith.constant 0 : i32
        %dma_start3A_141 = tpu.memref_slice %arg4[%mul3A_140, %dma_start3A] : memref<160000x128xf32, #tpu.memory_space<hbm>> -> memref<128x128xf32, #tpu.memory_space<hbm>>
        %dma_start3A_142 = arith.constant 0 : i32
        %dma_start3A_143 = tpu.memref_slice %arg4[%mul3A_140, %dma_start3A_142] : memref<160000x128xf32, #tpu.memory_space<hbm>> -> memref<128x128xf32, #tpu.memory_space<hbm>>
        tpu.enqueue_dma source(%arg7 : memref<128x128xf32, #tpu.memory_space<vmem>>) target(%dma_start3A_143 : memref<128x128xf32, #tpu.memory_space<hbm>>) target_semaphore(%arg11 : memref<!tpu.dma_semaphore, #tpu.memory_space<semaphore_mem>>)
      } else {
      }
      %scan3A_133 = arith.constant 0 : i32
      scf.yield %scan3A_133 : i32
    }
    %scan3A_30 = arith.constant 20 : i32
    %add3A_31 = arith.constant 1 : i32
    %add3A_32 = arith.addi %select_n3A, %add3A_31 : i32
    %sub3A_33 = arith.constant 0 : i32
    %sub3A_34 = arith.subi %add3A_32, %sub3A_33 : i32
    %jit3A_35 = arith.constant 2 : i32
    %div3A_36 = arith.divsi %sub3A_34, %jit3A_35 : i32
    %sign3A_37 = arith.constant 0 : i32
    %sign3A_38 = arith.cmpi sgt, %sub3A_34, %sign3A_37 : i32
    %sign3A_39 = arith.extui %sign3A_38 : i1 to i32
    %sign3A_40 = arith.constant 0 : i32
    %sign3A_41 = arith.cmpi slt, %sub3A_34, %sign3A_40 : i32
    %sign3A_42 = arith.extui %sign3A_41 : i1 to i32
    %sign3A_43 = arith.subi %sign3A_39, %sign3A_42 : i32
    %sign3A_44 = arith.constant 0 : i32
    %sign3A_45 = arith.cmpi sgt, %jit3A_35, %sign3A_44 : i32
    %sign3A_46 = arith.extui %sign3A_45 : i1 to i32
    %sign3A_47 = arith.constant 0 : i32
    %sign3A_48 = arith.cmpi slt, %jit3A_35, %sign3A_47 : i32
    %sign3A_49 = arith.extui %sign3A_48 : i1 to i32
    %sign3A_50 = arith.subi %sign3A_46, %sign3A_49 : i32
    %ne3A_51 = arith.cmpi ne, %sign3A_43, %sign3A_50 : i32
    %rem3A_52 = arith.remsi %sub3A_34, %jit3A_35 : i32
    %ne3A_53 = arith.constant 0 : i32
    %ne3A_54 = arith.cmpi ne, %rem3A_52, %ne3A_53 : i32
    %and3A_55 = arith.andi %ne3A_51, %ne3A_54 : i1
    %sub3A_56 = arith.constant 1 : i32
    %sub3A_57 = arith.subi %div3A_36, %sub3A_56 : i32
    %select_n3A_58 = arith.select %and3A_55, %sub3A_57, %div3A_36 : i32
    %ge3A = arith.constant 1 : i32
    %ge3A_59 = arith.cmpi sge, %select_n3A_58, %ge3A : i32
    %convert_element_type3A_60 = arith.extui %ge3A_59 : i1 to i32
    %cond3A_61 = arith.constant 0 : i32
    %cond3A_62 = arith.cmpi ne, %convert_element_type3A_60, %cond3A_61 : i32
    scf.if %cond3A_62 {
      %dma_wait3A = arith.constant 0 : i32
      %dma_wait3A_96 = arith.constant 0 : i32
      %dma_wait3A_97 = tpu.memref_slice %arg4[%dma_wait3A, %dma_wait3A_96] : memref<160000x128xf32, #tpu.memory_space<hbm>> -> memref<128x128xf32, #tpu.memory_space<hbm>>
      %dma_wait3A_98 = arith.constant 0 : i32
      %dma_wait3A_99 = arith.constant 0 : i32
      %dma_wait3A_100 = tpu.memref_slice %arg4[%dma_wait3A_98, %dma_wait3A_99] : memref<160000x128xf32, #tpu.memory_space<hbm>> -> memref<128x128xf32, #tpu.memory_space<hbm>>
      tpu.wait_dma2 semaphore(%arg10 : memref<!tpu.dma_semaphore, #tpu.memory_space<semaphore_mem>>) src(%arg6 : memref<128x128xf32, #tpu.memory_space<vmem>>) dst(%dma_wait3A_100 : memref<128x128xf32, #tpu.memory_space<hbm>>)
    } else {
    }
    %add3A_63 = arith.constant 1 : i32
    %add3A_64 = arith.addi %select_n3A, %add3A_63 : i32
    %sub3A_65 = arith.constant 1 : i32
    %sub3A_66 = arith.subi %add3A_64, %sub3A_65 : i32
    %jit3A_67 = arith.constant 2 : i32
    %div3A_68 = arith.divsi %sub3A_66, %jit3A_67 : i32
    %sign3A_69 = arith.constant 0 : i32
    %sign3A_70 = arith.cmpi sgt, %sub3A_66, %sign3A_69 : i32
    %sign3A_71 = arith.extui %sign3A_70 : i1 to i32
    %sign3A_72 = arith.constant 0 : i32
    %sign3A_73 = arith.cmpi slt, %sub3A_66, %sign3A_72 : i32
    %sign3A_74 = arith.extui %sign3A_73 : i1 to i32
    %sign3A_75 = arith.subi %sign3A_71, %sign3A_74 : i32
    %sign3A_76 = arith.constant 0 : i32
    %sign3A_77 = arith.cmpi sgt, %jit3A_67, %sign3A_76 : i32
    %sign3A_78 = arith.extui %sign3A_77 : i1 to i32
    %sign3A_79 = arith.constant 0 : i32
    %sign3A_80 = arith.cmpi slt, %jit3A_67, %sign3A_79 : i32
    %sign3A_81 = arith.extui %sign3A_80 : i1 to i32
    %sign3A_82 = arith.subi %sign3A_78, %sign3A_81 : i32
    %ne3A_83 = arith.cmpi ne, %sign3A_75, %sign3A_82 : i32
    %rem3A_84 = arith.remsi %sub3A_66, %jit3A_67 : i32
    %ne3A_85 = arith.constant 0 : i32
    %ne3A_86 = arith.cmpi ne, %rem3A_84, %ne3A_85 : i32
    %and3A_87 = arith.andi %ne3A_83, %ne3A_86 : i1
    %sub3A_88 = arith.constant 1 : i32
    %sub3A_89 = arith.subi %div3A_68, %sub3A_88 : i32
    %select_n3A_90 = arith.select %and3A_87, %sub3A_89, %div3A_68 : i32
    %ge3A_91 = arith.constant 1 : i32
    %ge3A_92 = arith.cmpi sge, %select_n3A_90, %ge3A_91 : i32
    %convert_element_type3A_93 = arith.extui %ge3A_92 : i1 to i32
    %cond3A_94 = arith.constant 0 : i32
    %cond3A_95 = arith.cmpi ne, %convert_element_type3A_93, %cond3A_94 : i32
    scf.if %cond3A_95 {
      %dma_wait3A = arith.constant 0 : i32
      %dma_wait3A_96 = arith.constant 0 : i32
      %dma_wait3A_97 = tpu.memref_slice %arg4[%dma_wait3A, %dma_wait3A_96] : memref<160000x128xf32, #tpu.memory_space<hbm>> -> memref<128x128xf32, #tpu.memory_space<hbm>>
      %dma_wait3A_98 = arith.constant 0 : i32
      %dma_wait3A_99 = arith.constant 0 : i32
      %dma_wait3A_100 = tpu.memref_slice %arg4[%dma_wait3A_98, %dma_wait3A_99] : memref<160000x128xf32, #tpu.memory_space<hbm>> -> memref<128x128xf32, #tpu.memory_space<hbm>>
      tpu.wait_dma2 semaphore(%arg11 : memref<!tpu.dma_semaphore, #tpu.memory_space<semaphore_mem>>) src(%arg7 : memref<128x128xf32, #tpu.memory_space<vmem>>) dst(%dma_wait3A_100 : memref<128x128xf32, #tpu.memory_space<hbm>>)
    } else {
    }
    return
  }
}

#map = affine_map<(d0, d1) -> (0, 0)>
#map1 = affine_map<(d0, d1) -> (0, 0, 0)>
module attributes {stable_mosaic.version = 14 : i64} {
  func.func @gather_kernel(%arg0: i32, %arg1: i32, %arg2: memref<160000x128xf32, #tpu.memory_space<hbm>>, %arg3: memref<32x40x128xi32, #tpu.memory_space<hbm>>, %arg4: memref<160000x128xf32, #tpu.memory_space<hbm>>, %arg5: memref<40x128xi32, #tpu.memory_space<vmem>>, %arg6: memref<128x128xf32, #tpu.memory_space<vmem>>, %arg7: memref<128x128xf32, #tpu.memory_space<vmem>>, %arg8: memref<!tpu.dma_semaphore, #tpu.memory_space<semaphore_mem>>, %arg9: memref<!tpu.dma_semaphore, #tpu.memory_space<semaphore_mem>>, %arg10: memref<!tpu.dma_semaphore, #tpu.memory_space<semaphore_mem>>, %arg11: memref<!tpu.dma_semaphore, #tpu.memory_space<semaphore_mem>>) attributes {dimension_semantics = [#tpu.dimension_semantics<core_parallel>, #tpu.dimension_semantics<subcore_parallel>], iteration_bounds = array<i64: 2, 16>, scalar_prefetch = 0 : i64, scratch_operands = 7 : i64, tpu.core_type = #tpu.core_type<sc_vector_subcore>, window_params = [{transform_indices = #map}, {transform_indices = #map1}, {transform_indices = #map}]} {
    %mul3A = arith.constant 2 : i32
    %mul3A_0 = arith.muli %arg1, %mul3A : i32
    %add3A = arith.addi %mul3A_0, %arg0 : i32
    "tpu.region"() ({
      %run_scoped3A = tpu.sem_alloc : memref<!tpu.dma_semaphore, #tpu.memory_space<semaphore_mem>>
      %dma_start3A = arith.constant 0 : i32
      %dma_start3A_96 = arith.constant 0 : i32
      %dma_start3A_97 = tpu.memref_slice %arg3[%add3A, %dma_start3A, %dma_start3A_96] : memref<32x40x128xi32, #tpu.memory_space<hbm>> -> memref<1x40x128xi32, #tpu.memory_space<hbm>>
      %dma_start3A_98 = tpu.memref_squeeze %dma_start3A_97 : memref<1x40x128xi32, #tpu.memory_space<hbm>> -> memref<40x128xi32, #tpu.memory_space<hbm>>
      %dma_start3A_99 = arith.constant 0 : i32
      %dma_start3A_100 = arith.constant 0 : i32
      %dma_start3A_101 = tpu.memref_slice %arg3[%add3A, %dma_start3A_99, %dma_start3A_100] : memref<32x40x128xi32, #tpu.memory_space<hbm>> -> memref<1x40x128xi32, #tpu.memory_space<hbm>>
      %dma_start3A_102 = tpu.memref_squeeze %dma_start3A_101 : memref<1x40x128xi32, #tpu.memory_space<hbm>> -> memref<40x128xi32, #tpu.memory_space<hbm>>
      tpu.enqueue_dma source(%dma_start3A_102 : memref<40x128xi32, #tpu.memory_space<hbm>>) target(%arg5 : memref<40x128xi32, #tpu.memory_space<vmem>>) target_semaphore(%run_scoped3A : memref<!tpu.dma_semaphore, #tpu.memory_space<semaphore_mem>>)
      %dma_wait3A = arith.constant 0 : i32
      %dma_wait3A_103 = arith.constant 0 : i32
      %dma_wait3A_104 = tpu.memref_slice %arg3[%add3A, %dma_wait3A, %dma_wait3A_103] : memref<32x40x128xi32, #tpu.memory_space<hbm>> -> memref<1x40x128xi32, #tpu.memory_space<hbm>>
      %dma_wait3A_105 = tpu.memref_squeeze %dma_wait3A_104 : memref<1x40x128xi32, #tpu.memory_space<hbm>> -> memref<40x128xi32, #tpu.memory_space<hbm>>
      %dma_wait3A_106 = arith.constant 0 : i32
      %dma_wait3A_107 = arith.constant 0 : i32
      %dma_wait3A_108 = tpu.memref_slice %arg3[%add3A, %dma_wait3A_106, %dma_wait3A_107] : memref<32x40x128xi32, #tpu.memory_space<hbm>> -> memref<1x40x128xi32, #tpu.memory_space<hbm>>
      %dma_wait3A_109 = tpu.memref_squeeze %dma_wait3A_108 : memref<1x40x128xi32, #tpu.memory_space<hbm>> -> memref<40x128xi32, #tpu.memory_space<hbm>>
      tpu.wait_dma2 semaphore(%run_scoped3A : memref<!tpu.dma_semaphore, #tpu.memory_space<semaphore_mem>>) src(%dma_wait3A_109 : memref<40x128xi32, #tpu.memory_space<hbm>>) dst(%arg5 : memref<40x128xi32, #tpu.memory_space<vmem>>)
      tpu.yield
    }) : () -> ()
    %sub3A = arith.constant 1250 : i32
    %sub3A_1 = arith.subi %sub3A, %add3A : i32
    %add3A_2 = arith.constant 32 : i32
    %add3A_3 = arith.addi %sub3A_1, %add3A_2 : i32
    %sub3A_4 = arith.constant 1 : i32
    %sub3A_5 = arith.subi %add3A_3, %sub3A_4 : i32
    %jit3A = arith.constant 32 : i32
    %div3A = arith.divsi %sub3A_5, %jit3A : i32
    %sign3A = arith.constant 0 : i32
    %sign3A_6 = arith.cmpi sgt, %sub3A_5, %sign3A : i32
    %sign3A_7 = arith.extui %sign3A_6 : i1 to i32
    %sign3A_8 = arith.constant 0 : i32
    %sign3A_9 = arith.cmpi slt, %sub3A_5, %sign3A_8 : i32
    %sign3A_10 = arith.extui %sign3A_9 : i1 to i32
    %sign3A_11 = arith.subi %sign3A_7, %sign3A_10 : i32
    %sign3A_12 = arith.constant 0 : i32
    %sign3A_13 = arith.cmpi sgt, %jit3A, %sign3A_12 : i32
    %sign3A_14 = arith.extui %sign3A_13 : i1 to i32
    %sign3A_15 = arith.constant 0 : i32
    %sign3A_16 = arith.cmpi slt, %jit3A, %sign3A_15 : i32
    %sign3A_17 = arith.extui %sign3A_16 : i1 to i32
    %sign3A_18 = arith.subi %sign3A_14, %sign3A_17 : i32
    %ne3A = arith.cmpi ne, %sign3A_11, %sign3A_18 : i32
    %rem3A = arith.remsi %sub3A_5, %jit3A : i32
    %ne3A_19 = arith.constant 0 : i32
    %ne3A_20 = arith.cmpi ne, %rem3A, %ne3A_19 : i32
    %and3A = arith.andi %ne3A, %ne3A_20 : i1
    %sub3A_21 = arith.constant 1 : i32
    %sub3A_22 = arith.subi %div3A, %sub3A_21 : i32
    %select_n3A = arith.select %and3A, %sub3A_22, %div3A : i32
    %gt3A = arith.constant 0 : i32
    %gt3A_23 = arith.cmpi sgt, %select_n3A, %gt3A : i32
    %convert_element_type3A = arith.extui %gt3A_23 : i1 to i32
    %cond3A = arith.constant 0 : i32
    %cond3A_24 = arith.cmpi ne, %convert_element_type3A, %cond3A : i32
    scf.if %cond3A_24 {
      %dma_start3A = arith.constant 0 : i32
      %dma_start3A_96 = arith.constant 0 : i32
      %dma_start3A_97 = tpu.memref_slice %arg5[%dma_start3A, %dma_start3A_96] : memref<40x128xi32, #tpu.memory_space<vmem>> -> memref<1x128xi32, #tpu.memory_space<vmem>>
      %dma_start3A_98 = tpu.memref_squeeze %dma_start3A_97 : memref<1x128xi32, #tpu.memory_space<vmem>> -> memref<128xi32, #tpu.memory_space<vmem>>
      %dma_start3A_99 = arith.constant 0 : i32
      %dma_start3A_100 = arith.constant 0 : i32
      %dma_start3A_101 = tpu.memref_slice %arg2[%dma_start3A_99, %dma_start3A_100] : memref<160000x128xf32, #tpu.memory_space<hbm>> -> memref<160000x128xf32, #tpu.memory_space<hbm>>
      tpu.enqueue_indirect_dma source(%dma_start3A_101 : memref<160000x128xf32, #tpu.memory_space<hbm>>) target(%arg6 : memref<128x128xf32, #tpu.memory_space<vmem>>) offsets(%dma_start3A_98 : memref<128xi32, #tpu.memory_space<vmem>>) semaphore(%arg8 : memref<!tpu.dma_semaphore, #tpu.memory_space<semaphore_mem>>)
    } else {
    }
    %scan3A = arith.constant 0 : i32
    %scan3A_25 = arith.constant 0 : i32
    %scan3A_26 = arith.constant 20 : i32
    %scan3A_27 = arith.addi %scan3A_25, %scan3A_26 : i32
    %scan3A_28 = arith.constant 1 : i32
    %scan3A_29 = scf.for %scan3A_96 = %scan3A_25 to %scan3A_27 step %scan3A_28 iter_args(%scan3A_97 = %scan3A) -> (i32)  : i32 {
      %mul3A_98 = arith.constant 2 : i32
      %mul3A_99 = arith.muli %mul3A_98, %scan3A_96 : i32
      %add3A_100 = arith.constant 1 : i32
      %add3A_101 = arith.addi %mul3A_99, %add3A_100 : i32
      %lt3A = arith.cmpi slt, %add3A_101, %select_n3A : i32
      %convert_element_type3A_102 = arith.extui %lt3A : i1 to i32
      %cond3A_103 = arith.constant 0 : i32
      %cond3A_104 = arith.cmpi ne, %convert_element_type3A_102, %cond3A_103 : i32
      scf.if %cond3A_104 {
        %ge3A_134 = arith.constant 2 : i32
        %ge3A_135 = arith.cmpi sge, %add3A_101, %ge3A_134 : i32
        %convert_element_type3A_136 = arith.extui %ge3A_135 : i1 to i32
        %cond3A_137 = arith.constant 0 : i32
        %cond3A_138 = arith.cmpi ne, %convert_element_type3A_136, %cond3A_137 : i32
        scf.if %cond3A_138 {
          %dma_wait3A = arith.constant 0 : i32
          %dma_wait3A_144 = arith.constant 0 : i32
          %dma_wait3A_145 = tpu.memref_slice %arg4[%dma_wait3A, %dma_wait3A_144] : memref<160000x128xf32, #tpu.memory_space<hbm>> -> memref<128x128xf32, #tpu.memory_space<hbm>>
          %dma_wait3A_146 = arith.constant 0 : i32
          %dma_wait3A_147 = arith.constant 0 : i32
          %dma_wait3A_148 = tpu.memref_slice %arg4[%dma_wait3A_146, %dma_wait3A_147] : memref<160000x128xf32, #tpu.memory_space<hbm>> -> memref<128x128xf32, #tpu.memory_space<hbm>>
          tpu.wait_dma2 semaphore(%arg11 : memref<!tpu.dma_semaphore, #tpu.memory_space<semaphore_mem>>) src(%arg7 : memref<128x128xf32, #tpu.memory_space<vmem>>) dst(%dma_wait3A_148 : memref<128x128xf32, #tpu.memory_space<hbm>>)
        } else {
        }
        %dma_start3A = arith.constant 0 : i32
        %dma_start3A_139 = tpu.memref_slice %arg5[%add3A_101, %dma_start3A] : memref<40x128xi32, #tpu.memory_space<vmem>> -> memref<1x128xi32, #tpu.memory_space<vmem>>
        %dma_start3A_140 = tpu.memref_squeeze %dma_start3A_139 : memref<1x128xi32, #tpu.memory_space<vmem>> -> memref<128xi32, #tpu.memory_space<vmem>>
        %dma_start3A_141 = arith.constant 0 : i32
        %dma_start3A_142 = arith.constant 0 : i32
        %dma_start3A_143 = tpu.memref_slice %arg2[%dma_start3A_141, %dma_start3A_142] : memref<160000x128xf32, #tpu.memory_space<hbm>> -> memref<160000x128xf32, #tpu.memory_space<hbm>>
        tpu.enqueue_indirect_dma source(%dma_start3A_143 : memref<160000x128xf32, #tpu.memory_space<hbm>>) target(%arg7 : memref<128x128xf32, #tpu.memory_space<vmem>>) offsets(%dma_start3A_140 : memref<128xi32, #tpu.memory_space<vmem>>) semaphore(%arg9 : memref<!tpu.dma_semaphore, #tpu.memory_space<semaphore_mem>>)
      } else {
      }
      %mul3A_105 = arith.constant 2 : i32
      %mul3A_106 = arith.muli %mul3A_105, %scan3A_96 : i32
      %mul3A_107 = arith.constant 32 : i32
      %mul3A_108 = arith.muli %mul3A_106, %mul3A_107 : i32
      %add3A_109 = arith.addi %mul3A_108, %add3A : i32
      %lt3A_110 = arith.cmpi slt, %mul3A_106, %select_n3A : i32
      %convert_element_type3A_111 = arith.extui %lt3A_110 : i1 to i32
      %cond3A_112 = arith.constant 0 : i32
      %cond3A_113 = arith.cmpi ne, %convert_element_type3A_111, %cond3A_112 : i32
      scf.if %cond3A_113 {
        %dma_wait3A = arith.constant 0 : i32
        %dma_wait3A_134 = tpu.memref_slice %arg5[%mul3A_106, %dma_wait3A] : memref<40x128xi32, #tpu.memory_space<vmem>> -> memref<1x128xi32, #tpu.memory_space<vmem>>
        %dma_wait3A_135 = tpu.memref_squeeze %dma_wait3A_134 : memref<1x128xi32, #tpu.memory_space<vmem>> -> memref<128xi32, #tpu.memory_space<vmem>>
        %dma_wait3A_136 = arith.constant 0 : i32
        %dma_wait3A_137 = arith.constant 0 : i32
        %dma_wait3A_138 = tpu.memref_slice %arg2[%dma_wait3A_136, %dma_wait3A_137] : memref<160000x128xf32, #tpu.memory_space<hbm>> -> memref<160000x128xf32, #tpu.memory_space<hbm>>
        tpu.wait_indirect_dma semaphore(%arg8 : memref<!tpu.dma_semaphore, #tpu.memory_space<semaphore_mem>>) src(%dma_wait3A_138 : memref<160000x128xf32, #tpu.memory_space<hbm>>) dst(%arg6 : memref<128x128xf32, #tpu.memory_space<vmem>>)
        %mul3A_139 = arith.constant 128 : i32
        %mul3A_140 = arith.muli %add3A_109, %mul3A_139 : i32
        %dma_start3A = arith.constant 0 : i32
        %dma_start3A_141 = tpu.memref_slice %arg4[%mul3A_140, %dma_start3A] : memref<160000x128xf32, #tpu.memory_space<hbm>> -> memref<128x128xf32, #tpu.memory_space<hbm>>
        %dma_start3A_142 = arith.constant 0 : i32
        %dma_start3A_143 = tpu.memref_slice %arg4[%mul3A_140, %dma_start3A_142] : memref<160000x128xf32, #tpu.memory_space<hbm>> -> memref<128x128xf32, #tpu.memory_space<hbm>>
        tpu.enqueue_dma source(%arg6 : memref<128x128xf32, #tpu.memory_space<vmem>>) target(%dma_start3A_143 : memref<128x128xf32, #tpu.memory_space<hbm>>) target_semaphore(%arg10 : memref<!tpu.dma_semaphore, #tpu.memory_space<semaphore_mem>>)
      } else {
      }
      %mul3A_114 = arith.constant 2 : i32
      %mul3A_115 = arith.muli %mul3A_114, %scan3A_96 : i32
      %add3A_116 = arith.constant 2 : i32
      %add3A_117 = arith.addi %mul3A_115, %add3A_116 : i32
      %lt3A_118 = arith.cmpi slt, %add3A_117, %select_n3A : i32
      %convert_element_type3A_119 = arith.extui %lt3A_118 : i1 to i32
      %cond3A_120 = arith.constant 0 : i32
      %cond3A_121 = arith.cmpi ne, %convert_element_type3A_119, %cond3A_120 : i32
      scf.if %cond3A_121 {
        %ge3A_134 = arith.constant 2 : i32
        %ge3A_135 = arith.cmpi sge, %add3A_117, %ge3A_134 : i32
        %convert_element_type3A_136 = arith.extui %ge3A_135 : i1 to i32
        %cond3A_137 = arith.constant 0 : i32
        %cond3A_138 = arith.cmpi ne, %convert_element_type3A_136, %cond3A_137 : i32
        scf.if %cond3A_138 {
          %dma_wait3A = arith.constant 0 : i32
          %dma_wait3A_144 = arith.constant 0 : i32
          %dma_wait3A_145 = tpu.memref_slice %arg4[%dma_wait3A, %dma_wait3A_144] : memref<160000x128xf32, #tpu.memory_space<hbm>> -> memref<128x128xf32, #tpu.memory_space<hbm>>
          %dma_wait3A_146 = arith.constant 0 : i32
          %dma_wait3A_147 = arith.constant 0 : i32
          %dma_wait3A_148 = tpu.memref_slice %arg4[%dma_wait3A_146, %dma_wait3A_147] : memref<160000x128xf32, #tpu.memory_space<hbm>> -> memref<128x128xf32, #tpu.memory_space<hbm>>
          tpu.wait_dma2 semaphore(%arg10 : memref<!tpu.dma_semaphore, #tpu.memory_space<semaphore_mem>>) src(%arg6 : memref<128x128xf32, #tpu.memory_space<vmem>>) dst(%dma_wait3A_148 : memref<128x128xf32, #tpu.memory_space<hbm>>)
        } else {
        }
        %dma_start3A = arith.constant 0 : i32
        %dma_start3A_139 = tpu.memref_slice %arg5[%add3A_117, %dma_start3A] : memref<40x128xi32, #tpu.memory_space<vmem>> -> memref<1x128xi32, #tpu.memory_space<vmem>>
        %dma_start3A_140 = tpu.memref_squeeze %dma_start3A_139 : memref<1x128xi32, #tpu.memory_space<vmem>> -> memref<128xi32, #tpu.memory_space<vmem>>
        %dma_start3A_141 = arith.constant 0 : i32
        %dma_start3A_142 = arith.constant 0 : i32
        %dma_start3A_143 = tpu.memref_slice %arg2[%dma_start3A_141, %dma_start3A_142] : memref<160000x128xf32, #tpu.memory_space<hbm>> -> memref<160000x128xf32, #tpu.memory_space<hbm>>
        tpu.enqueue_indirect_dma source(%dma_start3A_143 : memref<160000x128xf32, #tpu.memory_space<hbm>>) target(%arg6 : memref<128x128xf32, #tpu.memory_space<vmem>>) offsets(%dma_start3A_140 : memref<128xi32, #tpu.memory_space<vmem>>) semaphore(%arg8 : memref<!tpu.dma_semaphore, #tpu.memory_space<semaphore_mem>>)
      } else {
      }
      %mul3A_122 = arith.constant 2 : i32
      %mul3A_123 = arith.muli %mul3A_122, %scan3A_96 : i32
      %add3A_124 = arith.constant 1 : i32
      %add3A_125 = arith.addi %mul3A_123, %add3A_124 : i32
      %mul3A_126 = arith.constant 32 : i32
      %mul3A_127 = arith.muli %add3A_125, %mul3A_126 : i32
      %add3A_128 = arith.addi %mul3A_127, %add3A : i32
      %lt3A_129 = arith.cmpi slt, %add3A_125, %select_n3A : i32
      %convert_element_type3A_130 = arith.extui %lt3A_129 : i1 to i32
      %cond3A_131 = arith.constant 0 : i32
      %cond3A_132 = arith.cmpi ne, %convert_element_type3A_130, %cond3A_131 : i32
      scf.if %cond3A_132 {
        %dma_wait3A = arith.constant 0 : i32
        %dma_wait3A_134 = tpu.memref_slice %arg5[%add3A_125, %dma_wait3A] : memref<40x128xi32, #tpu.memory_space<vmem>> -> memref<1x128xi32, #tpu.memory_space<vmem>>
        %dma_wait3A_135 = tpu.memref_squeeze %dma_wait3A_134 : memref<1x128xi32, #tpu.memory_space<vmem>> -> memref<128xi32, #tpu.memory_space<vmem>>
        %dma_wait3A_136 = arith.constant 0 : i32
        %dma_wait3A_137 = arith.constant 0 : i32
        %dma_wait3A_138 = tpu.memref_slice %arg2[%dma_wait3A_136, %dma_wait3A_137] : memref<160000x128xf32, #tpu.memory_space<hbm>> -> memref<160000x128xf32, #tpu.memory_space<hbm>>
        tpu.wait_indirect_dma semaphore(%arg9 : memref<!tpu.dma_semaphore, #tpu.memory_space<semaphore_mem>>) src(%dma_wait3A_138 : memref<160000x128xf32, #tpu.memory_space<hbm>>) dst(%arg7 : memref<128x128xf32, #tpu.memory_space<vmem>>)
        %mul3A_139 = arith.constant 128 : i32
        %mul3A_140 = arith.muli %add3A_128, %mul3A_139 : i32
        %dma_start3A = arith.constant 0 : i32
        %dma_start3A_141 = tpu.memref_slice %arg4[%mul3A_140, %dma_start3A] : memref<160000x128xf32, #tpu.memory_space<hbm>> -> memref<128x128xf32, #tpu.memory_space<hbm>>
        %dma_start3A_142 = arith.constant 0 : i32
        %dma_start3A_143 = tpu.memref_slice %arg4[%mul3A_140, %dma_start3A_142] : memref<160000x128xf32, #tpu.memory_space<hbm>> -> memref<128x128xf32, #tpu.memory_space<hbm>>
        tpu.enqueue_dma source(%arg7 : memref<128x128xf32, #tpu.memory_space<vmem>>) target(%dma_start3A_143 : memref<128x128xf32, #tpu.memory_space<hbm>>) target_semaphore(%arg11 : memref<!tpu.dma_semaphore, #tpu.memory_space<semaphore_mem>>)
      } else {
      }
      %scan3A_133 = arith.constant 0 : i32
      scf.yield %scan3A_133 : i32
    }
    %scan3A_30 = arith.constant 20 : i32
    %add3A_31 = arith.constant 1 : i32
    %add3A_32 = arith.addi %select_n3A, %add3A_31 : i32
    %sub3A_33 = arith.constant 0 : i32
    %sub3A_34 = arith.subi %add3A_32, %sub3A_33 : i32
    %jit3A_35 = arith.constant 2 : i32
    %div3A_36 = arith.divsi %sub3A_34, %jit3A_35 : i32
    %sign3A_37 = arith.constant 0 : i32
    %sign3A_38 = arith.cmpi sgt, %sub3A_34, %sign3A_37 : i32
    %sign3A_39 = arith.extui %sign3A_38 : i1 to i32
    %sign3A_40 = arith.constant 0 : i32
    %sign3A_41 = arith.cmpi slt, %sub3A_34, %sign3A_40 : i32
    %sign3A_42 = arith.extui %sign3A_41 : i1 to i32
    %sign3A_43 = arith.subi %sign3A_39, %sign3A_42 : i32
    %sign3A_44 = arith.constant 0 : i32
    %sign3A_45 = arith.cmpi sgt, %jit3A_35, %sign3A_44 : i32
    %sign3A_46 = arith.extui %sign3A_45 : i1 to i32
    %sign3A_47 = arith.constant 0 : i32
    %sign3A_48 = arith.cmpi slt, %jit3A_35, %sign3A_47 : i32
    %sign3A_49 = arith.extui %sign3A_48 : i1 to i32
    %sign3A_50 = arith.subi %sign3A_46, %sign3A_49 : i32
    %ne3A_51 = arith.cmpi ne, %sign3A_43, %sign3A_50 : i32
    %rem3A_52 = arith.remsi %sub3A_34, %jit3A_35 : i32
    %ne3A_53 = arith.constant 0 : i32
    %ne3A_54 = arith.cmpi ne, %rem3A_52, %ne3A_53 : i32
    %and3A_55 = arith.andi %ne3A_51, %ne3A_54 : i1
    %sub3A_56 = arith.constant 1 : i32
    %sub3A_57 = arith.subi %div3A_36, %sub3A_56 : i32
    %select_n3A_58 = arith.select %and3A_55, %sub3A_57, %div3A_36 : i32
    %ge3A = arith.constant 1 : i32
    %ge3A_59 = arith.cmpi sge, %select_n3A_58, %ge3A : i32
    %convert_element_type3A_60 = arith.extui %ge3A_59 : i1 to i32
    %cond3A_61 = arith.constant 0 : i32
    %cond3A_62 = arith.cmpi ne, %convert_element_type3A_60, %cond3A_61 : i32
    scf.if %cond3A_62 {
      %dma_wait3A = arith.constant 0 : i32
      %dma_wait3A_96 = arith.constant 0 : i32
      %dma_wait3A_97 = tpu.memref_slice %arg4[%dma_wait3A, %dma_wait3A_96] : memref<160000x128xf32, #tpu.memory_space<hbm>> -> memref<128x128xf32, #tpu.memory_space<hbm>>
      %dma_wait3A_98 = arith.constant 0 : i32
      %dma_wait3A_99 = arith.constant 0 : i32
      %dma_wait3A_100 = tpu.memref_slice %arg4[%dma_wait3A_98, %dma_wait3A_99] : memref<160000x128xf32, #tpu.memory_space<hbm>> -> memref<128x128xf32, #tpu.memory_space<hbm>>
      tpu.wait_dma2 semaphore(%arg10 : memref<!tpu.dma_semaphore, #tpu.memory_space<semaphore_mem>>) src(%arg6 : memref<128x128xf32, #tpu.memory_space<vmem>>) dst(%dma_wait3A_100 : memref<128x128xf32, #tpu.memory_space<hbm>>)
    } else {
    }
    %add3A_63 = arith.constant 1 : i32
    %add3A_64 = arith.addi %select_n3A, %add3A_63 : i32
    %sub3A_65 = arith.constant 1 : i32
    %sub3A_66 = arith.subi %add3A_64, %sub3A_65 : i32
    %jit3A_67 = arith.constant 2 : i32
    %div3A_68 = arith.divsi %sub3A_66, %jit3A_67 : i32
    %sign3A_69 = arith.constant 0 : i32
    %sign3A_70 = arith.cmpi sgt, %sub3A_66, %sign3A_69 : i32
    %sign3A_71 = arith.extui %sign3A_70 : i1 to i32
    %sign3A_72 = arith.constant 0 : i32
    %sign3A_73 = arith.cmpi slt, %sub3A_66, %sign3A_72 : i32
    %sign3A_74 = arith.extui %sign3A_73 : i1 to i32
    %sign3A_75 = arith.subi %sign3A_71, %sign3A_74 : i32
    %sign3A_76 = arith.constant 0 : i32
    %sign3A_77 = arith.cmpi sgt, %jit3A_67, %sign3A_76 : i32
    %sign3A_78 = arith.extui %sign3A_77 : i1 to i32
    %sign3A_79 = arith.constant 0 : i32
    %sign3A_80 = arith.cmpi slt, %jit3A_67, %sign3A_79 : i32
    %sign3A_81 = arith.extui %sign3A_80 : i1 to i32
    %sign3A_82 = arith.subi %sign3A_78, %sign3A_81 : i32
    %ne3A_83 = arith.cmpi ne, %sign3A_75, %sign3A_82 : i32
    %rem3A_84 = arith.remsi %sub3A_66, %jit3A_67 : i32
    %ne3A_85 = arith.constant 0 : i32
    %ne3A_86 = arith.cmpi ne, %rem3A_84, %ne3A_85 : i32
    %and3A_87 = arith.andi %ne3A_83, %ne3A_86 : i1
    %sub3A_88 = arith.constant 1 : i32
    %sub3A_89 = arith.subi %div3A_68, %sub3A_88 : i32
    %select_n3A_90 = arith.select %and3A_87, %sub3A_89, %div3A_68 : i32
    %ge3A_91 = arith.constant 1 : i32
    %ge3A_92 = arith.cmpi sge, %select_n3A_90, %ge3A_91 : i32
    %convert_element_type3A_93 = arith.extui %ge3A_92 : i1 to i32
    %cond3A_94 = arith.constant 0 : i32
    %cond3A_95 = arith.cmpi ne, %convert_element_type3A_93, %cond3A_94 : i32
    scf.if %cond3A_95 {
      %dma_wait3A = arith.constant 0 : i32
      %dma_wait3A_96 = arith.constant 0 : i32
      %dma_wait3A_97 = tpu.memref_slice %arg4[%dma_wait3A, %dma_wait3A_96] : memref<160000x128xf32, #tpu.memory_space<hbm>> -> memref<128x128xf32, #tpu.memory_space<hbm>>
      %dma_wait3A_98 = arith.constant 0 : i32
      %dma_wait3A_99 = arith.constant 0 : i32
      %dma_wait3A_100 = tpu.memref_slice %arg4[%dma_wait3A_98, %dma_wait3A_99] : memref<160000x128xf32, #tpu.memory_space<hbm>> -> memref<128x128xf32, #tpu.memory_space<hbm>>
      tpu.wait_dma2 semaphore(%arg11 : memref<!tpu.dma_semaphore, #tpu.memory_space<semaphore_mem>>) src(%arg7 : memref<128x128xf32, #tpu.memory_space<vmem>>) dst(%dma_wait3A_100 : memref<128x128xf32, #tpu.memory_space<hbm>>)
    } else {
    }
    return
  }
}

module attributes {stable_mosaic.version = 14 : i64} {
  func.func @body(%arg0: memref<10000x128xf32, #tpu.memory_space<vmem>>, %arg1: memref<128x128xf32, #tpu.memory_space<vmem>>, %arg2: memref<10000x128xf32, #tpu.memory_space<vmem>>) attributes {dimension_semantics = [], scalar_prefetch = 0 : i64, scratch_operands = 0 : i64, tpu.core_type = #tpu.core_type<tc>} {
    %get3A = arith.constant 0 : index
    %get3A_0 = arith.constant 0 : index
    %get3A_1 = vector.load %arg0[%get3A, %get3A_0] : memref<10000x128xf32, #tpu.memory_space<vmem>>, vector<10000x128xf32>
    %get3A_2 = arith.constant 0 : index
    %get3A_3 = arith.constant 0 : index
    %get3A_4 = vector.load %arg1[%get3A_2, %get3A_3] : memref<128x128xf32, #tpu.memory_space<vmem>>, vector<128x128xf32>
    %dot_general3A = arith.constant dense<0.000000e+00> : vector<10000x128xf32>
    %dot_general3A_5 = tpu.matmul %get3A_1, %get3A_4, %dot_general3A {dimension_numbers = #tpu.dot_dimension_numbers<[1], [0], [0], [1], [0, 0, 1, 1], [], []>, transpose_lhs_hint = false} : vector<10000x128xf32>, vector<128x128xf32>, vector<10000x128xf32> -> vector<10000x128xf32>
    %swap3A = arith.constant 0 : index
    %swap3A_6 = arith.constant 0 : index
    %swap3A_7 = vector.load %arg2[%swap3A, %swap3A_6] : memref<10000x128xf32, #tpu.memory_space<vmem>>, vector<10000x128xf32>
    tpu.vector_store %arg2[%swap3A, %swap3A_6], %dot_general3A_5 {strides = array<i32>} : memref<10000x128xf32, #tpu.memory_space<vmem>>, vector<10000x128xf32>,
    return
  }
}

module attributes {stable_mosaic.version = 14 : i64} {
  func.func @body(%arg0: i32, %arg1: memref<3200x128xf32, #tpu.memory_space<vmem>>, %arg2: memref<16x3200xf32, #tpu.memory_space<vmem>>, %arg3: memref<1x1x3200xf32, #tpu.memory_space<vmem>>, %arg4: memref<16x128xf32, #tpu.memory_space<vmem>>, %arg5: memref<128x128xf32, #tpu.memory_space<vmem>>, %arg6: memref<1x128xf32, #tpu.memory_space<vmem>>, %arg7: memref<1x128xf32, #tpu.memory_space<vmem>>, %arg8: memref<1x128xf32, #tpu.memory_space<vmem>>, %arg9: memref<3200x128xf32, #tpu.memory_space<vmem>>) attributes {dimension_semantics = [#tpu.dimension_semantics<parallel>], iteration_bounds = array<i64: 50>, scalar_prefetch = 0 : i64, scratch_operands = 0 : i64, tpu.core_type = #tpu.core_type<tc>, window_params = [{transform_indices = @transform_0, window_bounds = array<i64: 3200, 128>}, {transform_indices = @transform_1, window_bounds = array<i64: 16, 3200>}, {transform_indices = @transform_2, window_bounds = array<i64: 1, 1, 3200>}, {pipeline_mode = #tpu.pipeline_mode<synchronous>, transform_indices = @transform_3, window_bounds = array<i64: 16, 128>}, {pipeline_mode = #tpu.pipeline_mode<synchronous>, transform_indices = @transform_4, window_bounds = array<i64: 128, 128>}, {pipeline_mode = #tpu.pipeline_mode<synchronous>, transform_indices = @transform_5, window_bounds = array<i64: 1, 128>}, {pipeline_mode = #tpu.pipeline_mode<synchronous>, transform_indices = @transform_6, window_bounds = array<i64: 1, 128>}, {pipeline_mode = #tpu.pipeline_mode<synchronous>, transform_indices = @transform_7, window_bounds = array<i64: 1, 128>}, {transform_indices = @transform_8, window_bounds = array<i64: 3200, 128>}]} {
    %get3A = arith.constant 0 : index
    %get3A_0 = arith.constant 0 : index
    %get3A_1 = arith.constant 0 : index
    %get3A_2 = vector.load %arg3[%get3A, %get3A_0, %get3A_1] : memref<1x1x3200xf32, #tpu.memory_space<vmem>>, vector<1x1x3200xf32>
    %get3A_3 = vector.shape_cast %get3A_2 : vector<1x1x3200xf32> to vector<1x3200xf32>
    %reshape3A = vector.shape_cast %get3A_3 : vector<1x3200xf32> to vector<3200x1xf32>
    %get3A_4 = arith.constant 0 : index
    %get3A_5 = arith.constant 0 : index
    %get3A_6 = vector.load %arg7[%get3A_4, %get3A_5] : memref<1x128xf32, #tpu.memory_space<vmem>>, vector<1x128xf32>
    %mul3A = vector.broadcast %reshape3A : vector<3200x1xf32> to vector<3200x128xf32>
    %mul3A_7 = vector.broadcast %get3A_6 : vector<1x128xf32> to vector<3200x128xf32>
    %mul3A_8 = arith.mulf %mul3A, %mul3A_7 : vector<3200x128xf32>
    %get3A_9 = arith.constant 0 : index
    %get3A_10 = arith.constant 0 : index
    %get3A_11 = vector.load %arg8[%get3A_9, %get3A_10] : memref<1x128xf32, #tpu.memory_space<vmem>>, vector<1x128xf32>
    %add3A = vector.broadcast %get3A_11 : vector<1x128xf32> to vector<3200x128xf32>
    %add3A_12 = arith.addf %mul3A_8, %add3A : vector<3200x128xf32>
    %mul3A_13 = arith.constant 0.159154937 : f32
    %mul3A_14 = vector.broadcast %mul3A_13 : f32 to vector<3200x128xf32>
    %mul3A_15 = arith.mulf %add3A_12, %mul3A_14 : vector<3200x128xf32>
    %add3A_16 = arith.constant 5.000000e-01 : f32
    %add3A_17 = vector.broadcast %add3A_16 : f32 to vector<3200x128xf32>
    %add3A_18 = arith.addf %mul3A_15, %add3A_17 : vector<3200x128xf32>
    %floor3A = math.floor %add3A_18 : vector<3200x128xf32>
    %mul3A_19 = arith.constant 6.281250e+00 : f32
    %mul3A_20 = vector.broadcast %mul3A_19 : f32 to vector<3200x128xf32>
    %mul3A_21 = arith.mulf %floor3A, %mul3A_20 : vector<3200x128xf32>
    %sub3A = arith.subf %add3A_12, %mul3A_21 : vector<3200x128xf32>
    %mul3A_22 = arith.constant 0.00193530717 : f32
    %mul3A_23 = vector.broadcast %mul3A_22 : f32 to vector<3200x128xf32>
    %mul3A_24 = arith.mulf %floor3A, %mul3A_23 : vector<3200x128xf32>
    %sub3A_25 = arith.subf %sub3A, %mul3A_24 : vector<3200x128xf32>
    %mul3A_26 = arith.mulf %sub3A_25, %sub3A_25 : vector<3200x128xf32>
    %mul3A_27 = arith.constant -9.7750653E-12 : f32
    %mul3A_28 = vector.broadcast %mul3A_27 : f32 to vector<3200x128xf32>
    %mul3A_29 = arith.mulf %mul3A_28, %mul3A_26 : vector<3200x128xf32>
    %add3A_30 = arith.constant 2.06207496E-9 : f32
    %add3A_31 = vector.broadcast %add3A_30 : f32 to vector<3200x128xf32>
    %add3A_32 = arith.addf %mul3A_29, %add3A_31 : vector<3200x128xf32>
    %mul3A_33 = arith.mulf %add3A_32, %mul3A_26 : vector<3200x128xf32>
    %add3A_34 = arith.constant -2.75369928E-7 : f32
    %add3A_35 = vector.broadcast %add3A_34 : f32 to vector<3200x128xf32>
    %add3A_36 = arith.addf %mul3A_33, %add3A_35 : vector<3200x128xf32>
    %mul3A_37 = arith.mulf %add3A_36, %mul3A_26 : vector<3200x128xf32>
    %add3A_38 = arith.constant 2.48006909E-5 : f32
    %add3A_39 = vector.broadcast %add3A_38 : f32 to vector<3200x128xf32>
    %add3A_40 = arith.addf %mul3A_37, %add3A_39 : vector<3200x128xf32>
    %mul3A_41 = arith.mulf %add3A_40, %mul3A_26 : vector<3200x128xf32>
    %add3A_42 = arith.constant -0.00138888671 : f32
    %add3A_43 = vector.broadcast %add3A_42 : f32 to vector<3200x128xf32>
    %add3A_44 = arith.addf %mul3A_41, %add3A_43 : vector<3200x128xf32>
    %mul3A_45 = arith.mulf %add3A_44, %mul3A_26 : vector<3200x128xf32>
    %add3A_46 = arith.constant 0.0416666642 : f32
    %add3A_47 = vector.broadcast %add3A_46 : f32 to vector<3200x128xf32>
    %add3A_48 = arith.addf %mul3A_45, %add3A_47 : vector<3200x128xf32>
    %mul3A_49 = arith.mulf %add3A_48, %mul3A_26 : vector<3200x128xf32>
    %add3A_50 = arith.constant -5.000000e-01 : f32
    %add3A_51 = vector.broadcast %add3A_50 : f32 to vector<3200x128xf32>
    %add3A_52 = arith.addf %mul3A_49, %add3A_51 : vector<3200x128xf32>
    %mul3A_53 = arith.mulf %add3A_52, %mul3A_26 : vector<3200x128xf32>
    %add3A_54 = arith.constant 1.000000e+00 : f32
    %add3A_55 = vector.broadcast %add3A_54 : f32 to vector<3200x128xf32>
    %add3A_56 = arith.addf %mul3A_53, %add3A_55 : vector<3200x128xf32>
    %get3A_57 = arith.constant 0 : index
    %get3A_58 = arith.constant 0 : index
    %get3A_59 = vector.load %arg1[%get3A_57, %get3A_58] : memref<3200x128xf32, #tpu.memory_space<vmem>>, vector<3200x128xf32>
    %get3A_60 = arith.constant 0 : index
    %get3A_61 = arith.constant 0 : index
    %get3A_62 = vector.load %arg6[%get3A_60, %get3A_61] : memref<1x128xf32, #tpu.memory_space<vmem>>, vector<1x128xf32>
    %add3A_63 = vector.broadcast %get3A_62 : vector<1x128xf32> to vector<3200x128xf32>
    %add3A_64 = arith.addf %get3A_59, %add3A_63 : vector<3200x128xf32>
    %get3A_65 = arith.constant 0 : index
    %get3A_66 = arith.constant 0 : index
    %get3A_67 = vector.load %arg2[%get3A_65, %get3A_66] : memref<16x3200xf32, #tpu.memory_space<vmem>>, vector<16x3200xf32>
    %get3A_68 = arith.constant 0 : index
    %get3A_69 = arith.constant 0 : index
    %get3A_70 = vector.load %arg4[%get3A_68, %get3A_69] : memref<16x128xf32, #tpu.memory_space<vmem>>, vector<16x128xf32>
    %dot_general3A = arith.constant dense<0.000000e+00> : vector<3200x128xf32>
    %dot_general3A_71 = tpu.matmul %get3A_67, %get3A_70, %dot_general3A {dimension_numbers = #tpu.dot_dimension_numbers<[0], [0], [1], [1], [0, 1, 1, 1], [], []>, transpose_lhs_hint = false} : vector<16x3200xf32>, vector<16x128xf32>, vector<3200x128xf32> -> vector<3200x128xf32>
    %add3A_72 = arith.addf %add3A_64, %dot_general3A_71 : vector<3200x128xf32>
    %get3A_73 = arith.constant 0 : index
    %get3A_74 = arith.constant 0 : index
    %get3A_75 = vector.load %arg5[%get3A_73, %get3A_74] : memref<128x128xf32, #tpu.memory_space<vmem>>, vector<128x128xf32>
    %dot_general3A_76 = arith.constant dense<0.000000e+00> : vector<3200x128xf32>
    %dot_general3A_77 = tpu.matmul %add3A_56, %get3A_75, %dot_general3A_76 {dimension_numbers = #tpu.dot_dimension_numbers<[1], [0], [0], [1], [0, 0, 1, 1], [], []>, transpose_lhs_hint = false} : vector<3200x128xf32>, vector<128x128xf32>, vector<3200x128xf32> -> vector<3200x128xf32>
    %add3A_78 = arith.addf %add3A_72, %dot_general3A_77 : vector<3200x128xf32>
    %max3A = arith.constant 0.000000e+00 : f32
    %max3A_79 = vector.broadcast %max3A : f32 to vector<3200x128xf32>
    %max3A_80 = arith.maximumf %add3A_78, %max3A_79 : vector<3200x128xf32>
    %swap3A = arith.constant 0 : index
    %swap3A_81 = arith.constant 0 : index
    %swap3A_82 = vector.load %arg9[%swap3A, %swap3A_81] : memref<3200x128xf32, #tpu.memory_space<vmem>>, vector<3200x128xf32>
    tpu.vector_store %arg9[%swap3A, %swap3A_81], %max3A_80 {strides = array<i32>} : memref<3200x128xf32, #tpu.memory_space<vmem>>, vector<3200x128xf32>,
    return
  }
  func.func @transform_0(%arg0: i32) -> (i32, i32) {
    %c0_i32 = arith.constant 0 : i32
    %c0_i32_0 = arith.constant 0 : i32
    return %arg0, %c0_i32 : i32, i32
  }
  func.func @transform_1(%arg0: i32) -> (i32, i32) {
    %c0_i32 = arith.constant 0 : i32
    %c0_i32_0 = arith.constant 0 : i32
    return %c0_i32, %arg0 : i32, i32
  }
  func.func @transform_2(%arg0: i32) -> (i32, i32, i32) {
    %c0_i32 = arith.constant 0 : i32
    %c0_i32_0 = arith.constant 0 : i32
    %c0_i32_1 = arith.constant 0 : i32
    return %arg0, %c0_i32, %c0_i32_0 : i32, i32, i32
  }
  func.func @transform_3(%arg0: i32) -> (i32, i32) {
    %c0_i32 = arith.constant 0 : i32
    %c0_i32_0 = arith.constant 0 : i32
    %c0_i32_1 = arith.constant 0 : i32
    return %c0_i32, %c0_i32_0 : i32, i32
  }
  func.func @transform_4(%arg0: i32) -> (i32, i32) {
    %c0_i32 = arith.constant 0 : i32
    %c0_i32_0 = arith.constant 0 : i32
    %c0_i32_1 = arith.constant 0 : i32
    return %c0_i32, %c0_i32_0 : i32, i32
  }
  func.func @transform_5(%arg0: i32) -> (i32, i32) {
    %c0_i32 = arith.constant 0 : i32
    %c0_i32_0 = arith.constant 0 : i32
    %c0_i32_1 = arith.constant 0 : i32
    return %c0_i32, %c0_i32_0 : i32, i32
  }
  func.func @transform_6(%arg0: i32) -> (i32, i32) {
    %c0_i32 = arith.constant 0 : i32
    %c0_i32_0 = arith.constant 0 : i32
    %c0_i32_1 = arith.constant 0 : i32
    return %c0_i32, %c0_i32_0 : i32, i32
  }
  func.func @transform_7(%arg0: i32) -> (i32, i32) {
    %c0_i32 = arith.constant 0 : i32
    %c0_i32_0 = arith.constant 0 : i32
    %c0_i32_1 = arith.constant 0 : i32
    return %c0_i32, %c0_i32_0 : i32, i32
  }
  func.func @transform_8(%arg0: i32) -> (i32, i32) {
    %c0_i32 = arith.constant 0 : i32
    %c0_i32_0 = arith.constant 0 : i32
    return %arg0, %c0_i32 : i32, i32
  }
}

module attributes {stable_mosaic.version = 14 : i64} {
  func.func @body(%arg0: i32, %arg1: memref<3200x128xf32, #tpu.memory_space<vmem>>, %arg2: memref<3200x128xf32, #tpu.memory_space<vmem>>, %arg3: memref<1x1x3200xi32, #tpu.memory_space<vmem>>, %arg4: memref<128x128xf32, #tpu.memory_space<vmem>>, %arg5: memref<128x128xf32, #tpu.memory_space<vmem>>, %arg6: memref<1x128xf32, #tpu.memory_space<vmem>>, %arg7: memref<3200x128xf32, #tpu.memory_space<vmem>>, %arg8: memref<1x128xf32, #tpu.memory_space<vmem>>, %arg9: memref<1xf32, #tpu.memory_space<smem>>, %arg10: memref<1xi32, #tpu.memory_space<smem>>) attributes {dimension_semantics = [#tpu.dimension_semantics<arbitrary>], iteration_bounds = array<i64: 50>, scalar_prefetch = 0 : i64, scratch_operands = 3 : i64, tpu.core_type = #tpu.core_type<tc>, window_params = [{transform_indices = @transform_0, window_bounds = array<i64: 3200, 128>}, {transform_indices = @transform_1, window_bounds = array<i64: 3200, 128>}, {transform_indices = @transform_2, window_bounds = array<i64: 1, 1, 3200>}, {pipeline_mode = #tpu.pipeline_mode<synchronous>, transform_indices = @transform_3, window_bounds = array<i64: 128, 128>}, {pipeline_mode = #tpu.pipeline_mode<synchronous>, transform_indices = @transform_4, window_bounds = array<i64: 128, 128>}, {pipeline_mode = #tpu.pipeline_mode<synchronous>, transform_indices = @transform_5, window_bounds = array<i64: 1, 128>}, {transform_indices = @transform_6, window_bounds = array<i64: 3200, 128>}]} {
    %eq3A = arith.constant 0 : i32
    %eq3A_0 = arith.cmpi eq, %arg0, %eq3A : i32
    %convert_element_type3A = arith.extui %eq3A_0 : i1 to i32
    %cond3A = arith.constant 0 : i32
    %cond3A_1 = arith.cmpi ne, %convert_element_type3A, %cond3A : i32
    scf.if %cond3A_1 {
      %swap3A_374 = arith.constant -1 : i32
      %swap3A_375 = arith.constant 0 : index
      %swap3A_376 = memref.load %arg10[%swap3A_375] : memref<1xi32, #tpu.memory_space<smem>>
      memref.store %swap3A_374, %arg10[%swap3A_375] : memref<1xi32, #tpu.memory_space<smem>>
      %swap3A_377 = arith.constant 0.000000e+00 : f32
      %swap3A_378 = arith.constant 0 : index
      %swap3A_379 = memref.load %arg9[%swap3A_378] : memref<1xf32, #tpu.memory_space<smem>>
      memref.store %swap3A_377, %arg9[%swap3A_378] : memref<1xf32, #tpu.memory_space<smem>>
      %broadcast_in_dim3A_380 = arith.constant 0.000000e+00 : f32
      %broadcast_in_dim3A_381 = vector.broadcast %broadcast_in_dim3A_380 : f32 to vector<1x128xf32>
      %swap3A_382 = arith.constant 0 : index
      %swap3A_383 = arith.constant 0 : index
      %swap3A_384 = vector.load %arg8[%swap3A_382, %swap3A_383] : memref<1x128xf32, #tpu.memory_space<vmem>>, vector<1x128xf32>
      tpu.vector_store %arg8[%swap3A_382, %swap3A_383], %broadcast_in_dim3A_381 {strides = array<i32>} : memref<1x128xf32, #tpu.memory_space<vmem>>, vector<1x128xf32>,
    } else {
    }
    %get3A = arith.constant 0 : index
    %get3A_2 = arith.constant 0 : index
    %get3A_3 = arith.constant 0 : index
    %get3A_4 = vector.load %arg3[%get3A, %get3A_2, %get3A_3] : memref<1x1x3200xi32, #tpu.memory_space<vmem>>, vector<1x1x3200xi32>
    %get3A_5 = vector.shape_cast %get3A_4 : vector<1x1x3200xi32> to vector<1x3200xi32>
    %iota3A = tpu.iota {dimensions = array<i32: 0>} : vector<320x320xi32>
    %iota3A_6 = tpu.iota {dimensions = array<i32: 1>} : vector<320x320xi32>
    %le3A = arith.cmpi sle, %iota3A_6, %iota3A : vector<320x320xi32>
    %get3A_7 = arith.constant 0 : index
    %get3A_8 = arith.constant 0 : index
    %get3A_9 = vector.load %arg8[%get3A_7, %get3A_8] : memref<1x128xf32, #tpu.memory_space<vmem>>, vector<1x128xf32>
    %get3A_10 = arith.constant 0 : index
    %get3A_11 = memref.load %arg9[%get3A_10] : memref<1xf32, #tpu.memory_space<smem>>
    %get3A_12 = arith.constant 0 : index
    %get3A_13 = memref.load %arg10[%get3A_12] : memref<1xi32, #tpu.memory_space<smem>>
    %slice3A = vector.extract_strided_slice %get3A_5 {offsets = [0, 0], sizes = [1, 320], strides = [1, 1]} : vector<1x3200xi32> to vector<1x320xi32>
    %reshape3A = vector.shape_cast %slice3A : vector<1x320xi32> to vector<320x1xi32>
    %eq3A_14 = vector.broadcast %reshape3A : vector<320x1xi32> to vector<320x320xi32>
    %eq3A_15 = vector.broadcast %slice3A : vector<1x320xi32> to vector<320x320xi32>
    %eq3A_16 = arith.cmpi eq, %eq3A_14, %eq3A_15 : vector<320x320xi32>
    %and3A = arith.andi %le3A, %eq3A_16 : vector<320x320xi1>
    %convert_element_type3A_17 = arith.extui %and3A : vector<320x320xi1> to vector<320x320xi32>
    %convert_element_type3A_18 = arith.sitofp %convert_element_type3A_17 : vector<320x320xi32> to vector<320x320xf32>
    %get3A_19 = arith.constant 0 : index
    %get3A_20 = arith.constant 0 : index
    %get3A_21 = vector.load %arg2[%get3A_19, %get3A_20] : memref<3200x128xf32, #tpu.memory_space<vmem>>, vector<320x128xf32>
    %dot_general3A = arith.constant dense<0.000000e+00> : vector<320x128xf32>
    %dot_general3A_22 = tpu.matmul %convert_element_type3A_18, %get3A_21, %dot_general3A {dimension_numbers = #tpu.dot_dimension_numbers<[1], [0], [0], [1], [0, 0, 1, 1], [], []>, transpose_lhs_hint = false} : vector<320x320xf32>, vector<320x128xf32>, vector<320x128xf32> -> vector<320x128xf32>
    %reduce_sum3A = arith.constant dense<0.000000e+00> : vector<320xf32>
    %reduce_sum3A_23 = vector.multi_reduction <add>, %convert_element_type3A_18, %reduce_sum3A [1] : vector<320x320xf32> to vector<320xf32>
    %broadcast_in_dim3A = vector.shape_cast %reduce_sum3A_23 : vector<320xf32> to vector<320x1xf32>
    %eq3A_24 = vector.broadcast %get3A_13 : i32 to vector<320x1xi32>
    %eq3A_25 = arith.cmpi eq, %reshape3A, %eq3A_24 : vector<320x1xi32>
    %convert_element_type3A_26 = arith.extui %eq3A_25 : vector<320x1xi1> to vector<320x1xi32>
    %convert_element_type3A_27 = arith.sitofp %convert_element_type3A_26 : vector<320x1xi32> to vector<320x1xf32>
    %mul3A = vector.broadcast %convert_element_type3A_27 : vector<320x1xf32> to vector<320x128xf32>
    %mul3A_28 = vector.broadcast %get3A_9 : vector<1x128xf32> to vector<320x128xf32>
    %mul3A_29 = arith.mulf %mul3A, %mul3A_28 : vector<320x128xf32>
    %add3A = arith.addf %dot_general3A_22, %mul3A_29 : vector<320x128xf32>
    %mul3A_30 = vector.broadcast %get3A_11 : f32 to vector<320x1xf32>
    %mul3A_31 = arith.mulf %convert_element_type3A_27, %mul3A_30 : vector<320x1xf32>
    %add3A_32 = arith.addf %broadcast_in_dim3A, %mul3A_31 : vector<320x1xf32>
    %div3A = vector.broadcast %add3A_32 : vector<320x1xf32> to vector<320x128xf32>
    %div3A_33 = arith.divf %add3A, %div3A : vector<320x128xf32>
    %slice3A_34 = vector.extract_strided_slice %add3A {offsets = [319, 0], sizes = [1, 128], strides = [1, 1]} : vector<320x128xf32> to vector<1x128xf32>
    %slice3A_35 = vector.extract_strided_slice %add3A_32 {offsets = [319, 0], sizes = [1, 1], strides = [1, 1]} : vector<320x1xf32> to vector<1x1xf32>
    %squeeze3A = vector.extract %slice3A_35[0, 0] : f32 from vector<1x1xf32>
    %slice3A_36 = vector.extract_strided_slice %reshape3A {offsets = [319, 0], sizes = [1, 1], strides = [1, 1]} : vector<320x1xi32> to vector<1x1xi32>
    %squeeze3A_37 = vector.extract %slice3A_36[0, 0] : i32 from vector<1x1xi32>
    %slice3A_38 = vector.extract_strided_slice %get3A_5 {offsets = [0, 320], sizes = [1, 320], strides = [1, 1]} : vector<1x3200xi32> to vector<1x320xi32>
    %reshape3A_39 = vector.shape_cast %slice3A_38 : vector<1x320xi32> to vector<320x1xi32>
    %eq3A_40 = vector.broadcast %reshape3A_39 : vector<320x1xi32> to vector<320x320xi32>
    %eq3A_41 = vector.broadcast %slice3A_38 : vector<1x320xi32> to vector<320x320xi32>
    %eq3A_42 = arith.cmpi eq, %eq3A_40, %eq3A_41 : vector<320x320xi32>
    %and3A_43 = arith.andi %le3A, %eq3A_42 : vector<320x320xi1>
    %convert_element_type3A_44 = arith.extui %and3A_43 : vector<320x320xi1> to vector<320x320xi32>
    %convert_element_type3A_45 = arith.sitofp %convert_element_type3A_44 : vector<320x320xi32> to vector<320x320xf32>
    %get3A_46 = arith.constant 320 : index
    %get3A_47 = arith.constant 0 : index
    %get3A_48 = vector.load %arg2[%get3A_46, %get3A_47] : memref<3200x128xf32, #tpu.memory_space<vmem>>, vector<320x128xf32>
    %dot_general3A_49 = arith.constant dense<0.000000e+00> : vector<320x128xf32>
    %dot_general3A_50 = tpu.matmul %convert_element_type3A_45, %get3A_48, %dot_general3A_49 {dimension_numbers = #tpu.dot_dimension_numbers<[1], [0], [0], [1], [0, 0, 1, 1], [], []>, transpose_lhs_hint = false} : vector<320x320xf32>, vector<320x128xf32>, vector<320x128xf32> -> vector<320x128xf32>
    %reduce_sum3A_51 = arith.constant dense<0.000000e+00> : vector<320xf32>
    %reduce_sum3A_52 = vector.multi_reduction <add>, %convert_element_type3A_45, %reduce_sum3A_51 [1] : vector<320x320xf32> to vector<320xf32>
    %broadcast_in_dim3A_53 = vector.shape_cast %reduce_sum3A_52 : vector<320xf32> to vector<320x1xf32>
    %eq3A_54 = vector.broadcast %squeeze3A_37 : i32 to vector<320x1xi32>
    %eq3A_55 = arith.cmpi eq, %reshape3A_39, %eq3A_54 : vector<320x1xi32>
    %convert_element_type3A_56 = arith.extui %eq3A_55 : vector<320x1xi1> to vector<320x1xi32>
    %convert_element_type3A_57 = arith.sitofp %convert_element_type3A_56 : vector<320x1xi32> to vector<320x1xf32>
    %mul3A_58 = vector.broadcast %convert_element_type3A_57 : vector<320x1xf32> to vector<320x128xf32>
    %mul3A_59 = vector.broadcast %slice3A_34 : vector<1x128xf32> to vector<320x128xf32>
    %mul3A_60 = arith.mulf %mul3A_58, %mul3A_59 : vector<320x128xf32>
    %add3A_61 = arith.addf %dot_general3A_50, %mul3A_60 : vector<320x128xf32>
    %mul3A_62 = vector.broadcast %squeeze3A : f32 to vector<320x1xf32>
    %mul3A_63 = arith.mulf %convert_element_type3A_57, %mul3A_62 : vector<320x1xf32>
    %add3A_64 = arith.addf %broadcast_in_dim3A_53, %mul3A_63 : vector<320x1xf32>
    %div3A_65 = vector.broadcast %add3A_64 : vector<320x1xf32> to vector<320x128xf32>
    %div3A_66 = arith.divf %add3A_61, %div3A_65 : vector<320x128xf32>
    %slice3A_67 = vector.extract_strided_slice %add3A_61 {offsets = [319, 0], sizes = [1, 128], strides = [1, 1]} : vector<320x128xf32> to vector<1x128xf32>
    %slice3A_68 = vector.extract_strided_slice %add3A_64 {offsets = [319, 0], sizes = [1, 1], strides = [1, 1]} : vector<320x1xf32> to vector<1x1xf32>
    %squeeze3A_69 = vector.extract %slice3A_68[0, 0] : f32 from vector<1x1xf32>
    %slice3A_70 = vector.extract_strided_slice %reshape3A_39 {offsets = [319, 0], sizes = [1, 1], strides = [1, 1]} : vector<320x1xi32> to vector<1x1xi32>
    %squeeze3A_71 = vector.extract %slice3A_70[0, 0] : i32 from vector<1x1xi32>
    %slice3A_72 = vector.extract_strided_slice %get3A_5 {offsets = [0, 640], sizes = [1, 320], strides = [1, 1]} : vector<1x3200xi32> to vector<1x320xi32>
    %reshape3A_73 = vector.shape_cast %slice3A_72 : vector<1x320xi32> to vector<320x1xi32>
    %eq3A_74 = vector.broadcast %reshape3A_73 : vector<320x1xi32> to vector<320x320xi32>
    %eq3A_75 = vector.broadcast %slice3A_72 : vector<1x320xi32> to vector<320x320xi32>
    %eq3A_76 = arith.cmpi eq, %eq3A_74, %eq3A_75 : vector<320x320xi32>
    %and3A_77 = arith.andi %le3A, %eq3A_76 : vector<320x320xi1>
    %convert_element_type3A_78 = arith.extui %and3A_77 : vector<320x320xi1> to vector<320x320xi32>
    %convert_element_type3A_79 = arith.sitofp %convert_element_type3A_78 : vector<320x320xi32> to vector<320x320xf32>
    %get3A_80 = arith.constant 640 : index
    %get3A_81 = arith.constant 0 : index
    %get3A_82 = vector.load %arg2[%get3A_80, %get3A_81] : memref<3200x128xf32, #tpu.memory_space<vmem>>, vector<320x128xf32>
    %dot_general3A_83 = arith.constant dense<0.000000e+00> : vector<320x128xf32>
    %dot_general3A_84 = tpu.matmul %convert_element_type3A_79, %get3A_82, %dot_general3A_83 {dimension_numbers = #tpu.dot_dimension_numbers<[1], [0], [0], [1], [0, 0, 1, 1], [], []>, transpose_lhs_hint = false} : vector<320x320xf32>, vector<320x128xf32>, vector<320x128xf32> -> vector<320x128xf32>
    %reduce_sum3A_85 = arith.constant dense<0.000000e+00> : vector<320xf32>
    %reduce_sum3A_86 = vector.multi_reduction <add>, %convert_element_type3A_79, %reduce_sum3A_85 [1] : vector<320x320xf32> to vector<320xf32>
    %broadcast_in_dim3A_87 = vector.shape_cast %reduce_sum3A_86 : vector<320xf32> to vector<320x1xf32>
    %eq3A_88 = vector.broadcast %squeeze3A_71 : i32 to vector<320x1xi32>
    %eq3A_89 = arith.cmpi eq, %reshape3A_73, %eq3A_88 : vector<320x1xi32>
    %convert_element_type3A_90 = arith.extui %eq3A_89 : vector<320x1xi1> to vector<320x1xi32>
    %convert_element_type3A_91 = arith.sitofp %convert_element_type3A_90 : vector<320x1xi32> to vector<320x1xf32>
    %mul3A_92 = vector.broadcast %convert_element_type3A_91 : vector<320x1xf32> to vector<320x128xf32>
    %mul3A_93 = vector.broadcast %slice3A_67 : vector<1x128xf32> to vector<320x128xf32>
    %mul3A_94 = arith.mulf %mul3A_92, %mul3A_93 : vector<320x128xf32>
    %add3A_95 = arith.addf %dot_general3A_84, %mul3A_94 : vector<320x128xf32>
    %mul3A_96 = vector.broadcast %squeeze3A_69 : f32 to vector<320x1xf32>
    %mul3A_97 = arith.mulf %convert_element_type3A_91, %mul3A_96 : vector<320x1xf32>
    %add3A_98 = arith.addf %broadcast_in_dim3A_87, %mul3A_97 : vector<320x1xf32>
    %div3A_99 = vector.broadcast %add3A_98 : vector<320x1xf32> to vector<320x128xf32>
    %div3A_100 = arith.divf %add3A_95, %div3A_99 : vector<320x128xf32>
    %slice3A_101 = vector.extract_strided_slice %add3A_95 {offsets = [319, 0], sizes = [1, 128], strides = [1, 1]} : vector<320x128xf32> to vector<1x128xf32>
    %slice3A_102 = vector.extract_strided_slice %add3A_98 {offsets = [319, 0], sizes = [1, 1], strides = [1, 1]} : vector<320x1xf32> to vector<1x1xf32>
    %squeeze3A_103 = vector.extract %slice3A_102[0, 0] : f32 from vector<1x1xf32>
    %slice3A_104 = vector.extract_strided_slice %reshape3A_73 {offsets = [319, 0], sizes = [1, 1], strides = [1, 1]} : vector<320x1xi32> to vector<1x1xi32>
    %squeeze3A_105 = vector.extract %slice3A_104[0, 0] : i32 from vector<1x1xi32>
    %slice3A_106 = vector.extract_strided_slice %get3A_5 {offsets = [0, 960], sizes = [1, 320], strides = [1, 1]} : vector<1x3200xi32> to vector<1x320xi32>
    %reshape3A_107 = vector.shape_cast %slice3A_106 : vector<1x320xi32> to vector<320x1xi32>
    %eq3A_108 = vector.broadcast %reshape3A_107 : vector<320x1xi32> to vector<320x320xi32>
    %eq3A_109 = vector.broadcast %slice3A_106 : vector<1x320xi32> to vector<320x320xi32>
    %eq3A_110 = arith.cmpi eq, %eq3A_108, %eq3A_109 : vector<320x320xi32>
    %and3A_111 = arith.andi %le3A, %eq3A_110 : vector<320x320xi1>
    %convert_element_type3A_112 = arith.extui %and3A_111 : vector<320x320xi1> to vector<320x320xi32>
    %convert_element_type3A_113 = arith.sitofp %convert_element_type3A_112 : vector<320x320xi32> to vector<320x320xf32>
    %get3A_114 = arith.constant 960 : index
    %get3A_115 = arith.constant 0 : index
    %get3A_116 = vector.load %arg2[%get3A_114, %get3A_115] : memref<3200x128xf32, #tpu.memory_space<vmem>>, vector<320x128xf32>
    %dot_general3A_117 = arith.constant dense<0.000000e+00> : vector<320x128xf32>
    %dot_general3A_118 = tpu.matmul %convert_element_type3A_113, %get3A_116, %dot_general3A_117 {dimension_numbers = #tpu.dot_dimension_numbers<[1], [0], [0], [1], [0, 0, 1, 1], [], []>, transpose_lhs_hint = false} : vector<320x320xf32>, vector<320x128xf32>, vector<320x128xf32> -> vector<320x128xf32>
    %reduce_sum3A_119 = arith.constant dense<0.000000e+00> : vector<320xf32>
    %reduce_sum3A_120 = vector.multi_reduction <add>, %convert_element_type3A_113, %reduce_sum3A_119 [1] : vector<320x320xf32> to vector<320xf32>
    %broadcast_in_dim3A_121 = vector.shape_cast %reduce_sum3A_120 : vector<320xf32> to vector<320x1xf32>
    %eq3A_122 = vector.broadcast %squeeze3A_105 : i32 to vector<320x1xi32>
    %eq3A_123 = arith.cmpi eq, %reshape3A_107, %eq3A_122 : vector<320x1xi32>
    %convert_element_type3A_124 = arith.extui %eq3A_123 : vector<320x1xi1> to vector<320x1xi32>
    %convert_element_type3A_125 = arith.sitofp %convert_element_type3A_124 : vector<320x1xi32> to vector<320x1xf32>
    %mul3A_126 = vector.broadcast %convert_element_type3A_125 : vector<320x1xf32> to vector<320x128xf32>
    %mul3A_127 = vector.broadcast %slice3A_101 : vector<1x128xf32> to vector<320x128xf32>
    %mul3A_128 = arith.mulf %mul3A_126, %mul3A_127 : vector<320x128xf32>
    %add3A_129 = arith.addf %dot_general3A_118, %mul3A_128 : vector<320x128xf32>
    %mul3A_130 = vector.broadcast %squeeze3A_103 : f32 to vector<320x1xf32>
    %mul3A_131 = arith.mulf %convert_element_type3A_125, %mul3A_130 : vector<320x1xf32>
    %add3A_132 = arith.addf %broadcast_in_dim3A_121, %mul3A_131 : vector<320x1xf32>
    %div3A_133 = vector.broadcast %add3A_132 : vector<320x1xf32> to vector<320x128xf32>
    %div3A_134 = arith.divf %add3A_129, %div3A_133 : vector<320x128xf32>
    %slice3A_135 = vector.extract_strided_slice %add3A_129 {offsets = [319, 0], sizes = [1, 128], strides = [1, 1]} : vector<320x128xf32> to vector<1x128xf32>
    %slice3A_136 = vector.extract_strided_slice %add3A_132 {offsets = [319, 0], sizes = [1, 1], strides = [1, 1]} : vector<320x1xf32> to vector<1x1xf32>
    %squeeze3A_137 = vector.extract %slice3A_136[0, 0] : f32 from vector<1x1xf32>
    %slice3A_138 = vector.extract_strided_slice %reshape3A_107 {offsets = [319, 0], sizes = [1, 1], strides = [1, 1]} : vector<320x1xi32> to vector<1x1xi32>
    %squeeze3A_139 = vector.extract %slice3A_138[0, 0] : i32 from vector<1x1xi32>
    %slice3A_140 = vector.extract_strided_slice %get3A_5 {offsets = [0, 1280], sizes = [1, 320], strides = [1, 1]} : vector<1x3200xi32> to vector<1x320xi32>
    %reshape3A_141 = vector.shape_cast %slice3A_140 : vector<1x320xi32> to vector<320x1xi32>
    %eq3A_142 = vector.broadcast %reshape3A_141 : vector<320x1xi32> to vector<320x320xi32>
    %eq3A_143 = vector.broadcast %slice3A_140 : vector<1x320xi32> to vector<320x320xi32>
    %eq3A_144 = arith.cmpi eq, %eq3A_142, %eq3A_143 : vector<320x320xi32>
    %and3A_145 = arith.andi %le3A, %eq3A_144 : vector<320x320xi1>
    %convert_element_type3A_146 = arith.extui %and3A_145 : vector<320x320xi1> to vector<320x320xi32>
    %convert_element_type3A_147 = arith.sitofp %convert_element_type3A_146 : vector<320x320xi32> to vector<320x320xf32>
    %get3A_148 = arith.constant 1280 : index
    %get3A_149 = arith.constant 0 : index
    %get3A_150 = vector.load %arg2[%get3A_148, %get3A_149] : memref<3200x128xf32, #tpu.memory_space<vmem>>, vector<320x128xf32>
    %dot_general3A_151 = arith.constant dense<0.000000e+00> : vector<320x128xf32>
    %dot_general3A_152 = tpu.matmul %convert_element_type3A_147, %get3A_150, %dot_general3A_151 {dimension_numbers = #tpu.dot_dimension_numbers<[1], [0], [0], [1], [0, 0, 1, 1], [], []>, transpose_lhs_hint = false} : vector<320x320xf32>, vector<320x128xf32>, vector<320x128xf32> -> vector<320x128xf32>
    %reduce_sum3A_153 = arith.constant dense<0.000000e+00> : vector<320xf32>
    %reduce_sum3A_154 = vector.multi_reduction <add>, %convert_element_type3A_147, %reduce_sum3A_153 [1] : vector<320x320xf32> to vector<320xf32>
    %broadcast_in_dim3A_155 = vector.shape_cast %reduce_sum3A_154 : vector<320xf32> to vector<320x1xf32>
    %eq3A_156 = vector.broadcast %squeeze3A_139 : i32 to vector<320x1xi32>
    %eq3A_157 = arith.cmpi eq, %reshape3A_141, %eq3A_156 : vector<320x1xi32>
    %convert_element_type3A_158 = arith.extui %eq3A_157 : vector<320x1xi1> to vector<320x1xi32>
    %convert_element_type3A_159 = arith.sitofp %convert_element_type3A_158 : vector<320x1xi32> to vector<320x1xf32>
    %mul3A_160 = vector.broadcast %convert_element_type3A_159 : vector<320x1xf32> to vector<320x128xf32>
    %mul3A_161 = vector.broadcast %slice3A_135 : vector<1x128xf32> to vector<320x128xf32>
    %mul3A_162 = arith.mulf %mul3A_160, %mul3A_161 : vector<320x128xf32>
    %add3A_163 = arith.addf %dot_general3A_152, %mul3A_162 : vector<320x128xf32>
    %mul3A_164 = vector.broadcast %squeeze3A_137 : f32 to vector<320x1xf32>
    %mul3A_165 = arith.mulf %convert_element_type3A_159, %mul3A_164 : vector<320x1xf32>
    %add3A_166 = arith.addf %broadcast_in_dim3A_155, %mul3A_165 : vector<320x1xf32>
    %div3A_167 = vector.broadcast %add3A_166 : vector<320x1xf32> to vector<320x128xf32>
    %div3A_168 = arith.divf %add3A_163, %div3A_167 : vector<320x128xf32>
    %slice3A_169 = vector.extract_strided_slice %add3A_163 {offsets = [319, 0], sizes = [1, 128], strides = [1, 1]} : vector<320x128xf32> to vector<1x128xf32>
    %slice3A_170 = vector.extract_strided_slice %add3A_166 {offsets = [319, 0], sizes = [1, 1], strides = [1, 1]} : vector<320x1xf32> to vector<1x1xf32>
    %squeeze3A_171 = vector.extract %slice3A_170[0, 0] : f32 from vector<1x1xf32>
    %slice3A_172 = vector.extract_strided_slice %reshape3A_141 {offsets = [319, 0], sizes = [1, 1], strides = [1, 1]} : vector<320x1xi32> to vector<1x1xi32>
    %squeeze3A_173 = vector.extract %slice3A_172[0, 0] : i32 from vector<1x1xi32>
    %slice3A_174 = vector.extract_strided_slice %get3A_5 {offsets = [0, 1600], sizes = [1, 320], strides = [1, 1]} : vector<1x3200xi32> to vector<1x320xi32>
    %reshape3A_175 = vector.shape_cast %slice3A_174 : vector<1x320xi32> to vector<320x1xi32>
    %eq3A_176 = vector.broadcast %reshape3A_175 : vector<320x1xi32> to vector<320x320xi32>
    %eq3A_177 = vector.broadcast %slice3A_174 : vector<1x320xi32> to vector<320x320xi32>
    %eq3A_178 = arith.cmpi eq, %eq3A_176, %eq3A_177 : vector<320x320xi32>
    %and3A_179 = arith.andi %le3A, %eq3A_178 : vector<320x320xi1>
    %convert_element_type3A_180 = arith.extui %and3A_179 : vector<320x320xi1> to vector<320x320xi32>
    %convert_element_type3A_181 = arith.sitofp %convert_element_type3A_180 : vector<320x320xi32> to vector<320x320xf32>
    %get3A_182 = arith.constant 1600 : index
    %get3A_183 = arith.constant 0 : index
    %get3A_184 = vector.load %arg2[%get3A_182, %get3A_183] : memref<3200x128xf32, #tpu.memory_space<vmem>>, vector<320x128xf32>
    %dot_general3A_185 = arith.constant dense<0.000000e+00> : vector<320x128xf32>
    %dot_general3A_186 = tpu.matmul %convert_element_type3A_181, %get3A_184, %dot_general3A_185 {dimension_numbers = #tpu.dot_dimension_numbers<[1], [0], [0], [1], [0, 0, 1, 1], [], []>, transpose_lhs_hint = false} : vector<320x320xf32>, vector<320x128xf32>, vector<320x128xf32> -> vector<320x128xf32>
    %reduce_sum3A_187 = arith.constant dense<0.000000e+00> : vector<320xf32>
    %reduce_sum3A_188 = vector.multi_reduction <add>, %convert_element_type3A_181, %reduce_sum3A_187 [1] : vector<320x320xf32> to vector<320xf32>
    %broadcast_in_dim3A_189 = vector.shape_cast %reduce_sum3A_188 : vector<320xf32> to vector<320x1xf32>
    %eq3A_190 = vector.broadcast %squeeze3A_173 : i32 to vector<320x1xi32>
    %eq3A_191 = arith.cmpi eq, %reshape3A_175, %eq3A_190 : vector<320x1xi32>
    %convert_element_type3A_192 = arith.extui %eq3A_191 : vector<320x1xi1> to vector<320x1xi32>
    %convert_element_type3A_193 = arith.sitofp %convert_element_type3A_192 : vector<320x1xi32> to vector<320x1xf32>
    %mul3A_194 = vector.broadcast %convert_element_type3A_193 : vector<320x1xf32> to vector<320x128xf32>
    %mul3A_195 = vector.broadcast %slice3A_169 : vector<1x128xf32> to vector<320x128xf32>
    %mul3A_196 = arith.mulf %mul3A_194, %mul3A_195 : vector<320x128xf32>
    %add3A_197 = arith.addf %dot_general3A_186, %mul3A_196 : vector<320x128xf32>
    %mul3A_198 = vector.broadcast %squeeze3A_171 : f32 to vector<320x1xf32>
    %mul3A_199 = arith.mulf %convert_element_type3A_193, %mul3A_198 : vector<320x1xf32>
    %add3A_200 = arith.addf %broadcast_in_dim3A_189, %mul3A_199 : vector<320x1xf32>
    %div3A_201 = vector.broadcast %add3A_200 : vector<320x1xf32> to vector<320x128xf32>
    %div3A_202 = arith.divf %add3A_197, %div3A_201 : vector<320x128xf32>
    %slice3A_203 = vector.extract_strided_slice %add3A_197 {offsets = [319, 0], sizes = [1, 128], strides = [1, 1]} : vector<320x128xf32> to vector<1x128xf32>
    %slice3A_204 = vector.extract_strided_slice %add3A_200 {offsets = [319, 0], sizes = [1, 1], strides = [1, 1]} : vector<320x1xf32> to vector<1x1xf32>
    %squeeze3A_205 = vector.extract %slice3A_204[0, 0] : f32 from vector<1x1xf32>
    %slice3A_206 = vector.extract_strided_slice %reshape3A_175 {offsets = [319, 0], sizes = [1, 1], strides = [1, 1]} : vector<320x1xi32> to vector<1x1xi32>
    %squeeze3A_207 = vector.extract %slice3A_206[0, 0] : i32 from vector<1x1xi32>
    %slice3A_208 = vector.extract_strided_slice %get3A_5 {offsets = [0, 1920], sizes = [1, 320], strides = [1, 1]} : vector<1x3200xi32> to vector<1x320xi32>
    %reshape3A_209 = vector.shape_cast %slice3A_208 : vector<1x320xi32> to vector<320x1xi32>
    %eq3A_210 = vector.broadcast %reshape3A_209 : vector<320x1xi32> to vector<320x320xi32>
    %eq3A_211 = vector.broadcast %slice3A_208 : vector<1x320xi32> to vector<320x320xi32>
    %eq3A_212 = arith.cmpi eq, %eq3A_210, %eq3A_211 : vector<320x320xi32>
    %and3A_213 = arith.andi %le3A, %eq3A_212 : vector<320x320xi1>
    %convert_element_type3A_214 = arith.extui %and3A_213 : vector<320x320xi1> to vector<320x320xi32>
    %convert_element_type3A_215 = arith.sitofp %convert_element_type3A_214 : vector<320x320xi32> to vector<320x320xf32>
    %get3A_216 = arith.constant 1920 : index
    %get3A_217 = arith.constant 0 : index
    %get3A_218 = vector.load %arg2[%get3A_216, %get3A_217] : memref<3200x128xf32, #tpu.memory_space<vmem>>, vector<320x128xf32>
    %dot_general3A_219 = arith.constant dense<0.000000e+00> : vector<320x128xf32>
    %dot_general3A_220 = tpu.matmul %convert_element_type3A_215, %get3A_218, %dot_general3A_219 {dimension_numbers = #tpu.dot_dimension_numbers<[1], [0], [0], [1], [0, 0, 1, 1], [], []>, transpose_lhs_hint = false} : vector<320x320xf32>, vector<320x128xf32>, vector<320x128xf32> -> vector<320x128xf32>
    %reduce_sum3A_221 = arith.constant dense<0.000000e+00> : vector<320xf32>
    %reduce_sum3A_222 = vector.multi_reduction <add>, %convert_element_type3A_215, %reduce_sum3A_221 [1] : vector<320x320xf32> to vector<320xf32>
    %broadcast_in_dim3A_223 = vector.shape_cast %reduce_sum3A_222 : vector<320xf32> to vector<320x1xf32>
    %eq3A_224 = vector.broadcast %squeeze3A_207 : i32 to vector<320x1xi32>
    %eq3A_225 = arith.cmpi eq, %reshape3A_209, %eq3A_224 : vector<320x1xi32>
    %convert_element_type3A_226 = arith.extui %eq3A_225 : vector<320x1xi1> to vector<320x1xi32>
    %convert_element_type3A_227 = arith.sitofp %convert_element_type3A_226 : vector<320x1xi32> to vector<320x1xf32>
    %mul3A_228 = vector.broadcast %convert_element_type3A_227 : vector<320x1xf32> to vector<320x128xf32>
    %mul3A_229 = vector.broadcast %slice3A_203 : vector<1x128xf32> to vector<320x128xf32>
    %mul3A_230 = arith.mulf %mul3A_228, %mul3A_229 : vector<320x128xf32>
    %add3A_231 = arith.addf %dot_general3A_220, %mul3A_230 : vector<320x128xf32>
    %mul3A_232 = vector.broadcast %squeeze3A_205 : f32 to vector<320x1xf32>
    %mul3A_233 = arith.mulf %convert_element_type3A_227, %mul3A_232 : vector<320x1xf32>
    %add3A_234 = arith.addf %broadcast_in_dim3A_223, %mul3A_233 : vector<320x1xf32>
    %div3A_235 = vector.broadcast %add3A_234 : vector<320x1xf32> to vector<320x128xf32>
    %div3A_236 = arith.divf %add3A_231, %div3A_235 : vector<320x128xf32>
    %slice3A_237 = vector.extract_strided_slice %add3A_231 {offsets = [319, 0], sizes = [1, 128], strides = [1, 1]} : vector<320x128xf32> to vector<1x128xf32>
    %slice3A_238 = vector.extract_strided_slice %add3A_234 {offsets = [319, 0], sizes = [1, 1], strides = [1, 1]} : vector<320x1xf32> to vector<1x1xf32>
    %squeeze3A_239 = vector.extract %slice3A_238[0, 0] : f32 from vector<1x1xf32>
    %slice3A_240 = vector.extract_strided_slice %reshape3A_209 {offsets = [319, 0], sizes = [1, 1], strides = [1, 1]} : vector<320x1xi32> to vector<1x1xi32>
    %squeeze3A_241 = vector.extract %slice3A_240[0, 0] : i32 from vector<1x1xi32>
    %slice3A_242 = vector.extract_strided_slice %get3A_5 {offsets = [0, 2240], sizes = [1, 320], strides = [1, 1]} : vector<1x3200xi32> to vector<1x320xi32>
    %reshape3A_243 = vector.shape_cast %slice3A_242 : vector<1x320xi32> to vector<320x1xi32>
    %eq3A_244 = vector.broadcast %reshape3A_243 : vector<320x1xi32> to vector<320x320xi32>
    %eq3A_245 = vector.broadcast %slice3A_242 : vector<1x320xi32> to vector<320x320xi32>
    %eq3A_246 = arith.cmpi eq, %eq3A_244, %eq3A_245 : vector<320x320xi32>
    %and3A_247 = arith.andi %le3A, %eq3A_246 : vector<320x320xi1>
    %convert_element_type3A_248 = arith.extui %and3A_247 : vector<320x320xi1> to vector<320x320xi32>
    %convert_element_type3A_249 = arith.sitofp %convert_element_type3A_248 : vector<320x320xi32> to vector<320x320xf32>
    %get3A_250 = arith.constant 2240 : index
    %get3A_251 = arith.constant 0 : index
    %get3A_252 = vector.load %arg2[%get3A_250, %get3A_251] : memref<3200x128xf32, #tpu.memory_space<vmem>>, vector<320x128xf32>
    %dot_general3A_253 = arith.constant dense<0.000000e+00> : vector<320x128xf32>
    %dot_general3A_254 = tpu.matmul %convert_element_type3A_249, %get3A_252, %dot_general3A_253 {dimension_numbers = #tpu.dot_dimension_numbers<[1], [0], [0], [1], [0, 0, 1, 1], [], []>, transpose_lhs_hint = false} : vector<320x320xf32>, vector<320x128xf32>, vector<320x128xf32> -> vector<320x128xf32>
    %reduce_sum3A_255 = arith.constant dense<0.000000e+00> : vector<320xf32>
    %reduce_sum3A_256 = vector.multi_reduction <add>, %convert_element_type3A_249, %reduce_sum3A_255 [1] : vector<320x320xf32> to vector<320xf32>
    %broadcast_in_dim3A_257 = vector.shape_cast %reduce_sum3A_256 : vector<320xf32> to vector<320x1xf32>
    %eq3A_258 = vector.broadcast %squeeze3A_241 : i32 to vector<320x1xi32>
    %eq3A_259 = arith.cmpi eq, %reshape3A_243, %eq3A_258 : vector<320x1xi32>
    %convert_element_type3A_260 = arith.extui %eq3A_259 : vector<320x1xi1> to vector<320x1xi32>
    %convert_element_type3A_261 = arith.sitofp %convert_element_type3A_260 : vector<320x1xi32> to vector<320x1xf32>
    %mul3A_262 = vector.broadcast %convert_element_type3A_261 : vector<320x1xf32> to vector<320x128xf32>
    %mul3A_263 = vector.broadcast %slice3A_237 : vector<1x128xf32> to vector<320x128xf32>
    %mul3A_264 = arith.mulf %mul3A_262, %mul3A_263 : vector<320x128xf32>
    %add3A_265 = arith.addf %dot_general3A_254, %mul3A_264 : vector<320x128xf32>
    %mul3A_266 = vector.broadcast %squeeze3A_239 : f32 to vector<320x1xf32>
    %mul3A_267 = arith.mulf %convert_element_type3A_261, %mul3A_266 : vector<320x1xf32>
    %add3A_268 = arith.addf %broadcast_in_dim3A_257, %mul3A_267 : vector<320x1xf32>
    %div3A_269 = vector.broadcast %add3A_268 : vector<320x1xf32> to vector<320x128xf32>
    %div3A_270 = arith.divf %add3A_265, %div3A_269 : vector<320x128xf32>
    %slice3A_271 = vector.extract_strided_slice %add3A_265 {offsets = [319, 0], sizes = [1, 128], strides = [1, 1]} : vector<320x128xf32> to vector<1x128xf32>
    %slice3A_272 = vector.extract_strided_slice %add3A_268 {offsets = [319, 0], sizes = [1, 1], strides = [1, 1]} : vector<320x1xf32> to vector<1x1xf32>
    %squeeze3A_273 = vector.extract %slice3A_272[0, 0] : f32 from vector<1x1xf32>
    %slice3A_274 = vector.extract_strided_slice %reshape3A_243 {offsets = [319, 0], sizes = [1, 1], strides = [1, 1]} : vector<320x1xi32> to vector<1x1xi32>
    %squeeze3A_275 = vector.extract %slice3A_274[0, 0] : i32 from vector<1x1xi32>
    %slice3A_276 = vector.extract_strided_slice %get3A_5 {offsets = [0, 2560], sizes = [1, 320], strides = [1, 1]} : vector<1x3200xi32> to vector<1x320xi32>
    %reshape3A_277 = vector.shape_cast %slice3A_276 : vector<1x320xi32> to vector<320x1xi32>
    %eq3A_278 = vector.broadcast %reshape3A_277 : vector<320x1xi32> to vector<320x320xi32>
    %eq3A_279 = vector.broadcast %slice3A_276 : vector<1x320xi32> to vector<320x320xi32>
    %eq3A_280 = arith.cmpi eq, %eq3A_278, %eq3A_279 : vector<320x320xi32>
    %and3A_281 = arith.andi %le3A, %eq3A_280 : vector<320x320xi1>
    %convert_element_type3A_282 = arith.extui %and3A_281 : vector<320x320xi1> to vector<320x320xi32>
    %convert_element_type3A_283 = arith.sitofp %convert_element_type3A_282 : vector<320x320xi32> to vector<320x320xf32>
    %get3A_284 = arith.constant 2560 : index
    %get3A_285 = arith.constant 0 : index
    %get3A_286 = vector.load %arg2[%get3A_284, %get3A_285] : memref<3200x128xf32, #tpu.memory_space<vmem>>, vector<320x128xf32>
    %dot_general3A_287 = arith.constant dense<0.000000e+00> : vector<320x128xf32>
    %dot_general3A_288 = tpu.matmul %convert_element_type3A_283, %get3A_286, %dot_general3A_287 {dimension_numbers = #tpu.dot_dimension_numbers<[1], [0], [0], [1], [0, 0, 1, 1], [], []>, transpose_lhs_hint = false} : vector<320x320xf32>, vector<320x128xf32>, vector<320x128xf32> -> vector<320x128xf32>
    %reduce_sum3A_289 = arith.constant dense<0.000000e+00> : vector<320xf32>
    %reduce_sum3A_290 = vector.multi_reduction <add>, %convert_element_type3A_283, %reduce_sum3A_289 [1] : vector<320x320xf32> to vector<320xf32>
    %broadcast_in_dim3A_291 = vector.shape_cast %reduce_sum3A_290 : vector<320xf32> to vector<320x1xf32>
    %eq3A_292 = vector.broadcast %squeeze3A_275 : i32 to vector<320x1xi32>
    %eq3A_293 = arith.cmpi eq, %reshape3A_277, %eq3A_292 : vector<320x1xi32>
    %convert_element_type3A_294 = arith.extui %eq3A_293 : vector<320x1xi1> to vector<320x1xi32>
    %convert_element_type3A_295 = arith.sitofp %convert_element_type3A_294 : vector<320x1xi32> to vector<320x1xf32>
    %mul3A_296 = vector.broadcast %convert_element_type3A_295 : vector<320x1xf32> to vector<320x128xf32>
    %mul3A_297 = vector.broadcast %slice3A_271 : vector<1x128xf32> to vector<320x128xf32>
    %mul3A_298 = arith.mulf %mul3A_296, %mul3A_297 : vector<320x128xf32>
    %add3A_299 = arith.addf %dot_general3A_288, %mul3A_298 : vector<320x128xf32>
    %mul3A_300 = vector.broadcast %squeeze3A_273 : f32 to vector<320x1xf32>
    %mul3A_301 = arith.mulf %convert_element_type3A_295, %mul3A_300 : vector<320x1xf32>
    %add3A_302 = arith.addf %broadcast_in_dim3A_291, %mul3A_301 : vector<320x1xf32>
    %div3A_303 = vector.broadcast %add3A_302 : vector<320x1xf32> to vector<320x128xf32>
    %div3A_304 = arith.divf %add3A_299, %div3A_303 : vector<320x128xf32>
    %slice3A_305 = vector.extract_strided_slice %add3A_299 {offsets = [319, 0], sizes = [1, 128], strides = [1, 1]} : vector<320x128xf32> to vector<1x128xf32>
    %slice3A_306 = vector.extract_strided_slice %add3A_302 {offsets = [319, 0], sizes = [1, 1], strides = [1, 1]} : vector<320x1xf32> to vector<1x1xf32>
    %squeeze3A_307 = vector.extract %slice3A_306[0, 0] : f32 from vector<1x1xf32>
    %slice3A_308 = vector.extract_strided_slice %reshape3A_277 {offsets = [319, 0], sizes = [1, 1], strides = [1, 1]} : vector<320x1xi32> to vector<1x1xi32>
    %squeeze3A_309 = vector.extract %slice3A_308[0, 0] : i32 from vector<1x1xi32>
    %slice3A_310 = vector.extract_strided_slice %get3A_5 {offsets = [0, 2880], sizes = [1, 320], strides = [1, 1]} : vector<1x3200xi32> to vector<1x320xi32>
    %reshape3A_311 = vector.shape_cast %slice3A_310 : vector<1x320xi32> to vector<320x1xi32>
    %eq3A_312 = vector.broadcast %reshape3A_311 : vector<320x1xi32> to vector<320x320xi32>
    %eq3A_313 = vector.broadcast %slice3A_310 : vector<1x320xi32> to vector<320x320xi32>
    %eq3A_314 = arith.cmpi eq, %eq3A_312, %eq3A_313 : vector<320x320xi32>
    %and3A_315 = arith.andi %le3A, %eq3A_314 : vector<320x320xi1>
    %convert_element_type3A_316 = arith.extui %and3A_315 : vector<320x320xi1> to vector<320x320xi32>
    %convert_element_type3A_317 = arith.sitofp %convert_element_type3A_316 : vector<320x320xi32> to vector<320x320xf32>
    %get3A_318 = arith.constant 2880 : index
    %get3A_319 = arith.constant 0 : index
    %get3A_320 = vector.load %arg2[%get3A_318, %get3A_319] : memref<3200x128xf32, #tpu.memory_space<vmem>>, vector<320x128xf32>
    %dot_general3A_321 = arith.constant dense<0.000000e+00> : vector<320x128xf32>
    %dot_general3A_322 = tpu.matmul %convert_element_type3A_317, %get3A_320, %dot_general3A_321 {dimension_numbers = #tpu.dot_dimension_numbers<[1], [0], [0], [1], [0, 0, 1, 1], [], []>, transpose_lhs_hint = false} : vector<320x320xf32>, vector<320x128xf32>, vector<320x128xf32> -> vector<320x128xf32>
    %reduce_sum3A_323 = arith.constant dense<0.000000e+00> : vector<320xf32>
    %reduce_sum3A_324 = vector.multi_reduction <add>, %convert_element_type3A_317, %reduce_sum3A_323 [1] : vector<320x320xf32> to vector<320xf32>
    %broadcast_in_dim3A_325 = vector.shape_cast %reduce_sum3A_324 : vector<320xf32> to vector<320x1xf32>
    %eq3A_326 = vector.broadcast %squeeze3A_309 : i32 to vector<320x1xi32>
    %eq3A_327 = arith.cmpi eq, %reshape3A_311, %eq3A_326 : vector<320x1xi32>
    %convert_element_type3A_328 = arith.extui %eq3A_327 : vector<320x1xi1> to vector<320x1xi32>
    %convert_element_type3A_329 = arith.sitofp %convert_element_type3A_328 : vector<320x1xi32> to vector<320x1xf32>
    %mul3A_330 = vector.broadcast %convert_element_type3A_329 : vector<320x1xf32> to vector<320x128xf32>
    %mul3A_331 = vector.broadcast %slice3A_305 : vector<1x128xf32> to vector<320x128xf32>
    %mul3A_332 = arith.mulf %mul3A_330, %mul3A_331 : vector<320x128xf32>
    %add3A_333 = arith.addf %dot_general3A_322, %mul3A_332 : vector<320x128xf32>
    %mul3A_334 = vector.broadcast %squeeze3A_307 : f32 to vector<320x1xf32>
    %mul3A_335 = arith.mulf %convert_element_type3A_329, %mul3A_334 : vector<320x1xf32>
    %add3A_336 = arith.addf %broadcast_in_dim3A_325, %mul3A_335 : vector<320x1xf32>
    %div3A_337 = vector.broadcast %add3A_336 : vector<320x1xf32> to vector<320x128xf32>
    %div3A_338 = arith.divf %add3A_333, %div3A_337 : vector<320x128xf32>
    %slice3A_339 = vector.extract_strided_slice %add3A_333 {offsets = [319, 0], sizes = [1, 128], strides = [1, 1]} : vector<320x128xf32> to vector<1x128xf32>
    %slice3A_340 = vector.extract_strided_slice %add3A_336 {offsets = [319, 0], sizes = [1, 1], strides = [1, 1]} : vector<320x1xf32> to vector<1x1xf32>
    %squeeze3A_341 = vector.extract %slice3A_340[0, 0] : f32 from vector<1x1xf32>
    %slice3A_342 = vector.extract_strided_slice %reshape3A_311 {offsets = [319, 0], sizes = [1, 1], strides = [1, 1]} : vector<320x1xi32> to vector<1x1xi32>
    %squeeze3A_343 = vector.extract %slice3A_342[0, 0] : i32 from vector<1x1xi32>
    %concatenate3A = tpu.concatenate %div3A_33, %div3A_66, %div3A_100, %div3A_134, %div3A_168, %div3A_202, %div3A_236, %div3A_270, %div3A_304, %div3A_338 in 0 : vector<320x128xf32>, vector<320x128xf32>, vector<320x128xf32>, vector<320x128xf32>, vector<320x128xf32>, vector<320x128xf32>, vector<320x128xf32>, vector<320x128xf32>, vector<320x128xf32>, vector<320x128xf32> -> vector<3200x128xf32>
    %swap3A = arith.constant 0 : index
    %swap3A_344 = arith.constant 0 : index
    %swap3A_345 = vector.load %arg8[%swap3A, %swap3A_344] : memref<1x128xf32, #tpu.memory_space<vmem>>, vector<1x128xf32>
    tpu.vector_store %arg8[%swap3A, %swap3A_344], %slice3A_339 {strides = array<i32>} : memref<1x128xf32, #tpu.memory_space<vmem>>, vector<1x128xf32>,
    %swap3A_346 = arith.constant 0 : index
    %swap3A_347 = memref.load %arg9[%swap3A_346] : memref<1xf32, #tpu.memory_space<smem>>
    memref.store %squeeze3A_341, %arg9[%swap3A_346] : memref<1xf32, #tpu.memory_space<smem>>
    %swap3A_348 = arith.constant 0 : index
    %swap3A_349 = memref.load %arg10[%swap3A_348] : memref<1xi32, #tpu.memory_space<smem>>
    memref.store %squeeze3A_343, %arg10[%swap3A_348] : memref<1xi32, #tpu.memory_space<smem>>
    %get3A_350 = arith.constant 0 : index
    %get3A_351 = arith.constant 0 : index
    %get3A_352 = vector.load %arg1[%get3A_350, %get3A_351] : memref<3200x128xf32, #tpu.memory_space<vmem>>, vector<3200x128xf32>
    %get3A_353 = arith.constant 0 : index
    %get3A_354 = arith.constant 0 : index
    %get3A_355 = vector.load %arg4[%get3A_353, %get3A_354] : memref<128x128xf32, #tpu.memory_space<vmem>>, vector<128x128xf32>
    %dot_general3A_356 = arith.constant dense<0.000000e+00> : vector<3200x128xf32>
    %dot_general3A_357 = tpu.matmul %get3A_352, %get3A_355, %dot_general3A_356 {dimension_numbers = #tpu.dot_dimension_numbers<[1], [0], [0], [1], [0, 0, 1, 1], [], []>, transpose_lhs_hint = false} : vector<3200x128xf32>, vector<128x128xf32>, vector<3200x128xf32> -> vector<3200x128xf32>
    %get3A_358 = arith.constant 0 : index
    %get3A_359 = arith.constant 0 : index
    %get3A_360 = vector.load %arg5[%get3A_358, %get3A_359] : memref<128x128xf32, #tpu.memory_space<vmem>>, vector<128x128xf32>
    %dot_general3A_361 = arith.constant dense<0.000000e+00> : vector<3200x128xf32>
    %dot_general3A_362 = tpu.matmul %concatenate3A, %get3A_360, %dot_general3A_361 {dimension_numbers = #tpu.dot_dimension_numbers<[1], [0], [0], [1], [0, 0, 1, 1], [], []>, transpose_lhs_hint = false} : vector<3200x128xf32>, vector<128x128xf32>, vector<3200x128xf32> -> vector<3200x128xf32>
    %add3A_363 = arith.addf %dot_general3A_357, %dot_general3A_362 : vector<3200x128xf32>
    %get3A_364 = arith.constant 0 : index
    %get3A_365 = arith.constant 0 : index
    %get3A_366 = vector.load %arg6[%get3A_364, %get3A_365] : memref<1x128xf32, #tpu.memory_space<vmem>>, vector<1x128xf32>
    %add3A_367 = vector.broadcast %get3A_366 : vector<1x128xf32> to vector<3200x128xf32>
    %add3A_368 = arith.addf %add3A_363, %add3A_367 : vector<3200x128xf32>
    %max3A = arith.constant 0.000000e+00 : f32
    %max3A_369 = vector.broadcast %max3A : f32 to vector<3200x128xf32>
    %max3A_370 = arith.maximumf %add3A_368, %max3A_369 : vector<3200x128xf32>
    %swap3A_371 = arith.constant 0 : index
    %swap3A_372 = arith.constant 0 : index
    %swap3A_373 = vector.load %arg7[%swap3A_371, %swap3A_372] : memref<3200x128xf32, #tpu.memory_space<vmem>>, vector<3200x128xf32>
    tpu.vector_store %arg7[%swap3A_371, %swap3A_372], %max3A_370 {strides = array<i32>} : memref<3200x128xf32, #tpu.memory_space<vmem>>, vector<3200x128xf32>,
    return
  }
  func.func @transform_0(%arg0: i32) -> (i32, i32) {
    %c0_i32 = arith.constant 0 : i32
    %c0_i32_0 = arith.constant 0 : i32
    return %arg0, %c0_i32 : i32, i32
  }
  func.func @transform_1(%arg0: i32) -> (i32, i32) {
    %c0_i32 = arith.constant 0 : i32
    %c0_i32_0 = arith.constant 0 : i32
    return %arg0, %c0_i32 : i32, i32
  }
  func.func @transform_2(%arg0: i32) -> (i32, i32, i32) {
    %c0_i32 = arith.constant 0 : i32
    %c0_i32_0 = arith.constant 0 : i32
    %c0_i32_1 = arith.constant 0 : i32
    return %arg0, %c0_i32, %c0_i32_0 : i32, i32, i32
  }
  func.func @transform_3(%arg0: i32) -> (i32, i32) {
    %c0_i32 = arith.constant 0 : i32
    %c0_i32_0 = arith.constant 0 : i32
    %c0_i32_1 = arith.constant 0 : i32
    return %c0_i32, %c0_i32_0 : i32, i32
  }
  func.func @transform_4(%arg0: i32) -> (i32, i32) {
    %c0_i32 = arith.constant 0 : i32
    %c0_i32_0 = arith.constant 0 : i32
    %c0_i32_1 = arith.constant 0 : i32
    return %c0_i32, %c0_i32_0 : i32, i32
  }
  func.func @transform_5(%arg0: i32) -> (i32, i32) {
    %c0_i32 = arith.constant 0 : i32
    %c0_i32_0 = arith.constant 0 : i32
    %c0_i32_1 = arith.constant 0 : i32
    return %c0_i32, %c0_i32_0 : i32, i32
  }
  func.func @transform_6(%arg0: i32) -> (i32, i32) {
    %c0_i32 = arith.constant 0 : i32
    %c0_i32_0 = arith.constant 0 : i32
    return %arg0, %c0_i32 : i32, i32
  }
}

</mosaic_0001>

<sc_bundles>
// kernel: kernel.10.cloned.1.call-start
scs
__scs_entry_jumppad:
0x0: {  	(pc) =	sbr.rel $0x88, $3  }
0x1: {  	(tag) =	ssettag $0x0;
	lr =	simm.s32 $0x1  }
0x2: {  	[smem:$0x3F90] =	sst lr;
	_ =	strace $0xD0000000  }
0x3: {  	_ = 	snop  }
0x4: {  	_ = 	snop  }
0x5: {  	_ = 	snop  }
0x6: {  	_ = 	snop  }
0x7: {  	_ = 	snop  }
__scs_overlays_trampoline_lowered:
0x8: {  	[smem:$0x3F9F] =	sst s0  }
0x9: {  	[smem:$0x3FA0] =	sst s1  }
0xa: {  	[smem:$0x3FA1] =	sst s2  }
0xb: {  	[smem:$0x3FA2] =	sst s3  }
0xc: {  	[smem:$0x3FA3] =	sst s4  }
0xd: {  	[smem:$0x3FA4] =	sst s5  }
0xe: {  	[smem:$0x3FA5] =	sst s6  }
0xf: {  	[smem:$0x3FA6] =	sst s7  }
0x10: {  	[smem:$0x3FA7] =	sst s8  }
0x11: {  	[smem:$0x3FA8] =	sst s9;
	s0 =	simm.s32 @!p0 $0x0  }
0x12: {  	s1 =	sld [smem:$0x3F8E];
	s0 =	simm.s32 @p0 $0x1  }
0x13: {  	[smem:$0x3FA9] =	sst s0;
	s0 =	simm.s32 @!p1 $0x0  }
0x14: {  	s2 =	sld [smem:$0x3F8D];
	s0 =	simm.s32 @p1 $0x1  }
0x15: {  	[smem:$0x3FAA] =	sst s0;
	s0 =	simm.s32 @!p2 $0x0  }
0x16: {  	s3 =	sld [smem:$0x3FDB];
	s0 =	simm.s32 @p2 $0x1  }
0x17: {  	s4 =	simm.s32 $0x1BF5;
	[smem:$0x3FAC] =	sst s0  }
0x18: {  	s0 =	sld [smem:$0x3F8F];
	_ =	swait.ge [sflag:s4], $0x0  }
0x19: {  	s7 =	sld [smem:$0x3F90]  }
0x1a: {  	s8 =	sadd.s32 $0xFFFFE003, lr  }
0x1b: {  	s9 =	sadd.s32 $0xFFFFFEF7, lr;
	s5 =	simm.s32 $0xFFFFFFFF;
	p2 =	slt.u32 s8, $0xFFFFF086  }
0x1c: {  	p1 =	slt.u32 s9, $0xF7A;
	s5 =	simm.s32 @!p2 $0x0  }
0x1d: {  	s5 =	simm.s32 @p1 $0x1;
	p0 =	seq.s32 s7, s2  }
0x1e: {  	s7 =	smul.u32 @!p0 $0xF7A, s2;
	p2 =	seq.s32 @!p0 s5, $0x0  }
0x1f: {  	s9 =	smul.u32 $0xF7A, s1;
	s8 =	simm.s32 @!p0 $0x1BF5;
	p2 =	por !p2, p0  }
0x20: {  	[sflag:s8] =	ssyncset.s32 @!p0 $0xFFFFF086;
	s6 =	sadd.s32 @!p0 s3, s7;
	s7 =	simm.s32 @!p0 $0x108  }
0x21: {  	s3 =	sadd.s32 s3, s9;
	s6 =	sadd.s32 @!p0 $0x88, s6;
	s7 =	simm.s32 @p2 $0x1082  }
0x22: {  	[simem:s7], [sflag:s8] =	dma.local @!p0 [hbm:s6], $0xF7A  }
0x23: {  	s9 =	sor.u32 $0xD0000000, s2;
	s6 =	simm.s32 $0x108;
	_ =	swait.ge @!p0 [sflag:s8], $0x0  }
0x24: {  	s3 =	sadd.s32 $0x88, s3;
	s6 =	simm.s32 @!p1 $0x1082;
	[sflag:s4] =	ssyncset.s32 $0xFFFFF086  }
0x25: {  	[simem:s6], [sflag:s4] =	dma.local [hbm:s3], $0xF7A  }
0x26: {  	[smem:$0x3F90] =	sst s1;
	(tag) =	ssettag s2;
	_ =	strace s9  }
0x27: {  	s1 =	sld [smem:$0x3FA0]  }
0x28: {  	s2 =	sld [smem:$0x3FA1]  }
0x29: {  	s4 =	sld [smem:$0x3FA3]  }
0x2a: {  	p0 =	seq.s32 s5, $0x0;
	s5 =	sld [smem:$0x3FA4]  }
0x2b: {  	s6 =	sld [smem:$0x3FA5]  }
0x2c: {  	s7 =	sld [smem:$0x3FA6]  }
0x2d: {  	s3 =	simm.s32 $0x108;
	s8 =	sld [smem:$0x3FA7]  }
0x2e: {  	s3 =	simm.s32 @!p0 $0x1082;
	s9 =	sld [smem:$0x3FA8]  }
0x2f: {  	lr =	sadd.s32 s0, s3;
	s0 =	sld [smem:$0x3F9F]  }
0x30: {  	s3 =	sld [smem:$0x3FA2]  }
0x31: {  	[smem:$0x3FAB] =	sst s10  }
0x32: {  	s10 =	sld [smem:$0x3FA9];
	_ =	sdelay $0x3  }
0x33: {  	p0 =	seq.s32 s10, $0x1;
	s10 =	sld [smem:$0x3FAB];
	_ =	sdelay $0x3  }
0x34: {  	[smem:$0x3FAB] =	sst s10  }
0x35: {  	s10 =	sld [smem:$0x3FAA];
	_ =	sdelay $0x3  }
0x36: {  	p1 =	seq.s32 s10, $0x1;
	s10 =	sld [smem:$0x3FAB];
	_ =	sdelay $0x3  }
0x37: {  	[smem:$0x3FAB] =	sst s10  }
0x38: {  	s10 =	sld [smem:$0x3FAC]  }
0x39: {  	_ = 	snop;
	(pc) =	sbr.ind lr, $3  }
0x3a: {  	_ = 	snop  }
0x3b: {  	_ = 	snop  }
0x3c: {  	p2 =	seq.s32 s10, $0x1;
	s10 =	sld [smem:$0x3FAB]  }
0x3d: {  	_ =	shalt  }
0x3e: {  	_ =	shalt  }
0x3f: {  	_ =	shalt  }
0x40: {  	_ =	shalt  }
0x41: {  	_ =	shalt  }
0x42: {  	_ =	shalt  }
0x43: {  	_ =	shalt  }
0x44: {  	_ =	shalt  }
0x45: {  	_ =	shalt  }
0x46: {  	_ =	shalt  }
0x47: {  	_ =	shalt  }
0x48: {  	_ =	shalt  }
0x49: {  	_ =	shalt  }
0x4a: {  	_ =	shalt  }
0x4b: {  	_ =	shalt  }
0x4c: {  	_ =	shalt  }
0x4d: {  	_ =	shalt  }
0x4e: {  	_ =	shalt  }
0x4f: {  	_ =	shalt  }
0x50: {  	_ =	shalt  }
0x51: {  	_ =	shalt  }
0x52: {  	_ =	shalt  }
0x53: {  	_ =	shalt  }
0x54: {  	_ =	shalt  }
0x55: {  	_ =	shalt  }
0x56: {  	_ =	shalt  }
0x57: {  	_ =	shalt  }
0x58: {  	_ =	shalt  }
0x59: {  	_ =	shalt  }
0x5a: {  	_ =	shalt  }
0x5b: {  	_ =	shalt  }
0x5c: {  	_ =	shalt  }
0x5d: {  	_ =	shalt  }
0x5e: {  	_ =	shalt  }
0x5f: {  	_ =	shalt  }
0x60: {  	_ =	shalt  }
0x61: {  	_ =	shalt  }
0x62: {  	_ =	shalt  }
0x63: {  	_ =	shalt  }
0x64: {  	_ =	shalt  }
0x65: {  	_ =	shalt  }
0x66: {  	_ =	shalt  }
0x67: {  	_ =	shalt  }
0x68: {  	_ =	shalt  }
0x69: {  	_ =	shalt  }
0x6a: {  	_ =	shalt  }
0x6b: {  	_ =	shalt  }
0x6c: {  	_ =	shalt  }
0x6d: {  	_ =	shalt  }
0x6e: {  	_ =	shalt  }
0x6f: {  	_ =	shalt  }
0x70: {  	_ =	shalt  }
0x71: {  	_ =	shalt  }
0x72: {  	_ =	shalt  }
0x73: {  	_ =	shalt  }
0x74: {  	_ =	shalt  }
0x75: {  	_ =	shalt  }
0x76: {  	_ =	shalt  }
0x77: {  	_ =	shalt  }
0x78: {  	_ =	shalt  }
0x79: {  	_ =	shalt  }
0x7a: {  	_ =	shalt  }
0x7b: {  	_ =	shalt  }
0x7c: {  	_ =	shalt  }
0x7d: {  	_ =	shalt  }
0x7e: {  	_ =	shalt  }
0x7f: {  	_ =	shalt  }
0x80: {  	_ =	shalt  }
0x81: {  	_ =	shalt  }
0x82: {  	_ =	shalt  }
0x83: {  	_ =	shalt  }
0x84: {  	_ =	shalt  }
0x85: {  	_ =	shalt  }
0x86: {  	_ =	shalt  }
0x87: {  	_ =	shalt  }
.Lfunc_end0:
.L_simem_size_0:
called_computation_lowered:
.L_overlay_start_0:
0x88: {  	s2 =	sld [smem:$0x3FD9]  }
0x89: {  	s3 =	sld [smem:$0x3FFE];
	_ =	sdelay $0x1  }
0x8a: {  	s1 =	srdreg.scid  }
0x8b: {  	s0 =	sand.u32 $0x1, s1  }
0x8c: {  	s14 =	sshll.u32 s0, $0xA;
	s2 =	sadd.s32 s3, s2  }
0x8d: {  	s2 =	sadd.s32 s2, s14  }
0x8e: {  	[smem:$0x3FB7] =	sst s2  }
0x8f: {  	_ = 	snop  }
0x90: {  	s2 =	sld [smem:$0x3FD0];
	_ =	sdelay $0x2  }
0x91: {  	s15 =	simm.s32 $0xA;
	s4 =	simm.s32 $0x10  }
0x92: {  	[smem:s4], [sflag:s15] =	dma.local [hbm:s2], $0x1  }
0x93: {  	_ =	swait.eq [sflag:s15], $0x1  }
0x94: {  	[sflag:s15] =	ssyncset.done $0x0  }
0x95: {  	s16 =	sld [smem:$0x10];
	[sflag:s15] =	ssyncadd.s32 $0xFFFFFFFF  }
0x96: {  	s17 =	sld [smem:$0x11];
	(tm) =	ssettm $0x1  }
0x97: {  	s18 =	sld [smem:$0x3FFB];
	_ =	sdelay $0x3  }
0x98: {  	_ =	strace s18  }
0x99: {  	s4 =	sld [smem:$0x3FFC];
	_ =	sdelay $0x3  }
0x9a: {  	_ =	strace s4  }
0x9b: {  	s4 =	sld [smem:$0x3FFD];
	_ =	sdelay $0x3  }
0x9c: {  	_ =	strace s4  }
0x9d: {  	_ =	strace $0x8FFFFFFF  }
0x9e: {  	s19 =	sld [smem:$0x3FDB];
	_ =	sdelay $0x1  }
0x9f: {  	s5 =	simm.s32 $_scs_section_size  }
0xa0: {  	s6 =	simm.s32 $_size__tile_overlayer_lowered;
	s7 =	simm.s32 $_tile_overlayer_lowered  }
0xa1: {  	s22 =	simm.s32 $0x1BFF;
	s21 =	sshll.u32 s7, $0x1;
	s4 =	sadd.s32 s5, s19  }
0xa2: {  	s8 =	simm.s32 $0x0;
	s20 =	sshll.u32 s6, $0x1;
	s6 =	sadd.s32 s21, s4  }
0xa3: {  	[timem:s8], [sflag:s22] =	dma.local [hbm:s6], s20  }
0xa4: {  	_ =	swait.ge [sflag:s22], s20  }
0xa5: {  	s5 =	ssub.s32 $0x0, s20;
	[sflag:s22] =	ssyncset.done $0x0  }
0xa6: {  	[sflag:s22] =	ssyncadd.s32 s5;
	_ =	sdelay $0x1  }
0xa7: {  	s23 =	simm.s32 $0x1B8B  }
0xa8: {  	_ =	swait.ge [sflag:s23], $0x1  }
0xa9: {  	[sflag:s23] =	ssyncset.done $0x0  }
0xaa: {  	s25 =	simm.s32 $0x1B8E;
	s24 =	sld [smem:$0x3FFE];
	[sflag:s23] =	ssyncadd.s32 $0xFFFFFFFF  }
0xab: {  	s26 =	simm.s32 $execute0_lowered;
	[smem:$0x3FD2] =	sst s25  }
0xac: {  	s6 =	sshll.u32 s26, $0x1;
	_ =	strace $0x80000046;
	[dreg:$0x1] =	wrdreg $0xFFFFFFFF  }
0xad: {  	s28 =	simm.s32 $_size_execute0_lowered;
	s4 =	sadd.s32 s4, s6;
	[dreg:$0x0] =	wrdreg $0x0  }
0xae: {  	s6 =	sshll.u32 s28, $0x1;
	[dreg:$0x2] =	wrdreg s4  }
0xaf: {  	[dreg:$0x3] =	wrdreg s6  }
0xb0: {  	[dreg:$0x4] =	wrdreg $0xC0  }
0xb1: {  	_ =	task [dreg:s8], $0x5FFFF  }
0xb2: {  	[dreg:$0x1] =	wrdreg $0xFFFFFFFF  }
0xb3: {  	[dreg:$0x0] =	wrdreg $0x60  }
0xb4: {  	[dreg:$0x2] =	wrdreg s16  }
0xb5: {  	[dreg:$0x3] =	wrdreg s24  }
0xb6: {  	[dreg:$0x4] =	wrdreg s17  }
0xb7: {  	[dreg:$0x5] =	wrdreg $0x9  }
0xb8: {  	_ =	task.clear_ibuf [dreg:s8], $0x6FFFF;
	_ =	strace $0x90000046  }
0xb9: {  	s29 =	simm.s32 $0x9;
	_ =	strace $0x80000048  }
0xba: {  	_ =	swait.ge [sflag:s29], $0x1  }
0xbb: {  	[sflag:s29] =	ssyncadd.s32 $0xFFFFFFFF  }
0xbc: {  	_ =	strace $0x90000048  }
0xbd: {  	_ =	sfence  }
0xbe: {  	s30 =	sld [smem:$0x0];
	_ =	sdelay $0x2  }
0xbf: {  	s31 =	sshll.u32 s1, $0xD;
	s1 =	sshrl.u32 s1, $0x2  }
0xc0: {  	s3 =	sand.u32 $0x4000, s31;
	s1 =	sadd.s32 s1, s30  }
0xc1: {  	s0 =	sor.u32 s3, s0;
	s1 =	sshll.u32 s1, $0x11  }
0xc2: {  	s0 =	sor.u32 s1, s0  }
0xc3: {  	s0 =	sadd.s32 $0x8F2B, s0  }
0xc4: {  	[sflag:s0] =	ssyncadd.remote.s32 $0x1  }
0xc5: {  	_ =	sfence.sel $0xFFFF  }
0xc6: {  	[dreg:$0x0] =	wrdreg $0xFFFFFFFF;
	(pc) =	sbr.abs _section_cstart, $3  }
0xc7: {  	[dreg:$0x1] =	wrdreg $0xFFFFFFFF  }
0xc8: {  	_ =	task.clear_ibuf [dreg:s8], $0x2FFFF;
	_ =	strace $0x9FFFFFFF  }
0xc9: {  	(tm) =	ssettm $0x7FFFFFFF  }
tec
execute0_lowered:
.L_overlay_start_1:
0x0: {  	(tag) =	ssettag $0x1  }
0x1: {  	s1 =	rddreg [dreg:$0x0]  }
0x2: {  	s2 =	srdreg.scid;
	s4 =	rddreg [dreg:$0x1]  }
0x3: {  	s0 =	stileid.u32;
	s9 =	rddreg [dreg:$0x2]  }
0x4: {  	s3 =	simm.s32 $0x0;
	s14 =	simm.s32 $0x5400;
	s12 =	smul.u32 $0x50, s0  }
0x5: {  	s15 =	simm.s32 $0x1;
	s7 =	sand.u32 $0x1, s2;
	s30 =	smul.u32 $0x28000, s0  }
0x6: {  	s16 =	simm.s32 $0x3;
	s24 =	sshll.u32 s0, $0x1;
	s29 =	smul.u32 $0x28, s7  }
0x7: {  	s18 =	simm.s32 $0x2;
	s5 =	sor.u32 s7, s24;
	s13 =	smul.u32 $0x14000, s7  }
0x8: {  	s19 =	simm.s32 $0x4;
	s20 =	simm.s32 $0x0;
	s6 =	smul.u32 $0x280, s5  }
0x9: {  	[smem:$0x7FF] =	sst s3;
	s10 =	ssub.s32 $0x2, s7;
	s8 =	smul.u32 $0x28, s5  }
0xa: {  	_ =	strace $0x80000047;
	s11 =	smul.u32 $0x14000, s5;
	s25 =	sshrl.u32 s10, $0x1  }
0xb: {  	s26 =	ssub.s32 s10, s25;
	s10 =	sadd.s32 s30, s9;
	s4 =	sadd.s32 s6, s4  }
0xc: {  	s28 =	ssub.s32 $0x4E2, s8;
	s6 =	smax.u32 s26, $0x1;
	s8 =	sadd.s32 s29, s12  }
0xd: {  	s7 =	sadd.s32 s9, s11;
	s10 =	sadd.s32 s13, s10;
	s12 =	simm.s32 $0x80  }
0xe: {  	s13 =	simm.s32 $0x1400;
	s4 =	sadd.s32 $0x4200, s4;
	s31 =	sshll.u32 s8, $0xB  }
0xf: {  	s5 =	smin.u32 s28, $0x28;
	s8 =	sadd.s32 $0x800, s7;
	s11 =	sadd.s32 s31, s9  }
0x10: {  	s9 =	sadd.s32 $0x1000, s10;
	s10 =	sadd.s32 $0x1800, s11;
	s11 =	simm.s32 $0x5  }
.LBB2_1:
0x11: {  	[tilespmem:s3], [sflag:$0x5] =	stream.linear.gather [hbm4b:s4+s3], $0x1400, $0x38;
	[tilespmem:$0x9400] =	vst v63  }
0x12: {  	_ =	swait.ge [sflag:s11], $0x1400  }
0x13: {  	[sflag:s11] =	ssyncset.done $0x0  }
0x14: {  	[sflag:s11] =	ssyncadd.s32 $0xFFFFEC00  }
0x15: {  	[tilespmem:s13], [sflag:$0x1] =	stream.indirect.gather [hbm4b:s1+s12], $0x80, s3, s12, $0xb8;
	[tilespmem:$0x9400] =	vst v63  }
0x16: {  	_ = 	snop  }
0x17: {  	[tilespmem:s14], [sflag:$0x2] =	stream.indirect.gather [hbm4b:s1+s12], $0x80, s12, s12, $0xb8;
	[tilespmem:$0x9400] =	vst v63  }
0x18: {  	_ =	swait.ge [sflag:s15], $0x4000  }
0x19: {  	[sflag:s15] =	ssyncset.done $0x0  }
0x1a: {  	[sflag:s15] =	ssyncadd.s32 $0xFFFFC000  }
0x1b: {  	[hbm4b:s7+s3] =	stream.linear.scatter [tilespmem:s13], [sflag:$0x3], $0x4000, $0x38;
	[tilespmem:$0x9400] =	vst v63  }
0x1c: {  	_ =	swait.ge [sflag:s16], $0x4000  }
0x1d: {  	[sflag:s16] =	ssyncset.done $0x0  }
0x1e: {  	s0 =	simm.s32 $0x100;
	[sflag:s16] =	ssyncadd.s32 $0xFFFFC000  }
0x1f: {  	[tilespmem:s13], [sflag:$0x1] =	stream.indirect.gather [hbm4b:s1+s12], $0x80, s0, s12, $0xb8;
	[tilespmem:$0x9400] =	vst v63  }
0x20: {  	_ =	swait.ge [sflag:s18], $0x4000  }
0x21: {  	p0 =	sle.u32 s5, $0x3;
	[sflag:s18] =	ssyncset.done $0x0  }
0x22: {  	s21 =	simm.s32 @!p0 $0x4;
	[sflag:s18] =	ssyncadd.s32 $0xFFFFC000  }
0x23: {  	[hbm4b:s8+s3] =	stream.linear.scatter [tilespmem:s14], [sflag:$0x4], $0x4000, $0x38;
	[tilespmem:$0x9400] =	vst v63  }
0x24: {  	_ =	swait.ge @!p0 [sflag:s21], $0x4000  }
0x25: {  	s22 =	simm.s32 $0x180;
	p1 =	sle.u32 s5, $0x2;
	[sflag:s21] =	ssyncset.done @!p0 $0x0  }
0x26: {  	s24 =	simm.s32 @!p0 $0x5400;
	[sflag:s21] =	ssyncadd.s32 @!p0 $0xFFFFC000;
	s21 =	simm.s32 @!p0 $0x80  }
0x27: {  	[tilespmem:s24], [sflag:$0x2] =	stream.indirect.gather @!p0 [hbm4b:s1+s21], $0x80, s22, s21, $0xb8;
	[tilespmem:$0x9400] =	vst v63  }
0x28: {  	s22 =	simm.s32 @!p1 $0x1  }
0x29: {  	p2 =	sle.u32 s5, $0x4;
	s28 =	simm.s32 $0x8;
	_ =	swait.ge @!p1 [sflag:s22], $0x4000  }
0x2a: {  	s31 =	simm.s32 $0x5;
	s23 =	simm.s32 @!p1 $0x1400;
	[sflag:s22] =	ssyncset.done @!p1 $0x0  }
0x2b: {  	s25 =	simm.s32 @!p2 $0x3;
	[sflag:s22] =	ssyncadd.s32 @!p1 $0xFFFFC000;
	s22 =	simm.s32 @!p1 $0x0  }
0x2c: {  	[hbm4b:s9+s22] =	stream.linear.scatter @!p1 [tilespmem:s23], [sflag:$0x3], $0x4000, $0x38;
	[tilespmem:$0x9400] =	vst v63  }
0x2d: {  	s29 =	smov.u32 s10;
	s26 =	simm.s32 @!p0 $0x0;
	_ =	swait.ge @!p2 [sflag:s25], $0x4000  }
0x2e: {  	p0 =	por p0, p0;
	s22 =	simm.s32 @!p2 $0x1400;
	[sflag:s25] =	ssyncset.done @!p2 $0x0  }
0x2f: {  	s23 =	simm.s32 @!p2 $0x200;
	[sflag:s25] =	ssyncadd.s32 @!p2 $0xFFFFC000;
	s25 =	simm.s32 @!p2 $0x80  }
0x30: {  	[tilespmem:s22], [sflag:$0x1] =	stream.indirect.gather @!p2 [hbm4b:s1+s25], $0x80, s23, s25, $0xb8;
	[tilespmem:$0x9400] =	vst v63  }
0x31: {  	s21 =	simm.s32 $0x6;
	s30 =	simm.s32 @!p0 $0x2;
	s23 =	simm.s32 $0x280  }
0x32: {  	s22 =	sadd.s32 $0x1000, s10;
	s25 =	sadd.s32 $0x1000, s9;
	_ =	swait.ge @!p0 [sflag:s30], $0x4000  }
.LBB2_2:
0x33: {  	p2 =	sge.u32 s31, s5;
	[sflag:s30] =	ssyncset.done @!p0 $0x0;
	s31 =	smov.u32 s21  }
0x34: {  	s21 =	smov.u32 s28;
	s28 =	sadd.s32 $0x2, s28;
	s2 =	smov.u32 s23  }
0x35: {  	s0 =	simm.s32 @!p2 $0x4;
	s17 =	simm.s32 @!p2 $0x0;
	[sflag:s30] =	ssyncadd.s32 @!p0 $0xFFFFC000  }
0x36: {  	[hbm4b:s29+s26] =	stream.linear.scatter @!p0 [tilespmem:s24], [sflag:$0x4], $0x4000, $0x38;
	[tilespmem:$0x9400] =	vst v63  }
0x37: {  	p1 =	sne.s32 s28, $0x2A;
	s26 =	smov.u32 s17;
	_ =	swait.ge @!p2 [sflag:s0], $0x4000  }
0x38: {  	s17 =	sadd.s32 $0xFFFFFFFE, s31;
	s24 =	simm.s32 @!p2 $0x5400;
	[sflag:s0] =	ssyncset.done @!p2 $0x0  }
0x39: {  	p3 =	sge.u32 s17, s5;
	[sflag:s0] =	ssyncadd.s32 @!p2 $0xFFFFC000;
	s0 =	simm.s32 @!p2 $0x80  }
0x3a: {  	[tilespmem:s24], [sflag:$0x2] =	stream.indirect.gather @!p2 [hbm4b:s1+s0], $0x80, s23, s0, $0xb8;
	[tilespmem:$0x9400] =	vst v63  }
0x3b: {  	s29 =	smov.u32 s22;
	p0 =	por p2, p2;
	s0 =	simm.s32 @!p3 $0x1  }
0x3c: {  	s23 =	sadd.s32 $0x100, s23;
	_ =	swait.ge @!p3 [sflag:s0], $0x4000  }
0x3d: {  	s17 =	simm.s32 @!p3 $0x1400;
	p2 =	sge.u32 s31, s5;
	[sflag:s0] =	ssyncset.done @!p3 $0x0  }
0x3e: {  	s31 =	simm.s32 @!p2 $0x3;
	[sflag:s0] =	ssyncadd.s32 @!p3 $0xFFFFC000;
	s0 =	simm.s32 @!p3 $0x0  }
0x3f: {  	[hbm4b:s25+s0] =	stream.linear.scatter @!p3 [tilespmem:s17], [sflag:$0x3], $0x4000, $0x38;
	[tilespmem:$0x9400] =	vst v63  }
.Ltmp0:
0x40: {  	s22 =	sadd.s32 $0x1000, s22;
	_ =	swait.ge @!p2 [sflag:s31], $0x4000;
	(pc) =	sbr.rel @p1 .LBB2_2-.Ltmp0, $4  }
0x41: {  	s30 =	simm.s32 @!p0 $0x2;
	s0 =	simm.s32 @!p2 $0x1400;
	[sflag:s31] =	ssyncset.done @!p2 $0x0  }
0x42: {  	s2 =	sadd.s32 @!p2 $0x80, s2;
	s17 =	simm.s32 @!p2 $0x80;
	[sflag:s31] =	ssyncadd.s32 @!p2 $0xFFFFC000  }
0x43: {  	[tilespmem:s0], [sflag:$0x1] =	stream.indirect.gather @!p2 [hbm4b:s1+s17], $0x80, s2, s17, $0xb8;
	[tilespmem:$0x9400] =	vst v63  }
0x44: {  	s25 =	sadd.s32 $0x1000, s25;
	s31 =	sadd.s32 $0xFFFFFFFF, s21;
	_ =	swait.ge @!p0 [sflag:s30], $0x4000  }
0x45: {  	p1 =	sge.u32 s31, s5;
	[sflag:s30] =	ssyncset.done @!p0 $0x0  }
0x46: {  	s0 =	simm.s32 @!p1 $0x4;
	[sflag:s30] =	ssyncadd.s32 @!p0 $0xFFFFC000  }
0x47: {  	[hbm4b:s29+s26] =	stream.linear.scatter @!p0 [tilespmem:s24], [sflag:$0x4], $0x4000, $0x38;
	[tilespmem:$0x9400] =	vst v63  }
0x48: {  	_ =	swait.ge @!p1 [sflag:s0], $0x4000  }
0x49: {  	s2 =	sadd.s32 $0xFFFFFFFE, s21;
	s17 =	simm.s32 @!p1 $0x5400;
	[sflag:s0] =	ssyncset.done @!p1 $0x0  }
0x4a: {  	p0 =	sge.u32 s2, s5;
	[sflag:s0] =	ssyncadd.s32 @!p1 $0xFFFFC000;
	s0 =	simm.s32 @!p1 $0x80  }
0x4b: {  	[tilespmem:s17], [sflag:$0x2] =	stream.indirect.gather @!p1 [hbm4b:s1+s0], $0x80, s23, s0, $0xb8;
	[tilespmem:$0x9400] =	vst v63  }
0x4c: {  	s0 =	simm.s32 @!p0 $0x1  }
0x4d: {  	p2 =	sge.u32 s21, s5;
	_ =	swait.ge @!p0 [sflag:s0], $0x4000  }
0x4e: {  	s21 =	simm.s32 @!p2 $0x3;
	[sflag:s0] =	ssyncset.done @!p0 $0x0  }
0x4f: {  	s2 =	simm.s32 @!p0 $0x1400;
	[sflag:s0] =	ssyncadd.s32 @!p0 $0xFFFFC000;
	s0 =	simm.s32 @!p0 $0x0  }
0x50: {  	[hbm4b:s25+s0] =	stream.linear.scatter @!p0 [tilespmem:s2], [sflag:$0x3], $0x4000, $0x38;
	[tilespmem:$0x9400] =	vst v63  }
0x51: {  	p0 =	por p1, p1;
	_ =	swait.ge @!p2 [sflag:s21], $0x4000  }
0x52: {  	s0 =	simm.s32 @!p2 $0x1400;
	s2 =	simm.s32 @!p0 $0x2;
	[sflag:s21] =	ssyncset.done @!p2 $0x0  }
0x53: {  	[sflag:s21] =	ssyncadd.s32 @!p2 $0xFFFFC000;
	s21 =	sadd.s32 @!p2 $0x80, s23;
	s23 =	simm.s32 @!p2 $0x80  }
0x54: {  	[tilespmem:s0], [sflag:$0x1] =	stream.indirect.gather @!p2 [hbm4b:s1+s23], $0x80, s21, s23, $0xb8;
	[tilespmem:$0x9400] =	vst v63  }
0x55: {  	_ =	swait.ge @!p0 [sflag:s2], $0x4000  }
0x56: {  	[sflag:s2] =	ssyncset.done @!p0 $0x0  }
0x57: {  	s20 =	sadd.s32 $0x1, s20;
	s0 =	simm.s32 @!p1 $0x0;
	[sflag:s2] =	ssyncadd.s32 @!p0 $0xFFFFC000  }
0x58: {  	[hbm4b:s22+s0] =	stream.linear.scatter @!p0 [tilespmem:s17], [sflag:$0x4], $0x4000, $0x38;
	[tilespmem:$0x9400] =	vst v63  }
0x59: {  	p0 =	sne.s32 s20, s6;
	_ =	swait.ge [sflag:s16], $0x4000  }
.Ltmp1:
0x5a: {  	[sflag:s16] =	ssyncset.done $0x0;
	(pc) =	sbr.rel @p0 .LBB2_1-.Ltmp1, $4  }
0x5b: {  	[sflag:s16] =	ssyncadd.s32 $0xFFFFC000  }
0x5c: {  	_ =	swait.ge [sflag:s19], $0x4000  }
0x5d: {  	[sflag:s19] =	ssyncset.done $0x0  }
0x5e: {  	[sflag:s19] =	ssyncadd.s32 $0xFFFFC000  }
0x5f: {  	_ =	sfence.sel $0x180000  }
0x60: {  	[bflag:$0x0] =	sbarrier.arrive $0xFFFF  }
0x61: {  	_ =	strace $0x90000047  }
0x62: {  	s0 =	stileid.u32;
	[bflag:$0x2] =	sbarrier.arrive $0xFFFF  }
0x63: {  	p0 =	sne.s32 s0, $0x0;
	s0 =	rddreg [dreg:$0x3]  }
0x64: {  	s0 =	sadd.s32 @!p0 $0x100000, s0  }
0x65: {  	[sflag:s0] =	ssyncadd.tile.s32 @!p0 $0x1;
	_ =	shalt  }
.Lfunc_end2:
_tile_overlayer_lowered:
.L_overlay_start_2:
0x66: {  	(tag) =	ssettag $0x2  }
0x67: {  	s0 =	rddreg [dreg:$0x0];
	s2 =	stileid.u32  }
0x68: {  	s1 =	rddreg [dreg:$0x1];
	p0 =	sne.s32 s2, $0x0  }
0x69: {  	s3 =	rddreg [dreg:$0x2];
	[bflag:$0x3] =	sbarrier.arrive $0xFFFF;
	s2 =	simm.s32 @!p0 $0x1C05  }
0x6a: {  	[timem:s3], [sflag:s2] =	dma.local @!p0 [hbm:s0], s1  }
0x6b: {  	s0 =	simm.s32 @!p0 $0x5  }
0x6c: {  	_ =	swait.ge @!p0 [sflag:s0], s1  }
0x6d: {  	s1 =	ssub.s32 @!p0 $0x0, s1;
	[sflag:s0] =	ssyncset.done @!p0 $0x0  }
0x6e: {  	[sflag:s0] =	ssyncadd.s32 @!p0 s1  }
0x6f: {  	[bflag:$0x3] =	sbarrier.arrive $0xFFFF  }
0x70: {  	_ =	shalt  }

// kernel: kernel.13.cloned.1.call-start
scs
__scs_entry_jumppad:
0x0: {  	(pc) =	sbr.rel $0x88, $3  }
0x1: {  	(tag) =	ssettag $0x0;
	lr =	simm.s32 $0x1  }
0x2: {  	[smem:$0x3F90] =	sst lr;
	_ =	strace $0xD0000000  }
0x3: {  	_ = 	snop  }
0x4: {  	_ = 	snop  }
0x5: {  	_ = 	snop  }
0x6: {  	_ = 	snop  }
0x7: {  	_ = 	snop  }
__scs_overlays_trampoline_lowered:
0x8: {  	[smem:$0x3F9F] =	sst s0  }
0x9: {  	[smem:$0x3FA0] =	sst s1  }
0xa: {  	[smem:$0x3FA1] =	sst s2  }
0xb: {  	[smem:$0x3FA2] =	sst s3  }
0xc: {  	[smem:$0x3FA3] =	sst s4  }
0xd: {  	[smem:$0x3FA4] =	sst s5  }
0xe: {  	[smem:$0x3FA5] =	sst s6  }
0xf: {  	[smem:$0x3FA6] =	sst s7  }
0x10: {  	[smem:$0x3FA7] =	sst s8  }
0x11: {  	[smem:$0x3FA8] =	sst s9;
	s0 =	simm.s32 @!p0 $0x0  }
0x12: {  	s1 =	sld [smem:$0x3F8E];
	s0 =	simm.s32 @p0 $0x1  }
0x13: {  	[smem:$0x3FA9] =	sst s0;
	s0 =	simm.s32 @!p1 $0x0  }
0x14: {  	s2 =	sld [smem:$0x3F8D];
	s0 =	simm.s32 @p1 $0x1  }
0x15: {  	[smem:$0x3FAA] =	sst s0;
	s0 =	simm.s32 @!p2 $0x0  }
0x16: {  	s3 =	sld [smem:$0x3FDB];
	s0 =	simm.s32 @p2 $0x1  }
0x17: {  	s4 =	simm.s32 $0x1BF5;
	[smem:$0x3FAC] =	sst s0  }
0x18: {  	s0 =	sld [smem:$0x3F8F];
	_ =	swait.ge [sflag:s4], $0x0  }
0x19: {  	s7 =	sld [smem:$0x3F90]  }
0x1a: {  	s8 =	sadd.s32 $0xFFFFE003, lr  }
0x1b: {  	s9 =	sadd.s32 $0xFFFFFEF7, lr;
	s5 =	simm.s32 $0xFFFFFFFF;
	p2 =	slt.u32 s8, $0xFFFFF086  }
0x1c: {  	p1 =	slt.u32 s9, $0xF7A;
	s5 =	simm.s32 @!p2 $0x0  }
0x1d: {  	s5 =	simm.s32 @p1 $0x1;
	p0 =	seq.s32 s7, s2  }
0x1e: {  	s7 =	smul.u32 @!p0 $0xF7A, s2;
	p2 =	seq.s32 @!p0 s5, $0x0  }
0x1f: {  	s9 =	smul.u32 $0xF7A, s1;
	s8 =	simm.s32 @!p0 $0x1BF5;
	p2 =	por !p2, p0  }
0x20: {  	[sflag:s8] =	ssyncset.s32 @!p0 $0xFFFFF086;
	s6 =	sadd.s32 @!p0 s3, s7;
	s7 =	simm.s32 @!p0 $0x108  }
0x21: {  	s3 =	sadd.s32 s3, s9;
	s6 =	sadd.s32 @!p0 $0x88, s6;
	s7 =	simm.s32 @p2 $0x1082  }
0x22: {  	[simem:s7], [sflag:s8] =	dma.local @!p0 [hbm:s6], $0xF7A  }
0x23: {  	s9 =	sor.u32 $0xD0000000, s2;
	s6 =	simm.s32 $0x108;
	_ =	swait.ge @!p0 [sflag:s8], $0x0  }
0x24: {  	s3 =	sadd.s32 $0x88, s3;
	s6 =	simm.s32 @!p1 $0x1082;
	[sflag:s4] =	ssyncset.s32 $0xFFFFF086  }
0x25: {  	[simem:s6], [sflag:s4] =	dma.local [hbm:s3], $0xF7A  }
0x26: {  	[smem:$0x3F90] =	sst s1;
	(tag) =	ssettag s2;
	_ =	strace s9  }
0x27: {  	s1 =	sld [smem:$0x3FA0]  }
0x28: {  	s2 =	sld [smem:$0x3FA1]  }
0x29: {  	s4 =	sld [smem:$0x3FA3]  }
0x2a: {  	p0 =	seq.s32 s5, $0x0;
	s5 =	sld [smem:$0x3FA4]  }
0x2b: {  	s6 =	sld [smem:$0x3FA5]  }
0x2c: {  	s7 =	sld [smem:$0x3FA6]  }
0x2d: {  	s3 =	simm.s32 $0x108;
	s8 =	sld [smem:$0x3FA7]  }
0x2e: {  	s3 =	simm.s32 @!p0 $0x1082;
	s9 =	sld [smem:$0x3FA8]  }
0x2f: {  	lr =	sadd.s32 s0, s3;
	s0 =	sld [smem:$0x3F9F]  }
0x30: {  	s3 =	sld [smem:$0x3FA2]  }
0x31: {  	[smem:$0x3FAB] =	sst s10  }
0x32: {  	s10 =	sld [smem:$0x3FA9];
	_ =	sdelay $0x3  }
0x33: {  	p0 =	seq.s32 s10, $0x1;
	s10 =	sld [smem:$0x3FAB];
	_ =	sdelay $0x3  }
0x34: {  	[smem:$0x3FAB] =	sst s10  }
0x35: {  	s10 =	sld [smem:$0x3FAA];
	_ =	sdelay $0x3  }
0x36: {  	p1 =	seq.s32 s10, $0x1;
	s10 =	sld [smem:$0x3FAB];
	_ =	sdelay $0x3  }
0x37: {  	[smem:$0x3FAB] =	sst s10  }
0x38: {  	s10 =	sld [smem:$0x3FAC]  }
0x39: {  	_ = 	snop;
	(pc) =	sbr.ind lr, $3  }
0x3a: {  	_ = 	snop  }
0x3b: {  	_ = 	snop  }
0x3c: {  	p2 =	seq.s32 s10, $0x1;
	s10 =	sld [smem:$0x3FAB]  }
0x3d: {  	_ =	shalt  }
0x3e: {  	_ =	shalt  }
0x3f: {  	_ =	shalt  }
0x40: {  	_ =	shalt  }
0x41: {  	_ =	shalt  }
0x42: {  	_ =	shalt  }
0x43: {  	_ =	shalt  }
0x44: {  	_ =	shalt  }
0x45: {  	_ =	shalt  }
0x46: {  	_ =	shalt  }
0x47: {  	_ =	shalt  }
0x48: {  	_ =	shalt  }
0x49: {  	_ =	shalt  }
0x4a: {  	_ =	shalt  }
0x4b: {  	_ =	shalt  }
0x4c: {  	_ =	shalt  }
0x4d: {  	_ =	shalt  }
0x4e: {  	_ =	shalt  }
0x4f: {  	_ =	shalt  }
0x50: {  	_ =	shalt  }
0x51: {  	_ =	shalt  }
0x52: {  	_ =	shalt  }
0x53: {  	_ =	shalt  }
0x54: {  	_ =	shalt  }
0x55: {  	_ =	shalt  }
0x56: {  	_ =	shalt  }
0x57: {  	_ =	shalt  }
0x58: {  	_ =	shalt  }
0x59: {  	_ =	shalt  }
0x5a: {  	_ =	shalt  }
0x5b: {  	_ =	shalt  }
0x5c: {  	_ =	shalt  }
0x5d: {  	_ =	shalt  }
0x5e: {  	_ =	shalt  }
0x5f: {  	_ =	shalt  }
0x60: {  	_ =	shalt  }
0x61: {  	_ =	shalt  }
0x62: {  	_ =	shalt  }
0x63: {  	_ =	shalt  }
0x64: {  	_ =	shalt  }
0x65: {  	_ =	shalt  }
0x66: {  	_ =	shalt  }
0x67: {  	_ =	shalt  }
0x68: {  	_ =	shalt  }
0x69: {  	_ =	shalt  }
0x6a: {  	_ =	shalt  }
0x6b: {  	_ =	shalt  }
0x6c: {  	_ =	shalt  }
0x6d: {  	_ =	shalt  }
0x6e: {  	_ =	shalt  }
0x6f: {  	_ =	shalt  }
0x70: {  	_ =	shalt  }
0x71: {  	_ =	shalt  }
0x72: {  	_ =	shalt  }
0x73: {  	_ =	shalt  }
0x74: {  	_ =	shalt  }
0x75: {  	_ =	shalt  }
0x76: {  	_ =	shalt  }
0x77: {  	_ =	shalt  }
0x78: {  	_ =	shalt  }
0x79: {  	_ =	shalt  }
0x7a: {  	_ =	shalt  }
0x7b: {  	_ =	shalt  }
0x7c: {  	_ =	shalt  }
0x7d: {  	_ =	shalt  }
0x7e: {  	_ =	shalt  }
0x7f: {  	_ =	shalt  }
0x80: {  	_ =	shalt  }
0x81: {  	_ =	shalt  }
0x82: {  	_ =	shalt  }
0x83: {  	_ =	shalt  }
0x84: {  	_ =	shalt  }
0x85: {  	_ =	shalt  }
0x86: {  	_ =	shalt  }
0x87: {  	_ =	shalt  }
.Lfunc_end0:
.L_simem_size_0:
called_computation.1_lowered:
.L_overlay_start_0:
0x88: {  	s2 =	sld [smem:$0x3FD9]  }
0x89: {  	s3 =	sld [smem:$0x3FFE];
	_ =	sdelay $0x1  }
0x8a: {  	s1 =	srdreg.scid  }
0x8b: {  	s0 =	sand.u32 $0x1, s1  }
0x8c: {  	s14 =	sshll.u32 s0, $0xA;
	s2 =	sadd.s32 s3, s2  }
0x8d: {  	s2 =	sadd.s32 s2, s14  }
0x8e: {  	[smem:$0x3FB7] =	sst s2  }
0x8f: {  	_ = 	snop  }
0x90: {  	s2 =	sld [smem:$0x3FD0];
	_ =	sdelay $0x2  }
0x91: {  	s15 =	simm.s32 $0xA;
	s4 =	simm.s32 $0x10  }
0x92: {  	[smem:s4], [sflag:s15] =	dma.local [hbm:s2], $0x1  }
0x93: {  	_ =	swait.eq [sflag:s15], $0x1  }
0x94: {  	[sflag:s15] =	ssyncset.done $0x0  }
0x95: {  	s16 =	sld [smem:$0x10];
	[sflag:s15] =	ssyncadd.s32 $0xFFFFFFFF  }
0x96: {  	s17 =	sld [smem:$0x11];
	(tm) =	ssettm $0x1  }
0x97: {  	s18 =	sld [smem:$0x3FFB];
	_ =	sdelay $0x3  }
0x98: {  	_ =	strace s18  }
0x99: {  	s4 =	sld [smem:$0x3FFC];
	_ =	sdelay $0x3  }
0x9a: {  	_ =	strace s4  }
0x9b: {  	s4 =	sld [smem:$0x3FFD];
	_ =	sdelay $0x3  }
0x9c: {  	_ =	strace s4  }
0x9d: {  	_ =	strace $0x8FFFFFFF  }
0x9e: {  	s19 =	sld [smem:$0x3FDB];
	_ =	sdelay $0x1  }
0x9f: {  	s5 =	simm.s32 $_scs_section_size  }
0xa0: {  	s6 =	simm.s32 $_size__tile_overlayer_lowered;
	s7 =	simm.s32 $_tile_overlayer_lowered  }
0xa1: {  	s22 =	simm.s32 $0x1BFF;
	s21 =	sshll.u32 s7, $0x1;
	s4 =	sadd.s32 s5, s19  }
0xa2: {  	s8 =	simm.s32 $0x0;
	s20 =	sshll.u32 s6, $0x1;
	s6 =	sadd.s32 s21, s4  }
0xa3: {  	[timem:s8], [sflag:s22] =	dma.local [hbm:s6], s20  }
0xa4: {  	_ =	swait.ge [sflag:s22], s20  }
0xa5: {  	s5 =	ssub.s32 $0x0, s20;
	[sflag:s22] =	ssyncset.done $0x0  }
0xa6: {  	[sflag:s22] =	ssyncadd.s32 s5;
	_ =	sdelay $0x1  }
0xa7: {  	s23 =	simm.s32 $0x1B8B  }
0xa8: {  	_ =	swait.ge [sflag:s23], $0x1  }
0xa9: {  	[sflag:s23] =	ssyncset.done $0x0  }
0xaa: {  	s25 =	simm.s32 $0x1B8E;
	s24 =	sld [smem:$0x3FFE];
	[sflag:s23] =	ssyncadd.s32 $0xFFFFFFFF  }
0xab: {  	s26 =	simm.s32 $execute0_lowered;
	[smem:$0x3FD2] =	sst s25  }
0xac: {  	s6 =	sshll.u32 s26, $0x1;
	_ =	strace $0x80000049;
	[dreg:$0x1] =	wrdreg $0xFFFFFFFF  }
0xad: {  	s28 =	simm.s32 $_size_execute0_lowered;
	s4 =	sadd.s32 s4, s6;
	[dreg:$0x0] =	wrdreg $0x0  }
0xae: {  	s6 =	sshll.u32 s28, $0x1;
	[dreg:$0x2] =	wrdreg s4  }
0xaf: {  	[dreg:$0x3] =	wrdreg s6  }
0xb0: {  	[dreg:$0x4] =	wrdreg $0xC0  }
0xb1: {  	_ =	task [dreg:s8], $0x5FFFF  }
0xb2: {  	[dreg:$0x1] =	wrdreg $0xFFFFFFFF  }
0xb3: {  	[dreg:$0x0] =	wrdreg $0x60  }
0xb4: {  	[dreg:$0x2] =	wrdreg s16  }
0xb5: {  	[dreg:$0x3] =	wrdreg s24  }
0xb6: {  	[dreg:$0x4] =	wrdreg s17  }
0xb7: {  	[dreg:$0x5] =	wrdreg $0x9  }
0xb8: {  	_ =	task.clear_ibuf [dreg:s8], $0x6FFFF;
	_ =	strace $0x90000049  }
0xb9: {  	s29 =	simm.s32 $0x9;
	_ =	strace $0x8000004B  }
0xba: {  	_ =	swait.ge [sflag:s29], $0x1  }
0xbb: {  	[sflag:s29] =	ssyncadd.s32 $0xFFFFFFFF  }
0xbc: {  	_ =	strace $0x9000004B  }
0xbd: {  	_ =	sfence  }
0xbe: {  	s30 =	sld [smem:$0x0];
	_ =	sdelay $0x2  }
0xbf: {  	s31 =	sshll.u32 s1, $0xD;
	s1 =	sshrl.u32 s1, $0x2  }
0xc0: {  	s3 =	sand.u32 $0x4000, s31;
	s1 =	sadd.s32 s1, s30  }
0xc1: {  	s0 =	sor.u32 s3, s0;
	s1 =	sshll.u32 s1, $0x11  }
0xc2: {  	s0 =	sor.u32 s1, s0  }
0xc3: {  	s0 =	sadd.s32 $0x8F2B, s0  }
0xc4: {  	[sflag:s0] =	ssyncadd.remote.s32 $0x1  }
0xc5: {  	_ =	sfence.sel $0xFFFF  }
0xc6: {  	[dreg:$0x0] =	wrdreg $0xFFFFFFFF;
	(pc) =	sbr.abs _section_cstart, $3  }
0xc7: {  	[dreg:$0x1] =	wrdreg $0xFFFFFFFF  }
0xc8: {  	_ =	task.clear_ibuf [dreg:s8], $0x2FFFF;
	_ =	strace $0x9FFFFFFF  }
0xc9: {  	(tm) =	ssettm $0x7FFFFFFF  }
tec
execute0_lowered:
.L_overlay_start_1:
0x0: {  	(tag) =	ssettag $0x1  }
0x1: {  	s1 =	rddreg [dreg:$0x0]  }
0x2: {  	s4 =	rddreg [dreg:$0x1];
	s2 =	srdreg.scid  }
0x3: {  	s0 =	stileid.u32;
	s6 =	rddreg [dreg:$0x2]  }
0x4: {  	s3 =	simm.s32 $0x0;
	s12 =	simm.s32 $0x1400;
	s13 =	simm.s32 $0x5400  }
0x5: {  	s14 =	simm.s32 $0x1;
	s15 =	simm.s32 $0x3;
	s16 =	simm.s32 $0x100  }
0x6: {  	s17 =	simm.s32 $0x2;
	s18 =	simm.s32 $0x4;
	s19 =	simm.s32 $0x0  }
0x7: {  	s7 =	sand.u32 $0x1, s2;
	s5 =	sshll.u32 s0, $0x1;
	[smem:$0x7FF] =	sst s3  }
0x8: {  	s30 =	sshll.u32 s0, $0xC;
	s8 =	sor.u32 s7, s5;
	s9 =	ssub.s32 $0x2, s7  }
0x9: {  	_ =	strace $0x8000004A;
	s11 =	sshll.u32 s7, $0xB;
	s5 =	smul.u32 $0x280, s8  }
0xa: {  	s10 =	sshrl.u32 s9, $0x1;
	s29 =	ssub.s32 $0x501, s8;
	s8 =	sshll.u32 s8, $0xB  }
0xb: {  	s9 =	ssub.s32 s9, s10;
	s10 =	sadd.s32 s30, s6;
	s6 =	sadd.s32 s6, s8  }
0xc: {  	s4 =	sadd.s32 s5, s4;
	s5 =	sshrl.u32 s29, $0x5;
	s7 =	smax.u32 s9, $0x1  }
0xd: {  	s31 =	sadd.s32 s11, s10;
	s8 =	sadd.s32 $0x10000, s6;
	s10 =	simm.s32 $0x5  }
0xe: {  	s11 =	simm.s32 $0x80;
	s4 =	sadd.s32 $0x9200, s4;
	s9 =	sadd.s32 $0x20000, s31  }
.LBB2_1:
0xf: {  	[tilespmem:s3], [sflag:$0x5] =	stream.linear.gather [hbm4b:s4+s3], $0x1400, $0x38;
	[tilespmem:$0x9400] =	vst v63  }
0x10: {  	_ =	swait.ge [sflag:s10], $0x1400  }
0x11: {  	[sflag:s10] =	ssyncset.done $0x0  }
0x12: {  	[sflag:s10] =	ssyncadd.s32 $0xFFFFEC00  }
0x13: {  	[tilespmem:s12], [sflag:$0x1] =	stream.indirect.gather [hbm4b:s1+s11], $0x80, s3, s11, $0xb8;
	[tilespmem:$0x9400] =	vst v63  }
0x14: {  	_ = 	snop  }
0x15: {  	[tilespmem:s13], [sflag:$0x2] =	stream.indirect.gather [hbm4b:s1+s11], $0x80, s11, s11, $0xb8;
	[tilespmem:$0x9400] =	vst v63  }
0x16: {  	_ =	swait.ge [sflag:s14], $0x4000  }
0x17: {  	[sflag:s14] =	ssyncset.done $0x0  }
0x18: {  	[sflag:s14] =	ssyncadd.s32 $0xFFFFC000  }
0x19: {  	[hbm4b:s6+s3] =	stream.linear.scatter [tilespmem:s12], [sflag:$0x3], $0x4000, $0x38;
	[tilespmem:$0x9400] =	vst v63  }
0x1a: {  	_ =	swait.ge [sflag:s15], $0x4000  }
0x1b: {  	[sflag:s15] =	ssyncset.done $0x0  }
0x1c: {  	[sflag:s15] =	ssyncadd.s32 $0xFFFFC000  }
0x1d: {  	[tilespmem:s12], [sflag:$0x1] =	stream.indirect.gather [hbm4b:s1+s11], $0x80, s16, s11, $0xb8;
	[tilespmem:$0x9400] =	vst v63  }
0x1e: {  	_ =	swait.ge [sflag:s17], $0x4000  }
0x1f: {  	p0 =	sle.u32 s5, $0x3;
	[sflag:s17] =	ssyncset.done $0x0  }
0x20: {  	s20 =	simm.s32 @!p0 $0x4;
	[sflag:s17] =	ssyncadd.s32 $0xFFFFC000  }
0x21: {  	[hbm4b:s8+s3] =	stream.linear.scatter [tilespmem:s13], [sflag:$0x4], $0x4000, $0x38;
	[tilespmem:$0x9400] =	vst v63  }
0x22: {  	_ =	swait.ge @!p0 [sflag:s20], $0x4000;
	p0 =	por p0, p0  }
0x23: {  	s21 =	simm.s32 $0x180;
	[sflag:s20] =	ssyncset.done @!p0 $0x0  }
0x24: {  	s22 =	simm.s32 @!p0 $0x80;
	s23 =	simm.s32 @!p0 $0x5400;
	[sflag:s20] =	ssyncadd.s32 @!p0 $0xFFFFC000  }
0x25: {  	[tilespmem:s23], [sflag:$0x2] =	stream.indirect.gather @!p0 [hbm4b:s1+s22], $0x80, s21, s22, $0xb8;
	[tilespmem:$0x9400] =	vst v63  }
0x26: {  	_ =	swait.ge [sflag:s14], $0x4000  }
0x27: {  	p1 =	sle.u32 s5, $0x4;
	[sflag:s14] =	ssyncset.done $0x0  }
0x28: {  	s20 =	simm.s32 @!p1 $0x3;
	[sflag:s14] =	ssyncadd.s32 $0xFFFFC000  }
0x29: {  	[hbm4b:s9+s3] =	stream.linear.scatter [tilespmem:s12], [sflag:$0x3], $0x4000, $0x38;
	[tilespmem:$0x9400] =	vst v63  }
0x2a: {  	s24 =	simm.s32 $0x8;
	_ =	swait.ge @!p1 [sflag:s20], $0x4000  }
0x2b: {  	p2 =	sle.u32 s5, $0x5;
	s25 =	simm.s32 @!p1 $0x80;
	[sflag:s20] =	ssyncset.done @!p1 $0x0  }
0x2c: {  	s26 =	simm.s32 @!p1 $0x200;
	s22 =	simm.s32 @!p1 $0x1400;
	[sflag:s20] =	ssyncadd.s32 @!p1 $0xFFFFC000  }
0x2d: {  	[tilespmem:s22], [sflag:$0x1] =	stream.indirect.gather @!p1 [hbm4b:s1+s25], $0x80, s26, s25, $0xb8;
	[tilespmem:$0x9400] =	vst v63  }
0x2e: {  	s21 =	simm.s32 $0x6;
	s20 =	sadd.s32 $0x20000, s9;
	s25 =	simm.s32 @!p0 $0x2  }
0x2f: {  	s22 =	simm.s32 $0x280;
	s26 =	sadd.s32 @!p0 $0x10000, s9;
	_ =	swait.ge @!p0 [sflag:s25], $0x4000  }
.LBB2_2:
0x30: {  	s28 =	simm.s32 @!p2 $0x4;
	[sflag:s25] =	ssyncset.done @!p0 $0x0;
	s29 =	smov.u32 s21  }
0x31: {  	s21 =	smov.u32 s24;
	s24 =	sadd.s32 $0x2, s24;
	s30 =	smov.u32 s22  }
0x32: {  	p1 =	sne.s32 s24, $0x2A;
	[sflag:s25] =	ssyncadd.s32 @!p0 $0xFFFFC000;
	s25 =	simm.s32 @!p0 $0x0  }
0x33: {  	[hbm4b:s26+s25] =	stream.linear.scatter @!p0 [tilespmem:s23], [sflag:$0x4], $0x4000, $0x38;
	[tilespmem:$0x9400] =	vst v63  }
0x34: {  	s26 =	smov.u32 s20;
	p0 =	por p2, p2;
	_ =	swait.ge @!p2 [sflag:s28], $0x4000  }
0x35: {  	s25 =	simm.s32 @!p0 $0x80;
	s23 =	simm.s32 @!p0 $0x5400;
	[sflag:s28] =	ssyncset.done @!p0 $0x0  }
0x36: {  	[sflag:s28] =	ssyncadd.s32 @!p0 $0xFFFFC000  }
0x37: {  	[tilespmem:s23], [sflag:$0x2] =	stream.indirect.gather @!p0 [hbm4b:s1+s25], $0x80, s22, s25, $0xb8;
	[tilespmem:$0x9400] =	vst v63  }
0x38: {  	_ =	swait.ge [sflag:s14], $0x4000  }
0x39: {  	p2 =	sge.u32 s29, s5;
	s22 =	sadd.s32 $0x100, s22;
	[sflag:s14] =	ssyncset.done $0x0  }
0x3a: {  	s29 =	simm.s32 @!p2 $0x1400;
	s28 =	simm.s32 @!p2 $0x3;
	[sflag:s14] =	ssyncadd.s32 $0xFFFFC000  }
0x3b: {  	[hbm4b:s20+s3] =	stream.linear.scatter [tilespmem:s12], [sflag:$0x3], $0x4000, $0x38;
	[tilespmem:$0x9400] =	vst v63  }
.Ltmp0:
0x3c: {  	s31 =	simm.s32 @!p2 $0x80;
	_ =	swait.ge @!p2 [sflag:s28], $0x4000;
	(pc) =	sbr.rel @p1 .LBB2_2-.Ltmp0, $4  }
0x3d: {  	s30 =	sadd.s32 @!p2 $0x80, s30;
	s25 =	simm.s32 @!p0 $0x2;
	[sflag:s28] =	ssyncset.done @!p2 $0x0  }
0x3e: {  	s2 =	sadd.s32 $0xFFFFFFFF, s21;
	s20 =	sadd.s32 $0x20000, s20;
	[sflag:s28] =	ssyncadd.s32 @!p2 $0xFFFFC000  }
0x3f: {  	[tilespmem:s29], [sflag:$0x1] =	stream.indirect.gather @!p2 [hbm4b:s1+s31], $0x80, s30, s31, $0xb8;
	[tilespmem:$0x9400] =	vst v63  }
0x40: {  	s26 =	sadd.s32 @!p0 $0x10000, s26;
	p2 =	sge.u32 s2, s5;
	_ =	swait.ge @!p0 [sflag:s25], $0x4000  }
0x41: {  	[sflag:s25] =	ssyncset.done @!p0 $0x0  }
0x42: {  	s2 =	simm.s32 @!p2 $0x4;
	s24 =	simm.s32 @!p0 $0x0;
	[sflag:s25] =	ssyncadd.s32 @!p0 $0xFFFFC000  }
0x43: {  	[hbm4b:s26+s24] =	stream.linear.scatter @!p0 [tilespmem:s23], [sflag:$0x4], $0x4000, $0x38;
	[tilespmem:$0x9400] =	vst v63  }
0x44: {  	p0 =	por p2, p2;
	_ =	swait.ge @!p2 [sflag:s2], $0x4000  }
0x45: {  	[sflag:s2] =	ssyncset.done @!p0 $0x0  }
0x46: {  	s23 =	simm.s32 @!p0 $0x80;
	s24 =	simm.s32 @!p0 $0x5400;
	[sflag:s2] =	ssyncadd.s32 @!p0 $0xFFFFC000  }
0x47: {  	[tilespmem:s24], [sflag:$0x2] =	stream.indirect.gather @!p0 [hbm4b:s1+s23], $0x80, s22, s23, $0xb8;
	[tilespmem:$0x9400] =	vst v63  }
0x48: {  	_ =	swait.ge [sflag:s14], $0x4000  }
0x49: {  	p1 =	sge.u32 s21, s5;
	[sflag:s14] =	ssyncset.done $0x0  }
0x4a: {  	s2 =	simm.s32 @!p1 $0x3;
	[sflag:s14] =	ssyncadd.s32 $0xFFFFC000  }
0x4b: {  	[hbm4b:s20+s3] =	stream.linear.scatter [tilespmem:s12], [sflag:$0x3], $0x4000, $0x38;
	[tilespmem:$0x9400] =	vst v63  }
0x4c: {  	_ =	swait.ge @!p1 [sflag:s2], $0x4000  }
0x4d: {  	s21 =	simm.s32 @!p1 $0x1400;
	s25 =	simm.s32 @!p0 $0x2;
	[sflag:s2] =	ssyncset.done @!p1 $0x0  }
0x4e: {  	s23 =	simm.s32 @!p1 $0x80;
	s22 =	sadd.s32 @!p1 $0x80, s22;
	[sflag:s2] =	ssyncadd.s32 @!p1 $0xFFFFC000  }
0x4f: {  	[tilespmem:s21], [sflag:$0x1] =	stream.indirect.gather @!p1 [hbm4b:s1+s23], $0x80, s22, s23, $0xb8;
	[tilespmem:$0x9400] =	vst v63  }
0x50: {  	_ =	swait.ge @!p0 [sflag:s25], $0x4000  }
0x51: {  	s19 =	sadd.s32 $0x1, s19;
	[sflag:s25] =	ssyncset.done @!p0 $0x0  }
0x52: {  	s2 =	sadd.s32 @!p0 $0x10000, s20;
	s20 =	simm.s32 @!p0 $0x0;
	[sflag:s25] =	ssyncadd.s32 @!p0 $0xFFFFC000  }
0x53: {  	[hbm4b:s2+s20] =	stream.linear.scatter @!p0 [tilespmem:s24], [sflag:$0x4], $0x4000, $0x38;
	[tilespmem:$0x9400] =	vst v63  }
0x54: {  	p0 =	sne.s32 s19, s7;
	_ =	swait.ge [sflag:s15], $0x4000  }
.Ltmp1:
0x55: {  	[sflag:s15] =	ssyncset.done $0x0;
	(pc) =	sbr.rel @p0 .LBB2_1-.Ltmp1, $4  }
0x56: {  	[sflag:s15] =	ssyncadd.s32 $0xFFFFC000  }
0x57: {  	_ =	swait.ge [sflag:s18], $0x4000  }
0x58: {  	[sflag:s18] =	ssyncset.done $0x0  }
0x59: {  	[sflag:s18] =	ssyncadd.s32 $0xFFFFC000  }
0x5a: {  	_ =	sfence.sel $0x180000  }
0x5b: {  	[bflag:$0x0] =	sbarrier.arrive $0xFFFF  }
0x5c: {  	_ =	strace $0x9000004A  }
0x5d: {  	[bflag:$0x2] =	sbarrier.arrive $0xFFFF  }
0x5e: {  	p0 =	sne.s32 s0, $0x0;
	s0 =	rddreg [dreg:$0x3]  }
0x5f: {  	s0 =	sadd.s32 @!p0 $0x100000, s0  }
0x60: {  	[sflag:s0] =	ssyncadd.tile.s32 @!p0 $0x1;
	_ =	shalt  }
.Lfunc_end2:
_tile_overlayer_lowered:
.L_overlay_start_2:
0x61: {  	(tag) =	ssettag $0x2  }
0x62: {  	s0 =	rddreg [dreg:$0x0];
	s2 =	stileid.u32  }
0x63: {  	s1 =	rddreg [dreg:$0x1];
	p0 =	sne.s32 s2, $0x0  }
0x64: {  	s3 =	rddreg [dreg:$0x2];
	[bflag:$0x3] =	sbarrier.arrive $0xFFFF;
	s2 =	simm.s32 @!p0 $0x1C05  }
0x65: {  	[timem:s3], [sflag:s2] =	dma.local @!p0 [hbm:s0], s1  }
0x66: {  	s0 =	simm.s32 @!p0 $0x5  }
0x67: {  	_ =	swait.ge @!p0 [sflag:s0], s1  }
0x68: {  	s1 =	ssub.s32 @!p0 $0x0, s1;
	[sflag:s0] =	ssyncset.done @!p0 $0x0  }
0x69: {  	[sflag:s0] =	ssyncadd.s32 @!p0 s1  }
0x6a: {  	[bflag:$0x3] =	sbarrier.arrive $0xFFFF  }
0x6b: {  	_ =	shalt  }

// kernel: kernel.16.cloned.1.call-start
scs
__scs_entry_jumppad:
0x0: {  	(pc) =	sbr.rel $0x88, $3  }
0x1: {  	(tag) =	ssettag $0x0;
	lr =	simm.s32 $0x1  }
0x2: {  	[smem:$0x3F90] =	sst lr;
	_ =	strace $0xD0000000  }
0x3: {  	_ = 	snop  }
0x4: {  	_ = 	snop  }
0x5: {  	_ = 	snop  }
0x6: {  	_ = 	snop  }
0x7: {  	_ = 	snop  }
__scs_overlays_trampoline_lowered:
0x8: {  	[smem:$0x3F9F] =	sst s0  }
0x9: {  	[smem:$0x3FA0] =	sst s1  }
0xa: {  	[smem:$0x3FA1] =	sst s2  }
0xb: {  	[smem:$0x3FA2] =	sst s3  }
0xc: {  	[smem:$0x3FA3] =	sst s4  }
0xd: {  	[smem:$0x3FA4] =	sst s5  }
0xe: {  	[smem:$0x3FA5] =	sst s6  }
0xf: {  	[smem:$0x3FA6] =	sst s7  }
0x10: {  	[smem:$0x3FA7] =	sst s8  }
0x11: {  	[smem:$0x3FA8] =	sst s9;
	s0 =	simm.s32 @!p0 $0x0  }
0x12: {  	s1 =	sld [smem:$0x3F8E];
	s0 =	simm.s32 @p0 $0x1  }
0x13: {  	[smem:$0x3FA9] =	sst s0;
	s0 =	simm.s32 @!p1 $0x0  }
0x14: {  	s2 =	sld [smem:$0x3F8D];
	s0 =	simm.s32 @p1 $0x1  }
0x15: {  	[smem:$0x3FAA] =	sst s0;
	s0 =	simm.s32 @!p2 $0x0  }
0x16: {  	s3 =	sld [smem:$0x3FDB];
	s0 =	simm.s32 @p2 $0x1  }
0x17: {  	s4 =	simm.s32 $0x1BF5;
	[smem:$0x3FAC] =	sst s0  }
0x18: {  	s0 =	sld [smem:$0x3F8F];
	_ =	swait.ge [sflag:s4], $0x0  }
0x19: {  	s7 =	sld [smem:$0x3F90]  }
0x1a: {  	s8 =	sadd.s32 $0xFFFFE003, lr  }
0x1b: {  	s9 =	sadd.s32 $0xFFFFFEF7, lr;
	s5 =	simm.s32 $0xFFFFFFFF;
	p2 =	slt.u32 s8, $0xFFFFF086  }
0x1c: {  	p1 =	slt.u32 s9, $0xF7A;
	s5 =	simm.s32 @!p2 $0x0  }
0x1d: {  	s5 =	simm.s32 @p1 $0x1;
	p0 =	seq.s32 s7, s2  }
0x1e: {  	s7 =	smul.u32 @!p0 $0xF7A, s2;
	p2 =	seq.s32 @!p0 s5, $0x0  }
0x1f: {  	s9 =	smul.u32 $0xF7A, s1;
	s8 =	simm.s32 @!p0 $0x1BF5;
	p2 =	por !p2, p0  }
0x20: {  	[sflag:s8] =	ssyncset.s32 @!p0 $0xFFFFF086;
	s6 =	sadd.s32 @!p0 s3, s7;
	s7 =	simm.s32 @!p0 $0x108  }
0x21: {  	s3 =	sadd.s32 s3, s9;
	s6 =	sadd.s32 @!p0 $0x88, s6;
	s7 =	simm.s32 @p2 $0x1082  }
0x22: {  	[simem:s7], [sflag:s8] =	dma.local @!p0 [hbm:s6], $0xF7A  }
0x23: {  	s9 =	sor.u32 $0xD0000000, s2;
	s6 =	simm.s32 $0x108;
	_ =	swait.ge @!p0 [sflag:s8], $0x0  }
0x24: {  	s3 =	sadd.s32 $0x88, s3;
	s6 =	simm.s32 @!p1 $0x1082;
	[sflag:s4] =	ssyncset.s32 $0xFFFFF086  }
0x25: {  	[simem:s6], [sflag:s4] =	dma.local [hbm:s3], $0xF7A  }
0x26: {  	[smem:$0x3F90] =	sst s1;
	(tag) =	ssettag s2;
	_ =	strace s9  }
0x27: {  	s1 =	sld [smem:$0x3FA0]  }
0x28: {  	s2 =	sld [smem:$0x3FA1]  }
0x29: {  	s4 =	sld [smem:$0x3FA3]  }
0x2a: {  	p0 =	seq.s32 s5, $0x0;
	s5 =	sld [smem:$0x3FA4]  }
0x2b: {  	s6 =	sld [smem:$0x3FA5]  }
0x2c: {  	s7 =	sld [smem:$0x3FA6]  }
0x2d: {  	s3 =	simm.s32 $0x108;
	s8 =	sld [smem:$0x3FA7]  }
0x2e: {  	s3 =	simm.s32 @!p0 $0x1082;
	s9 =	sld [smem:$0x3FA8]  }
0x2f: {  	lr =	sadd.s32 s0, s3;
	s0 =	sld [smem:$0x3F9F]  }
0x30: {  	s3 =	sld [smem:$0x3FA2]  }
0x31: {  	[smem:$0x3FAB] =	sst s10  }
0x32: {  	s10 =	sld [smem:$0x3FA9];
	_ =	sdelay $0x3  }
0x33: {  	p0 =	seq.s32 s10, $0x1;
	s10 =	sld [smem:$0x3FAB];
	_ =	sdelay $0x3  }
0x34: {  	[smem:$0x3FAB] =	sst s10  }
0x35: {  	s10 =	sld [smem:$0x3FAA];
	_ =	sdelay $0x3  }
0x36: {  	p1 =	seq.s32 s10, $0x1;
	s10 =	sld [smem:$0x3FAB];
	_ =	sdelay $0x3  }
0x37: {  	[smem:$0x3FAB] =	sst s10  }
0x38: {  	s10 =	sld [smem:$0x3FAC]  }
0x39: {  	_ = 	snop;
	(pc) =	sbr.ind lr, $3  }
0x3a: {  	_ = 	snop  }
0x3b: {  	_ = 	snop  }
0x3c: {  	p2 =	seq.s32 s10, $0x1;
	s10 =	sld [smem:$0x3FAB]  }
0x3d: {  	_ =	shalt  }
0x3e: {  	_ =	shalt  }
0x3f: {  	_ =	shalt  }
0x40: {  	_ =	shalt  }
0x41: {  	_ =	shalt  }
0x42: {  	_ =	shalt  }
0x43: {  	_ =	shalt  }
0x44: {  	_ =	shalt  }
0x45: {  	_ =	shalt  }
0x46: {  	_ =	shalt  }
0x47: {  	_ =	shalt  }
0x48: {  	_ =	shalt  }
0x49: {  	_ =	shalt  }
0x4a: {  	_ =	shalt  }
0x4b: {  	_ =	shalt  }
0x4c: {  	_ =	shalt  }
0x4d: {  	_ =	shalt  }
0x4e: {  	_ =	shalt  }
0x4f: {  	_ =	shalt  }
0x50: {  	_ =	shalt  }
0x51: {  	_ =	shalt  }
0x52: {  	_ =	shalt  }
0x53: {  	_ =	shalt  }
0x54: {  	_ =	shalt  }
0x55: {  	_ =	shalt  }
0x56: {  	_ =	shalt  }
0x57: {  	_ =	shalt  }
0x58: {  	_ =	shalt  }
0x59: {  	_ =	shalt  }
0x5a: {  	_ =	shalt  }
0x5b: {  	_ =	shalt  }
0x5c: {  	_ =	shalt  }
0x5d: {  	_ =	shalt  }
0x5e: {  	_ =	shalt  }
0x5f: {  	_ =	shalt  }
0x60: {  	_ =	shalt  }
0x61: {  	_ =	shalt  }
0x62: {  	_ =	shalt  }
0x63: {  	_ =	shalt  }
0x64: {  	_ =	shalt  }
0x65: {  	_ =	shalt  }
0x66: {  	_ =	shalt  }
0x67: {  	_ =	shalt  }
0x68: {  	_ =	shalt  }
0x69: {  	_ =	shalt  }
0x6a: {  	_ =	shalt  }
0x6b: {  	_ =	shalt  }
0x6c: {  	_ =	shalt  }
0x6d: {  	_ =	shalt  }
0x6e: {  	_ =	shalt  }
0x6f: {  	_ =	shalt  }
0x70: {  	_ =	shalt  }
0x71: {  	_ =	shalt  }
0x72: {  	_ =	shalt  }
0x73: {  	_ =	shalt  }
0x74: {  	_ =	shalt  }
0x75: {  	_ =	shalt  }
0x76: {  	_ =	shalt  }
0x77: {  	_ =	shalt  }
0x78: {  	_ =	shalt  }
0x79: {  	_ =	shalt  }
0x7a: {  	_ =	shalt  }
0x7b: {  	_ =	shalt  }
0x7c: {  	_ =	shalt  }
0x7d: {  	_ =	shalt  }
0x7e: {  	_ =	shalt  }
0x7f: {  	_ =	shalt  }
0x80: {  	_ =	shalt  }
0x81: {  	_ =	shalt  }
0x82: {  	_ =	shalt  }
0x83: {  	_ =	shalt  }
0x84: {  	_ =	shalt  }
0x85: {  	_ =	shalt  }
0x86: {  	_ =	shalt  }
0x87: {  	_ =	shalt  }
.Lfunc_end0:
.L_simem_size_0:
called_computation.2_lowered:
.L_overlay_start_0:
0x88: {  	s2 =	sld [smem:$0x3FD9]  }
0x89: {  	s3 =	sld [smem:$0x3FFE];
	_ =	sdelay $0x1  }
0x8a: {  	s1 =	srdreg.scid  }
0x8b: {  	s0 =	sand.u32 $0x1, s1  }
0x8c: {  	s14 =	sshll.u32 s0, $0xA;
	s2 =	sadd.s32 s3, s2  }
0x8d: {  	s2 =	sadd.s32 s2, s14  }
0x8e: {  	[smem:$0x3FB7] =	sst s2  }
0x8f: {  	_ = 	snop  }
0x90: {  	s2 =	sld [smem:$0x3FD0];
	_ =	sdelay $0x2  }
0x91: {  	s15 =	simm.s32 $0xA;
	s4 =	simm.s32 $0x10  }
0x92: {  	[smem:s4], [sflag:s15] =	dma.local [hbm:s2], $0x1  }
0x93: {  	_ =	swait.eq [sflag:s15], $0x1  }
0x94: {  	[sflag:s15] =	ssyncset.done $0x0  }
0x95: {  	[sflag:s15] =	ssyncadd.s32 $0xFFFFFFFF  }
0x96: {  	s16 =	sld [smem:$0x10];
	(tm) =	ssettm $0x1  }
0x97: {  	s17 =	sld [smem:$0x3FFB];
	_ =	sdelay $0x3  }
0x98: {  	_ =	strace s17  }
0x99: {  	s3 =	sld [smem:$0x3FFC];
	_ =	sdelay $0x3  }
0x9a: {  	_ =	strace s3  }
0x9b: {  	s3 =	sld [smem:$0x3FFD];
	_ =	sdelay $0x3  }
0x9c: {  	_ =	strace s3  }
0x9d: {  	_ =	strace $0x8FFFFFFF  }
0x9e: {  	s18 =	sld [smem:$0x3FDB];
	_ =	sdelay $0x1  }
0x9f: {  	s19 =	simm.s32 $_scs_section_size  }
0xa0: {  	s5 =	simm.s32 $_size__tile_overlayer_lowered;
	s6 =	simm.s32 $_tile_overlayer_lowered  }
0xa1: {  	s22 =	simm.s32 $0x1BFF;
	s21 =	sshll.u32 s6, $0x1;
	s3 =	sadd.s32 s19, s18  }
0xa2: {  	s7 =	simm.s32 $0x0;
	s20 =	sshll.u32 s5, $0x1;
	s5 =	sadd.s32 s21, s3  }
0xa3: {  	[timem:s7], [sflag:s22] =	dma.local [hbm:s5], s20  }
0xa4: {  	_ =	swait.ge [sflag:s22], s20  }
0xa5: {  	s4 =	ssub.s32 $0x0, s20;
	[sflag:s22] =	ssyncset.done $0x0  }
0xa6: {  	[sflag:s22] =	ssyncadd.s32 s4;
	_ =	sdelay $0x1  }
0xa7: {  	s23 =	simm.s32 $0x1B8B  }
0xa8: {  	_ =	swait.ge [sflag:s23], $0x1  }
0xa9: {  	[sflag:s23] =	ssyncset.done $0x0  }
0xaa: {  	s25 =	simm.s32 $0x1B8E;
	s24 =	sld [smem:$0x3FFE];
	[sflag:s23] =	ssyncadd.s32 $0xFFFFFFFF  }
0xab: {  	s26 =	simm.s32 $execute0_lowered;
	[smem:$0x3FD2] =	sst s25  }
0xac: {  	s5 =	sshll.u32 s26, $0x1;
	_ =	strace $0x8000004C;
	[dreg:$0x1] =	wrdreg $0xFFFFFFFF  }
0xad: {  	s28 =	simm.s32 $_size_execute0_lowered;
	s3 =	sadd.s32 s3, s5;
	[dreg:$0x0] =	wrdreg $0x0  }
0xae: {  	s5 =	sshll.u32 s28, $0x1;
	[dreg:$0x2] =	wrdreg s3  }
0xaf: {  	[dreg:$0x3] =	wrdreg s5  }
0xb0: {  	[dreg:$0x4] =	wrdreg $0xC0  }
0xb1: {  	_ =	task [dreg:s7], $0x5FFFF  }
0xb2: {  	[dreg:$0x1] =	wrdreg $0xFFFFFFFF  }
0xb3: {  	[dreg:$0x0] =	wrdreg $0x60  }
0xb4: {  	[dreg:$0x2] =	wrdreg s24  }
0xb5: {  	[dreg:$0x3] =	wrdreg s16  }
0xb6: {  	[dreg:$0x4] =	wrdreg $0x9  }
0xb7: {  	_ =	task.clear_ibuf [dreg:s7], $0x5FFFF;
	_ =	strace $0x9000004C  }
0xb8: {  	s29 =	simm.s32 $0x9;
	_ =	strace $0x8000004E  }
0xb9: {  	_ =	swait.ge [sflag:s29], $0x1  }
0xba: {  	[sflag:s29] =	ssyncadd.s32 $0xFFFFFFFF  }
0xbb: {  	_ =	strace $0x9000004E  }
0xbc: {  	_ =	sfence  }
0xbd: {  	s30 =	sld [smem:$0x0];
	_ =	sdelay $0x2  }
0xbe: {  	s31 =	sshll.u32 s1, $0xD;
	s1 =	sshrl.u32 s1, $0x2  }
0xbf: {  	s3 =	sand.u32 $0x4000, s31;
	s1 =	sadd.s32 s1, s30  }
0xc0: {  	s0 =	sor.u32 s3, s0;
	s1 =	sshll.u32 s1, $0x11  }
0xc1: {  	s0 =	sor.u32 s1, s0  }
0xc2: {  	s0 =	sadd.s32 $0x8F2B, s0  }
0xc3: {  	[sflag:s0] =	ssyncadd.remote.s32 $0x1  }
0xc4: {  	_ =	sfence.sel $0xFFFF  }
0xc5: {  	[dreg:$0x0] =	wrdreg $0xFFFFFFFF;
	(pc) =	sbr.abs _section_cstart, $3  }
0xc6: {  	[dreg:$0x1] =	wrdreg $0xFFFFFFFF  }
0xc7: {  	_ =	task.clear_ibuf [dreg:s7], $0x2FFFF;
	_ =	strace $0x9FFFFFFF  }
0xc8: {  	(tm) =	ssettm $0x7FFFFFFF  }
0xc9: {  	_ =	shalt  }
tec
execute0_lowered:
.L_overlay_start_1:
0x0: {  	(tag) =	ssettag $0x1  }
0x1: {  	s4 =	rddreg [dreg:$0x0];
	s1 =	srdreg.scid  }
0x2: {  	s0 =	stileid.u32;
	s6 =	rddreg [dreg:$0x1];
	s2 =	simm.s32 $0x0  }
0x3: {  	s12 =	simm.s32 $0x1400;
	s13 =	simm.s32 $0x5400;
	s14 =	simm.s32 $0x1  }
0x4: {  	s15 =	simm.s32 $0x3;
	s16 =	simm.s32 $0x100;
	s17 =	simm.s32 $0x2  }
0x5: {  	s18 =	simm.s32 $0x4;
	s19 =	simm.s32 $0x0;
	s7 =	sand.u32 $0x1, s1  }
0x6: {  	s3 =	sshll.u32 s0, $0x1;
	[smem:$0x7FF] =	sst s2;
	s30 =	sshll.u32 s0, $0xC  }
0x7: {  	s8 =	sor.u32 s7, s3;
	s9 =	ssub.s32 $0x2, s7;
	_ =	strace $0x8000004D  }
0x8: {  	s3 =	sadd.s32 $0xE200, s4;
	s11 =	sshll.u32 s7, $0xB;
	s5 =	smul.u32 $0x280, s8  }
0x9: {  	s10 =	sshrl.u32 s9, $0x1;
	s29 =	ssub.s32 $0x501, s8;
	s8 =	sshll.u32 s8, $0xB  }
0xa: {  	s9 =	ssub.s32 s9, s10;
	s10 =	sadd.s32 s30, s6;
	s6 =	sadd.s32 s6, s8  }
0xb: {  	s4 =	sadd.s32 s5, s4;
	s5 =	sshrl.u32 s29, $0x5;
	s7 =	smax.u32 s9, $0x1  }
0xc: {  	s31 =	sadd.s32 s11, s10;
	s8 =	sadd.s32 $0x10000, s6;
	s10 =	simm.s32 $0x5  }
0xd: {  	s11 =	simm.s32 $0x80;
	s4 =	sadd.s32 $0x9200, s4;
	s9 =	sadd.s32 $0x20000, s31  }
.LBB2_1:
0xe: {  	[tilespmem:s2], [sflag:$0x5] =	stream.linear.gather [hbm4b:s4+s2], $0x1400, $0x38;
	[tilespmem:$0x9400] =	vst v63  }
0xf: {  	_ =	swait.ge [sflag:s10], $0x1400  }
0x10: {  	[sflag:s10] =	ssyncset.done $0x0  }
0x11: {  	[sflag:s10] =	ssyncadd.s32 $0xFFFFEC00  }
0x12: {  	[tilespmem:s12], [sflag:$0x1] =	stream.indirect.gather [hbm4b:s3+s11], $0x80, s2, s11, $0xb8;
	[tilespmem:$0x9400] =	vst v63  }
0x13: {  	_ = 	snop  }
0x14: {  	[tilespmem:s13], [sflag:$0x2] =	stream.indirect.gather [hbm4b:s3+s11], $0x80, s11, s11, $0xb8;
	[tilespmem:$0x9400] =	vst v63  }
0x15: {  	_ =	swait.ge [sflag:s14], $0x4000  }
0x16: {  	[sflag:s14] =	ssyncset.done $0x0  }
0x17: {  	[sflag:s14] =	ssyncadd.s32 $0xFFFFC000  }
0x18: {  	[hbm4b:s6+s2] =	stream.linear.scatter [tilespmem:s12], [sflag:$0x3], $0x4000, $0x38;
	[tilespmem:$0x9400] =	vst v63  }
0x19: {  	_ =	swait.ge [sflag:s15], $0x4000  }
0x1a: {  	[sflag:s15] =	ssyncset.done $0x0  }
0x1b: {  	[sflag:s15] =	ssyncadd.s32 $0xFFFFC000  }
0x1c: {  	[tilespmem:s12], [sflag:$0x1] =	stream.indirect.gather [hbm4b:s3+s11], $0x80, s16, s11, $0xb8;
	[tilespmem:$0x9400] =	vst v63  }
0x1d: {  	_ =	swait.ge [sflag:s17], $0x4000  }
0x1e: {  	p0 =	sle.u32 s5, $0x3;
	[sflag:s17] =	ssyncset.done $0x0  }
0x1f: {  	s20 =	simm.s32 @!p0 $0x4;
	[sflag:s17] =	ssyncadd.s32 $0xFFFFC000  }
0x20: {  	[hbm4b:s8+s2] =	stream.linear.scatter [tilespmem:s13], [sflag:$0x4], $0x4000, $0x38;
	[tilespmem:$0x9400] =	vst v63  }
0x21: {  	_ =	swait.ge @!p0 [sflag:s20], $0x4000;
	p0 =	por p0, p0  }
0x22: {  	s21 =	simm.s32 $0x180;
	[sflag:s20] =	ssyncset.done @!p0 $0x0  }
0x23: {  	s22 =	simm.s32 @!p0 $0x80;
	s23 =	simm.s32 @!p0 $0x5400;
	[sflag:s20] =	ssyncadd.s32 @!p0 $0xFFFFC000  }
0x24: {  	[tilespmem:s23], [sflag:$0x2] =	stream.indirect.gather @!p0 [hbm4b:s3+s22], $0x80, s21, s22, $0xb8;
	[tilespmem:$0x9400] =	vst v63  }
0x25: {  	_ =	swait.ge [sflag:s14], $0x4000  }
0x26: {  	p1 =	sle.u32 s5, $0x4;
	[sflag:s14] =	ssyncset.done $0x0  }
0x27: {  	s20 =	simm.s32 @!p1 $0x3;
	[sflag:s14] =	ssyncadd.s32 $0xFFFFC000  }
0x28: {  	[hbm4b:s9+s2] =	stream.linear.scatter [tilespmem:s12], [sflag:$0x3], $0x4000, $0x38;
	[tilespmem:$0x9400] =	vst v63  }
0x29: {  	s24 =	simm.s32 $0x8;
	_ =	swait.ge @!p1 [sflag:s20], $0x4000  }
0x2a: {  	p2 =	sle.u32 s5, $0x5;
	s25 =	simm.s32 @!p1 $0x80;
	[sflag:s20] =	ssyncset.done @!p1 $0x0  }
0x2b: {  	s26 =	simm.s32 @!p1 $0x200;
	s22 =	simm.s32 @!p1 $0x1400;
	[sflag:s20] =	ssyncadd.s32 @!p1 $0xFFFFC000  }
0x2c: {  	[tilespmem:s22], [sflag:$0x1] =	stream.indirect.gather @!p1 [hbm4b:s3+s25], $0x80, s26, s25, $0xb8;
	[tilespmem:$0x9400] =	vst v63  }
0x2d: {  	s21 =	simm.s32 $0x6;
	s20 =	sadd.s32 $0x20000, s9;
	s25 =	simm.s32 @!p0 $0x2  }
0x2e: {  	s22 =	simm.s32 $0x280;
	s26 =	sadd.s32 @!p0 $0x10000, s9;
	_ =	swait.ge @!p0 [sflag:s25], $0x4000  }
.LBB2_2:
0x2f: {  	s28 =	simm.s32 @!p2 $0x4;
	[sflag:s25] =	ssyncset.done @!p0 $0x0;
	s29 =	smov.u32 s21  }
0x30: {  	s21 =	smov.u32 s24;
	s24 =	sadd.s32 $0x2, s24;
	s30 =	smov.u32 s22  }
0x31: {  	p1 =	sne.s32 s24, $0x2A;
	[sflag:s25] =	ssyncadd.s32 @!p0 $0xFFFFC000;
	s25 =	simm.s32 @!p0 $0x0  }
0x32: {  	[hbm4b:s26+s25] =	stream.linear.scatter @!p0 [tilespmem:s23], [sflag:$0x4], $0x4000, $0x38;
	[tilespmem:$0x9400] =	vst v63  }
0x33: {  	s26 =	smov.u32 s20;
	p0 =	por p2, p2;
	_ =	swait.ge @!p2 [sflag:s28], $0x4000  }
0x34: {  	s25 =	simm.s32 @!p0 $0x80;
	s23 =	simm.s32 @!p0 $0x5400;
	[sflag:s28] =	ssyncset.done @!p0 $0x0  }
0x35: {  	[sflag:s28] =	ssyncadd.s32 @!p0 $0xFFFFC000  }
0x36: {  	[tilespmem:s23], [sflag:$0x2] =	stream.indirect.gather @!p0 [hbm4b:s3+s25], $0x80, s22, s25, $0xb8;
	[tilespmem:$0x9400] =	vst v63  }
0x37: {  	_ =	swait.ge [sflag:s14], $0x4000  }
0x38: {  	p2 =	sge.u32 s29, s5;
	s22 =	sadd.s32 $0x100, s22;
	[sflag:s14] =	ssyncset.done $0x0  }
0x39: {  	s29 =	simm.s32 @!p2 $0x1400;
	s28 =	simm.s32 @!p2 $0x3;
	[sflag:s14] =	ssyncadd.s32 $0xFFFFC000  }
0x3a: {  	[hbm4b:s20+s2] =	stream.linear.scatter [tilespmem:s12], [sflag:$0x3], $0x4000, $0x38;
	[tilespmem:$0x9400] =	vst v63  }
.Ltmp0:
0x3b: {  	s31 =	simm.s32 @!p2 $0x80;
	_ =	swait.ge @!p2 [sflag:s28], $0x4000;
	(pc) =	sbr.rel @p1 .LBB2_2-.Ltmp0, $4  }
0x3c: {  	s30 =	sadd.s32 @!p2 $0x80, s30;
	s25 =	simm.s32 @!p0 $0x2;
	[sflag:s28] =	ssyncset.done @!p2 $0x0  }
0x3d: {  	s1 =	sadd.s32 $0xFFFFFFFF, s21;
	s20 =	sadd.s32 $0x20000, s20;
	[sflag:s28] =	ssyncadd.s32 @!p2 $0xFFFFC000  }
0x3e: {  	[tilespmem:s29], [sflag:$0x1] =	stream.indirect.gather @!p2 [hbm4b:s3+s31], $0x80, s30, s31, $0xb8;
	[tilespmem:$0x9400] =	vst v63  }
0x3f: {  	s26 =	sadd.s32 @!p0 $0x10000, s26;
	p2 =	sge.u32 s1, s5;
	_ =	swait.ge @!p0 [sflag:s25], $0x4000  }
0x40: {  	[sflag:s25] =	ssyncset.done @!p0 $0x0  }
0x41: {  	s1 =	simm.s32 @!p2 $0x4;
	s24 =	simm.s32 @!p0 $0x0;
	[sflag:s25] =	ssyncadd.s32 @!p0 $0xFFFFC000  }
0x42: {  	[hbm4b:s26+s24] =	stream.linear.scatter @!p0 [tilespmem:s23], [sflag:$0x4], $0x4000, $0x38;
	[tilespmem:$0x9400] =	vst v63  }
0x43: {  	p0 =	por p2, p2;
	_ =	swait.ge @!p2 [sflag:s1], $0x4000  }
0x44: {  	[sflag:s1] =	ssyncset.done @!p0 $0x0  }
0x45: {  	s23 =	simm.s32 @!p0 $0x80;
	s24 =	simm.s32 @!p0 $0x5400;
	[sflag:s1] =	ssyncadd.s32 @!p0 $0xFFFFC000  }
0x46: {  	[tilespmem:s24], [sflag:$0x2] =	stream.indirect.gather @!p0 [hbm4b:s3+s23], $0x80, s22, s23, $0xb8;
	[tilespmem:$0x9400] =	vst v63  }
0x47: {  	_ =	swait.ge [sflag:s14], $0x4000  }
0x48: {  	p1 =	sge.u32 s21, s5;
	[sflag:s14] =	ssyncset.done $0x0  }
0x49: {  	s1 =	simm.s32 @!p1 $0x3;
	[sflag:s14] =	ssyncadd.s32 $0xFFFFC000  }
0x4a: {  	[hbm4b:s20+s2] =	stream.linear.scatter [tilespmem:s12], [sflag:$0x3], $0x4000, $0x38;
	[tilespmem:$0x9400] =	vst v63  }
0x4b: {  	_ =	swait.ge @!p1 [sflag:s1], $0x4000  }
0x4c: {  	s21 =	simm.s32 @!p1 $0x1400;
	s25 =	simm.s32 @!p0 $0x2;
	[sflag:s1] =	ssyncset.done @!p1 $0x0  }
0x4d: {  	s23 =	simm.s32 @!p1 $0x80;
	s22 =	sadd.s32 @!p1 $0x80, s22;
	[sflag:s1] =	ssyncadd.s32 @!p1 $0xFFFFC000  }
0x4e: {  	[tilespmem:s21], [sflag:$0x1] =	stream.indirect.gather @!p1 [hbm4b:s3+s23], $0x80, s22, s23, $0xb8;
	[tilespmem:$0x9400] =	vst v63  }
0x4f: {  	_ =	swait.ge @!p0 [sflag:s25], $0x4000  }
0x50: {  	s19 =	sadd.s32 $0x1, s19;
	[sflag:s25] =	ssyncset.done @!p0 $0x0  }
0x51: {  	s1 =	sadd.s32 @!p0 $0x10000, s20;
	s20 =	simm.s32 @!p0 $0x0;
	[sflag:s25] =	ssyncadd.s32 @!p0 $0xFFFFC000  }
0x52: {  	[hbm4b:s1+s20] =	stream.linear.scatter @!p0 [tilespmem:s24], [sflag:$0x4], $0x4000, $0x38;
	[tilespmem:$0x9400] =	vst v63  }
0x53: {  	p0 =	sne.s32 s19, s7;
	_ =	swait.ge [sflag:s15], $0x4000  }
.Ltmp1:
0x54: {  	[sflag:s15] =	ssyncset.done $0x0;
	(pc) =	sbr.rel @p0 .LBB2_1-.Ltmp1, $4  }
0x55: {  	[sflag:s15] =	ssyncadd.s32 $0xFFFFC000  }
0x56: {  	_ =	swait.ge [sflag:s18], $0x4000  }
0x57: {  	[sflag:s18] =	ssyncset.done $0x0  }
0x58: {  	[sflag:s18] =	ssyncadd.s32 $0xFFFFC000  }
0x59: {  	_ =	sfence.sel $0x180000  }
0x5a: {  	[bflag:$0x0] =	sbarrier.arrive $0xFFFF  }
0x5b: {  	_ =	strace $0x9000004D  }
0x5c: {  	[bflag:$0x2] =	sbarrier.arrive $0xFFFF  }
0x5d: {  	p0 =	sne.s32 s0, $0x0;
	s0 =	rddreg [dreg:$0x2]  }
0x5e: {  	s0 =	sadd.s32 @!p0 $0x100000, s0  }
0x5f: {  	[sflag:s0] =	ssyncadd.tile.s32 @!p0 $0x1;
	_ =	shalt  }
.Lfunc_end2:
_tile_overlayer_lowered:
.L_overlay_start_2:
0x60: {  	(tag) =	ssettag $0x2  }
0x61: {  	s0 =	rddreg [dreg:$0x0];
	s2 =	stileid.u32  }
0x62: {  	s1 =	rddreg [dreg:$0x1];
	p0 =	sne.s32 s2, $0x0  }
0x63: {  	s3 =	rddreg [dreg:$0x2];
	[bflag:$0x3] =	sbarrier.arrive $0xFFFF;
	s2 =	simm.s32 @!p0 $0x1C05  }
0x64: {  	[timem:s3], [sflag:s2] =	dma.local @!p0 [hbm:s0], s1  }
0x65: {  	s0 =	simm.s32 @!p0 $0x5  }
0x66: {  	_ =	swait.ge @!p0 [sflag:s0], s1  }
0x67: {  	s1 =	ssub.s32 @!p0 $0x0, s1;
	[sflag:s0] =	ssyncset.done @!p0 $0x0  }
0x68: {  	[sflag:s0] =	ssyncadd.s32 @!p0 s1  }
0x69: {  	[bflag:$0x3] =	sbarrier.arrive $0xFFFF  }
0x6a: {  	_ =	shalt  }

// kernel: kernel.19.cloned.1.call-start
scs
__scs_entry_jumppad:
0x0: {  	(pc) =	sbr.rel $0x88, $3  }
0x1: {  	(tag) =	ssettag $0x0;
	lr =	simm.s32 $0x1  }
0x2: {  	[smem:$0x3F90] =	sst lr;
	_ =	strace $0xD0000000  }
0x3: {  	_ = 	snop  }
0x4: {  	_ = 	snop  }
0x5: {  	_ = 	snop  }
0x6: {  	_ = 	snop  }
0x7: {  	_ = 	snop  }
__scs_overlays_trampoline_lowered:
0x8: {  	[smem:$0x3F9F] =	sst s0  }
0x9: {  	[smem:$0x3FA0] =	sst s1  }
0xa: {  	[smem:$0x3FA1] =	sst s2  }
0xb: {  	[smem:$0x3FA2] =	sst s3  }
0xc: {  	[smem:$0x3FA3] =	sst s4  }
0xd: {  	[smem:$0x3FA4] =	sst s5  }
0xe: {  	[smem:$0x3FA5] =	sst s6  }
0xf: {  	[smem:$0x3FA6] =	sst s7  }
0x10: {  	[smem:$0x3FA7] =	sst s8  }
0x11: {  	[smem:$0x3FA8] =	sst s9;
	s0 =	simm.s32 @!p0 $0x0  }
0x12: {  	s1 =	sld [smem:$0x3F8E];
	s0 =	simm.s32 @p0 $0x1  }
0x13: {  	[smem:$0x3FA9] =	sst s0;
	s0 =	simm.s32 @!p1 $0x0  }
0x14: {  	s2 =	sld [smem:$0x3F8D];
	s0 =	simm.s32 @p1 $0x1  }
0x15: {  	[smem:$0x3FAA] =	sst s0;
	s0 =	simm.s32 @!p2 $0x0  }
0x16: {  	s3 =	sld [smem:$0x3FDB];
	s0 =	simm.s32 @p2 $0x1  }
0x17: {  	s4 =	simm.s32 $0x1BF5;
	[smem:$0x3FAC] =	sst s0  }
0x18: {  	s0 =	sld [smem:$0x3F8F];
	_ =	swait.ge [sflag:s4], $0x0  }
0x19: {  	s7 =	sld [smem:$0x3F90]  }
0x1a: {  	s8 =	sadd.s32 $0xFFFFE003, lr  }
0x1b: {  	s9 =	sadd.s32 $0xFFFFFEF7, lr;
	s5 =	simm.s32 $0xFFFFFFFF;
	p2 =	slt.u32 s8, $0xFFFFF086  }
0x1c: {  	p1 =	slt.u32 s9, $0xF7A;
	s5 =	simm.s32 @!p2 $0x0  }
0x1d: {  	s5 =	simm.s32 @p1 $0x1;
	p0 =	seq.s32 s7, s2  }
0x1e: {  	s7 =	smul.u32 @!p0 $0xF7A, s2;
	p2 =	seq.s32 @!p0 s5, $0x0  }
0x1f: {  	s9 =	smul.u32 $0xF7A, s1;
	s8 =	simm.s32 @!p0 $0x1BF5;
	p2 =	por !p2, p0  }
0x20: {  	[sflag:s8] =	ssyncset.s32 @!p0 $0xFFFFF086;
	s6 =	sadd.s32 @!p0 s3, s7;
	s7 =	simm.s32 @!p0 $0x108  }
0x21: {  	s3 =	sadd.s32 s3, s9;
	s6 =	sadd.s32 @!p0 $0x88, s6;
	s7 =	simm.s32 @p2 $0x1082  }
0x22: {  	[simem:s7], [sflag:s8] =	dma.local @!p0 [hbm:s6], $0xF7A  }
0x23: {  	s9 =	sor.u32 $0xD0000000, s2;
	s6 =	simm.s32 $0x108;
	_ =	swait.ge @!p0 [sflag:s8], $0x0  }
0x24: {  	s3 =	sadd.s32 $0x88, s3;
	s6 =	simm.s32 @!p1 $0x1082;
	[sflag:s4] =	ssyncset.s32 $0xFFFFF086  }
0x25: {  	[simem:s6], [sflag:s4] =	dma.local [hbm:s3], $0xF7A  }
0x26: {  	[smem:$0x3F90] =	sst s1;
	(tag) =	ssettag s2;
	_ =	strace s9  }
0x27: {  	s1 =	sld [smem:$0x3FA0]  }
0x28: {  	s2 =	sld [smem:$0x3FA1]  }
0x29: {  	s4 =	sld [smem:$0x3FA3]  }
0x2a: {  	p0 =	seq.s32 s5, $0x0;
	s5 =	sld [smem:$0x3FA4]  }
0x2b: {  	s6 =	sld [smem:$0x3FA5]  }
0x2c: {  	s7 =	sld [smem:$0x3FA6]  }
0x2d: {  	s3 =	simm.s32 $0x108;
	s8 =	sld [smem:$0x3FA7]  }
0x2e: {  	s3 =	simm.s32 @!p0 $0x1082;
	s9 =	sld [smem:$0x3FA8]  }
0x2f: {  	lr =	sadd.s32 s0, s3;
	s0 =	sld [smem:$0x3F9F]  }
0x30: {  	s3 =	sld [smem:$0x3FA2]  }
0x31: {  	[smem:$0x3FAB] =	sst s10  }
0x32: {  	s10 =	sld [smem:$0x3FA9];
	_ =	sdelay $0x3  }
0x33: {  	p0 =	seq.s32 s10, $0x1;
	s10 =	sld [smem:$0x3FAB];
	_ =	sdelay $0x3  }
0x34: {  	[smem:$0x3FAB] =	sst s10  }
0x35: {  	s10 =	sld [smem:$0x3FAA];
	_ =	sdelay $0x3  }
0x36: {  	p1 =	seq.s32 s10, $0x1;
	s10 =	sld [smem:$0x3FAB];
	_ =	sdelay $0x3  }
0x37: {  	[smem:$0x3FAB] =	sst s10  }
0x38: {  	s10 =	sld [smem:$0x3FAC]  }
0x39: {  	_ = 	snop;
	(pc) =	sbr.ind lr, $3  }
0x3a: {  	_ = 	snop  }
0x3b: {  	_ = 	snop  }
0x3c: {  	p2 =	seq.s32 s10, $0x1;
	s10 =	sld [smem:$0x3FAB]  }
0x3d: {  	_ =	shalt  }
0x3e: {  	_ =	shalt  }
0x3f: {  	_ =	shalt  }
0x40: {  	_ =	shalt  }
0x41: {  	_ =	shalt  }
0x42: {  	_ =	shalt  }
0x43: {  	_ =	shalt  }
0x44: {  	_ =	shalt  }
0x45: {  	_ =	shalt  }
0x46: {  	_ =	shalt  }
0x47: {  	_ =	shalt  }
0x48: {  	_ =	shalt  }
0x49: {  	_ =	shalt  }
0x4a: {  	_ =	shalt  }
0x4b: {  	_ =	shalt  }
0x4c: {  	_ =	shalt  }
0x4d: {  	_ =	shalt  }
0x4e: {  	_ =	shalt  }
0x4f: {  	_ =	shalt  }
0x50: {  	_ =	shalt  }
0x51: {  	_ =	shalt  }
0x52: {  	_ =	shalt  }
0x53: {  	_ =	shalt  }
0x54: {  	_ =	shalt  }
0x55: {  	_ =	shalt  }
0x56: {  	_ =	shalt  }
0x57: {  	_ =	shalt  }
0x58: {  	_ =	shalt  }
0x59: {  	_ =	shalt  }
0x5a: {  	_ =	shalt  }
0x5b: {  	_ =	shalt  }
0x5c: {  	_ =	shalt  }
0x5d: {  	_ =	shalt  }
0x5e: {  	_ =	shalt  }
0x5f: {  	_ =	shalt  }
0x60: {  	_ =	shalt  }
0x61: {  	_ =	shalt  }
0x62: {  	_ =	shalt  }
0x63: {  	_ =	shalt  }
0x64: {  	_ =	shalt  }
0x65: {  	_ =	shalt  }
0x66: {  	_ =	shalt  }
0x67: {  	_ =	shalt  }
0x68: {  	_ =	shalt  }
0x69: {  	_ =	shalt  }
0x6a: {  	_ =	shalt  }
0x6b: {  	_ =	shalt  }
0x6c: {  	_ =	shalt  }
0x6d: {  	_ =	shalt  }
0x6e: {  	_ =	shalt  }
0x6f: {  	_ =	shalt  }
0x70: {  	_ =	shalt  }
0x71: {  	_ =	shalt  }
0x72: {  	_ =	shalt  }
0x73: {  	_ =	shalt  }
0x74: {  	_ =	shalt  }
0x75: {  	_ =	shalt  }
0x76: {  	_ =	shalt  }
0x77: {  	_ =	shalt  }
0x78: {  	_ =	shalt  }
0x79: {  	_ =	shalt  }
0x7a: {  	_ =	shalt  }
0x7b: {  	_ =	shalt  }
0x7c: {  	_ =	shalt  }
0x7d: {  	_ =	shalt  }
0x7e: {  	_ =	shalt  }
0x7f: {  	_ =	shalt  }
0x80: {  	_ =	shalt  }
0x81: {  	_ =	shalt  }
0x82: {  	_ =	shalt  }
0x83: {  	_ =	shalt  }
0x84: {  	_ =	shalt  }
0x85: {  	_ =	shalt  }
0x86: {  	_ =	shalt  }
0x87: {  	_ =	shalt  }
.Lfunc_end0:
.L_simem_size_0:
called_computation.3_lowered:
.L_overlay_start_0:
0x88: {  	s2 =	sld [smem:$0x3FD9]  }
0x89: {  	s3 =	sld [smem:$0x3FFE];
	_ =	sdelay $0x1  }
0x8a: {  	s1 =	srdreg.scid  }
0x8b: {  	s0 =	sand.u32 $0x1, s1  }
0x8c: {  	s14 =	sshll.u32 s0, $0xA;
	s2 =	sadd.s32 s3, s2  }
0x8d: {  	s2 =	sadd.s32 s2, s14  }
0x8e: {  	[smem:$0x3FB7] =	sst s2  }
0x8f: {  	_ = 	snop  }
0x90: {  	s2 =	sld [smem:$0x3FD0];
	_ =	sdelay $0x2  }
0x91: {  	s15 =	simm.s32 $0xA;
	s4 =	simm.s32 $0x10  }
0x92: {  	[smem:s4], [sflag:s15] =	dma.local [hbm:s2], $0x1  }
0x93: {  	_ =	swait.eq [sflag:s15], $0x1  }
0x94: {  	[sflag:s15] =	ssyncset.done $0x0  }
0x95: {  	s16 =	sld [smem:$0x10];
	[sflag:s15] =	ssyncadd.s32 $0xFFFFFFFF  }
0x96: {  	s17 =	sld [smem:$0x11];
	(tm) =	ssettm $0x1  }
0x97: {  	s18 =	sld [smem:$0x3FFB];
	_ =	sdelay $0x3  }
0x98: {  	_ =	strace s18  }
0x99: {  	s4 =	sld [smem:$0x3FFC];
	_ =	sdelay $0x3  }
0x9a: {  	_ =	strace s4  }
0x9b: {  	s4 =	sld [smem:$0x3FFD];
	_ =	sdelay $0x3  }
0x9c: {  	_ =	strace s4  }
0x9d: {  	_ =	strace $0x8FFFFFFF  }
0x9e: {  	s19 =	sld [smem:$0x3FDB];
	_ =	sdelay $0x1  }
0x9f: {  	s5 =	simm.s32 $_scs_section_size  }
0xa0: {  	s6 =	simm.s32 $_size__tile_overlayer_lowered;
	s7 =	simm.s32 $_tile_overlayer_lowered  }
0xa1: {  	s22 =	simm.s32 $0x1BFF;
	s21 =	sshll.u32 s7, $0x1;
	s4 =	sadd.s32 s5, s19  }
0xa2: {  	s8 =	simm.s32 $0x0;
	s20 =	sshll.u32 s6, $0x1;
	s6 =	sadd.s32 s21, s4  }
0xa3: {  	[timem:s8], [sflag:s22] =	dma.local [hbm:s6], s20  }
0xa4: {  	_ =	swait.ge [sflag:s22], s20  }
0xa5: {  	s5 =	ssub.s32 $0x0, s20;
	[sflag:s22] =	ssyncset.done $0x0  }
0xa6: {  	[sflag:s22] =	ssyncadd.s32 s5;
	_ =	sdelay $0x1  }
0xa7: {  	s23 =	simm.s32 $0x1B8B  }
0xa8: {  	_ =	swait.ge [sflag:s23], $0x1  }
0xa9: {  	[sflag:s23] =	ssyncset.done $0x0  }
0xaa: {  	s25 =	simm.s32 $0x1B8E;
	s24 =	sld [smem:$0x3FFE];
	[sflag:s23] =	ssyncadd.s32 $0xFFFFFFFF  }
0xab: {  	s26 =	simm.s32 $execute0_lowered;
	[smem:$0x3FD2] =	sst s25  }
0xac: {  	s6 =	sshll.u32 s26, $0x1;
	_ =	strace $0x8000004F;
	[dreg:$0x1] =	wrdreg $0xFFFFFFFF  }
0xad: {  	s28 =	simm.s32 $_size_execute0_lowered;
	s4 =	sadd.s32 s4, s6;
	[dreg:$0x0] =	wrdreg $0x0  }
0xae: {  	s6 =	sshll.u32 s28, $0x1;
	[dreg:$0x2] =	wrdreg s4  }
0xaf: {  	[dreg:$0x3] =	wrdreg s6  }
0xb0: {  	[dreg:$0x4] =	wrdreg $0xC0  }
0xb1: {  	_ =	task [dreg:s8], $0x5FFFF  }
0xb2: {  	[dreg:$0x1] =	wrdreg $0xFFFFFFFF  }
0xb3: {  	[dreg:$0x0] =	wrdreg $0x60  }
0xb4: {  	[dreg:$0x2] =	wrdreg s17  }
0xb5: {  	[dreg:$0x3] =	wrdreg s24  }
0xb6: {  	[dreg:$0x4] =	wrdreg s16  }
0xb7: {  	[dreg:$0x5] =	wrdreg $0x9  }
0xb8: {  	_ =	task.clear_ibuf [dreg:s8], $0x6FFFF;
	_ =	strace $0x9000004F  }
0xb9: {  	s29 =	simm.s32 $0x9;
	_ =	strace $0x80000051  }
0xba: {  	_ =	swait.ge [sflag:s29], $0x1  }
0xbb: {  	[sflag:s29] =	ssyncadd.s32 $0xFFFFFFFF  }
0xbc: {  	_ =	strace $0x90000051  }
0xbd: {  	_ =	sfence  }
0xbe: {  	s30 =	sld [smem:$0x0];
	_ =	sdelay $0x2  }
0xbf: {  	s31 =	sshll.u32 s1, $0xD;
	s1 =	sshrl.u32 s1, $0x2  }
0xc0: {  	s3 =	sand.u32 $0x4000, s31;
	s1 =	sadd.s32 s1, s30  }
0xc1: {  	s0 =	sor.u32 s3, s0;
	s1 =	sshll.u32 s1, $0x11  }
0xc2: {  	s0 =	sor.u32 s1, s0  }
0xc3: {  	s0 =	sadd.s32 $0x8F2B, s0  }
0xc4: {  	[sflag:s0] =	ssyncadd.remote.s32 $0x1  }
0xc5: {  	_ =	sfence.sel $0xFFFF  }
0xc6: {  	[dreg:$0x0] =	wrdreg $0xFFFFFFFF;
	(pc) =	sbr.abs _section_cstart, $3  }
0xc7: {  	[dreg:$0x1] =	wrdreg $0xFFFFFFFF  }
0xc8: {  	_ =	task.clear_ibuf [dreg:s8], $0x2FFFF;
	_ =	strace $0x9FFFFFFF  }
0xc9: {  	(tm) =	ssettm $0x7FFFFFFF  }
tec
execute0_lowered:
.L_overlay_start_1:
0x0: {  	(tag) =	ssettag $0x1  }
0x1: {  	s1 =	rddreg [dreg:$0x0]  }
0x2: {  	s4 =	rddreg [dreg:$0x1];
	s2 =	srdreg.scid  }
0x3: {  	s0 =	stileid.u32;
	s6 =	rddreg [dreg:$0x2]  }
0x4: {  	s3 =	simm.s32 $0x0;
	s12 =	simm.s32 $0x1400;
	s13 =	simm.s32 $0x5400  }
0x5: {  	s14 =	simm.s32 $0x1;
	s15 =	simm.s32 $0x3;
	s16 =	simm.s32 $0x100  }
0x6: {  	s17 =	simm.s32 $0x2;
	s18 =	simm.s32 $0x4;
	s19 =	simm.s32 $0x0  }
0x7: {  	s7 =	sand.u32 $0x1, s2;
	s5 =	sshll.u32 s0, $0x1;
	[smem:$0x7FF] =	sst s3  }
0x8: {  	s30 =	sshll.u32 s0, $0xC;
	s8 =	sor.u32 s7, s5;
	s9 =	ssub.s32 $0x2, s7  }
0x9: {  	_ =	strace $0x80000050;
	s11 =	sshll.u32 s7, $0xB;
	s5 =	smul.u32 $0x280, s8  }
0xa: {  	s10 =	sshrl.u32 s9, $0x1;
	s29 =	ssub.s32 $0x501, s8;
	s8 =	sshll.u32 s8, $0xB  }
0xb: {  	s9 =	ssub.s32 s9, s10;
	s10 =	sadd.s32 s30, s6;
	s6 =	sadd.s32 s6, s8  }
0xc: {  	s4 =	sadd.s32 s5, s4;
	s5 =	sshrl.u32 s29, $0x5;
	s7 =	smax.u32 s9, $0x1  }
0xd: {  	s31 =	sadd.s32 s11, s10;
	s8 =	sadd.s32 $0x10000, s6;
	s10 =	simm.s32 $0x5  }
0xe: {  	s11 =	simm.s32 $0x80;
	s4 =	sadd.s32 $0x9200, s4;
	s9 =	sadd.s32 $0x20000, s31  }
.LBB2_1:
0xf: {  	[tilespmem:s3], [sflag:$0x5] =	stream.linear.gather [hbm4b:s4+s3], $0x1400, $0x38;
	[tilespmem:$0x9400] =	vst v63  }
0x10: {  	_ =	swait.ge [sflag:s10], $0x1400  }
0x11: {  	[sflag:s10] =	ssyncset.done $0x0  }
0x12: {  	[sflag:s10] =	ssyncadd.s32 $0xFFFFEC00  }
0x13: {  	[tilespmem:s12], [sflag:$0x1] =	stream.indirect.gather [hbm4b:s1+s11], $0x80, s3, s11, $0xb8;
	[tilespmem:$0x9400] =	vst v63  }
0x14: {  	_ = 	snop  }
0x15: {  	[tilespmem:s13], [sflag:$0x2] =	stream.indirect.gather [hbm4b:s1+s11], $0x80, s11, s11, $0xb8;
	[tilespmem:$0x9400] =	vst v63  }
0x16: {  	_ =	swait.ge [sflag:s14], $0x4000  }
0x17: {  	[sflag:s14] =	ssyncset.done $0x0  }
0x18: {  	[sflag:s14] =	ssyncadd.s32 $0xFFFFC000  }
0x19: {  	[hbm4b:s6+s3] =	stream.linear.scatter [tilespmem:s12], [sflag:$0x3], $0x4000, $0x38;
	[tilespmem:$0x9400] =	vst v63  }
0x1a: {  	_ =	swait.ge [sflag:s15], $0x4000  }
0x1b: {  	[sflag:s15] =	ssyncset.done $0x0  }
0x1c: {  	[sflag:s15] =	ssyncadd.s32 $0xFFFFC000  }
0x1d: {  	[tilespmem:s12], [sflag:$0x1] =	stream.indirect.gather [hbm4b:s1+s11], $0x80, s16, s11, $0xb8;
	[tilespmem:$0x9400] =	vst v63  }
0x1e: {  	_ =	swait.ge [sflag:s17], $0x4000  }
0x1f: {  	p0 =	sle.u32 s5, $0x3;
	[sflag:s17] =	ssyncset.done $0x0  }
0x20: {  	s20 =	simm.s32 @!p0 $0x4;
	[sflag:s17] =	ssyncadd.s32 $0xFFFFC000  }
0x21: {  	[hbm4b:s8+s3] =	stream.linear.scatter [tilespmem:s13], [sflag:$0x4], $0x4000, $0x38;
	[tilespmem:$0x9400] =	vst v63  }
0x22: {  	_ =	swait.ge @!p0 [sflag:s20], $0x4000;
	p0 =	por p0, p0  }
0x23: {  	s21 =	simm.s32 $0x180;
	[sflag:s20] =	ssyncset.done @!p0 $0x0  }
0x24: {  	s22 =	simm.s32 @!p0 $0x80;
	s23 =	simm.s32 @!p0 $0x5400;
	[sflag:s20] =	ssyncadd.s32 @!p0 $0xFFFFC000  }
0x25: {  	[tilespmem:s23], [sflag:$0x2] =	stream.indirect.gather @!p0 [hbm4b:s1+s22], $0x80, s21, s22, $0xb8;
	[tilespmem:$0x9400] =	vst v63  }
0x26: {  	_ =	swait.ge [sflag:s14], $0x4000  }
0x27: {  	p1 =	sle.u32 s5, $0x4;
	[sflag:s14] =	ssyncset.done $0x0  }
0x28: {  	s20 =	simm.s32 @!p1 $0x3;
	[sflag:s14] =	ssyncadd.s32 $0xFFFFC000  }
0x29: {  	[hbm4b:s9+s3] =	stream.linear.scatter [tilespmem:s12], [sflag:$0x3], $0x4000, $0x38;
	[tilespmem:$0x9400] =	vst v63  }
0x2a: {  	s24 =	simm.s32 $0x8;
	_ =	swait.ge @!p1 [sflag:s20], $0x4000  }
0x2b: {  	p2 =	sle.u32 s5, $0x5;
	s25 =	simm.s32 @!p1 $0x80;
	[sflag:s20] =	ssyncset.done @!p1 $0x0  }
0x2c: {  	s26 =	simm.s32 @!p1 $0x200;
	s22 =	simm.s32 @!p1 $0x1400;
	[sflag:s20] =	ssyncadd.s32 @!p1 $0xFFFFC000  }
0x2d: {  	[tilespmem:s22], [sflag:$0x1] =	stream.indirect.gather @!p1 [hbm4b:s1+s25], $0x80, s26, s25, $0xb8;
	[tilespmem:$0x9400] =	vst v63  }
0x2e: {  	s21 =	simm.s32 $0x6;
	s20 =	sadd.s32 $0x20000, s9;
	s25 =	simm.s32 @!p0 $0x2  }
0x2f: {  	s22 =	simm.s32 $0x280;
	s26 =	sadd.s32 @!p0 $0x10000, s9;
	_ =	swait.ge @!p0 [sflag:s25], $0x4000  }
.LBB2_2:
0x30: {  	s28 =	simm.s32 @!p2 $0x4;
	[sflag:s25] =	ssyncset.done @!p0 $0x0;
	s29 =	smov.u32 s21  }
0x31: {  	s21 =	smov.u32 s24;
	s24 =	sadd.s32 $0x2, s24;
	s30 =	smov.u32 s22  }
0x32: {  	p1 =	sne.s32 s24, $0x2A;
	[sflag:s25] =	ssyncadd.s32 @!p0 $0xFFFFC000;
	s25 =	simm.s32 @!p0 $0x0  }
0x33: {  	[hbm4b:s26+s25] =	stream.linear.scatter @!p0 [tilespmem:s23], [sflag:$0x4], $0x4000, $0x38;
	[tilespmem:$0x9400] =	vst v63  }
0x34: {  	s26 =	smov.u32 s20;
	p0 =	por p2, p2;
	_ =	swait.ge @!p2 [sflag:s28], $0x4000  }
0x35: {  	s25 =	simm.s32 @!p0 $0x80;
	s23 =	simm.s32 @!p0 $0x5400;
	[sflag:s28] =	ssyncset.done @!p0 $0x0  }
0x36: {  	[sflag:s28] =	ssyncadd.s32 @!p0 $0xFFFFC000  }
0x37: {  	[tilespmem:s23], [sflag:$0x2] =	stream.indirect.gather @!p0 [hbm4b:s1+s25], $0x80, s22, s25, $0xb8;
	[tilespmem:$0x9400] =	vst v63  }
0x38: {  	_ =	swait.ge [sflag:s14], $0x4000  }
0x39: {  	p2 =	sge.u32 s29, s5;
	s22 =	sadd.s32 $0x100, s22;
	[sflag:s14] =	ssyncset.done $0x0  }
0x3a: {  	s29 =	simm.s32 @!p2 $0x1400;
	s28 =	simm.s32 @!p2 $0x3;
	[sflag:s14] =	ssyncadd.s32 $0xFFFFC000  }
0x3b: {  	[hbm4b:s20+s3] =	stream.linear.scatter [tilespmem:s12], [sflag:$0x3], $0x4000, $0x38;
	[tilespmem:$0x9400] =	vst v63  }
.Ltmp0:
0x3c: {  	s31 =	simm.s32 @!p2 $0x80;
	_ =	swait.ge @!p2 [sflag:s28], $0x4000;
	(pc) =	sbr.rel @p1 .LBB2_2-.Ltmp0, $4  }
0x3d: {  	s30 =	sadd.s32 @!p2 $0x80, s30;
	s25 =	simm.s32 @!p0 $0x2;
	[sflag:s28] =	ssyncset.done @!p2 $0x0  }
0x3e: {  	s2 =	sadd.s32 $0xFFFFFFFF, s21;
	s20 =	sadd.s32 $0x20000, s20;
	[sflag:s28] =	ssyncadd.s32 @!p2 $0xFFFFC000  }
0x3f: {  	[tilespmem:s29], [sflag:$0x1] =	stream.indirect.gather @!p2 [hbm4b:s1+s31], $0x80, s30, s31, $0xb8;
	[tilespmem:$0x9400] =	vst v63  }
0x40: {  	s26 =	sadd.s32 @!p0 $0x10000, s26;
	p2 =	sge.u32 s2, s5;
	_ =	swait.ge @!p0 [sflag:s25], $0x4000  }
0x41: {  	[sflag:s25] =	ssyncset.done @!p0 $0x0  }
0x42: {  	s2 =	simm.s32 @!p2 $0x4;
	s24 =	simm.s32 @!p0 $0x0;
	[sflag:s25] =	ssyncadd.s32 @!p0 $0xFFFFC000  }
0x43: {  	[hbm4b:s26+s24] =	stream.linear.scatter @!p0 [tilespmem:s23], [sflag:$0x4], $0x4000, $0x38;
	[tilespmem:$0x9400] =	vst v63  }
0x44: {  	p0 =	por p2, p2;
	_ =	swait.ge @!p2 [sflag:s2], $0x4000  }
0x45: {  	[sflag:s2] =	ssyncset.done @!p0 $0x0  }
0x46: {  	s23 =	simm.s32 @!p0 $0x80;
	s24 =	simm.s32 @!p0 $0x5400;
	[sflag:s2] =	ssyncadd.s32 @!p0 $0xFFFFC000  }
0x47: {  	[tilespmem:s24], [sflag:$0x2] =	stream.indirect.gather @!p0 [hbm4b:s1+s23], $0x80, s22, s23, $0xb8;
	[tilespmem:$0x9400] =	vst v63  }
0x48: {  	_ =	swait.ge [sflag:s14], $0x4000  }
0x49: {  	p1 =	sge.u32 s21, s5;
	[sflag:s14] =	ssyncset.done $0x0  }
0x4a: {  	s2 =	simm.s32 @!p1 $0x3;
	[sflag:s14] =	ssyncadd.s32 $0xFFFFC000  }
0x4b: {  	[hbm4b:s20+s3] =	stream.linear.scatter [tilespmem:s12], [sflag:$0x3], $0x4000, $0x38;
	[tilespmem:$0x9400] =	vst v63  }
0x4c: {  	_ =	swait.ge @!p1 [sflag:s2], $0x4000  }
0x4d: {  	s21 =	simm.s32 @!p1 $0x1400;
	s25 =	simm.s32 @!p0 $0x2;
	[sflag:s2] =	ssyncset.done @!p1 $0x0  }
0x4e: {  	s23 =	simm.s32 @!p1 $0x80;
	s22 =	sadd.s32 @!p1 $0x80, s22;
	[sflag:s2] =	ssyncadd.s32 @!p1 $0xFFFFC000  }
0x4f: {  	[tilespmem:s21], [sflag:$0x1] =	stream.indirect.gather @!p1 [hbm4b:s1+s23], $0x80, s22, s23, $0xb8;
	[tilespmem:$0x9400] =	vst v63  }
0x50: {  	_ =	swait.ge @!p0 [sflag:s25], $0x4000  }
0x51: {  	s19 =	sadd.s32 $0x1, s19;
	[sflag:s25] =	ssyncset.done @!p0 $0x0  }
0x52: {  	s2 =	sadd.s32 @!p0 $0x10000, s20;
	s20 =	simm.s32 @!p0 $0x0;
	[sflag:s25] =	ssyncadd.s32 @!p0 $0xFFFFC000  }
0x53: {  	[hbm4b:s2+s20] =	stream.linear.scatter @!p0 [tilespmem:s24], [sflag:$0x4], $0x4000, $0x38;
	[tilespmem:$0x9400] =	vst v63  }
0x54: {  	p0 =	sne.s32 s19, s7;
	_ =	swait.ge [sflag:s15], $0x4000  }
.Ltmp1:
0x55: {  	[sflag:s15] =	ssyncset.done $0x0;
	(pc) =	sbr.rel @p0 .LBB2_1-.Ltmp1, $4  }
0x56: {  	[sflag:s15] =	ssyncadd.s32 $0xFFFFC000  }
0x57: {  	_ =	swait.ge [sflag:s18], $0x4000  }
0x58: {  	[sflag:s18] =	ssyncset.done $0x0  }
0x59: {  	[sflag:s18] =	ssyncadd.s32 $0xFFFFC000  }
0x5a: {  	_ =	sfence.sel $0x180000  }
0x5b: {  	[bflag:$0x0] =	sbarrier.arrive $0xFFFF  }
0x5c: {  	_ =	strace $0x90000050  }
0x5d: {  	[bflag:$0x2] =	sbarrier.arrive $0xFFFF  }
0x5e: {  	p0 =	sne.s32 s0, $0x0;
	s0 =	rddreg [dreg:$0x3]  }
0x5f: {  	s0 =	sadd.s32 @!p0 $0x100000, s0  }
0x60: {  	[sflag:s0] =	ssyncadd.tile.s32 @!p0 $0x1;
	_ =	shalt  }
.Lfunc_end2:
_tile_overlayer_lowered:
.L_overlay_start_2:
0x61: {  	(tag) =	ssettag $0x2  }
0x62: {  	s0 =	rddreg [dreg:$0x0];
	s2 =	stileid.u32  }
0x63: {  	s1 =	rddreg [dreg:$0x1];
	p0 =	sne.s32 s2, $0x0  }
0x64: {  	s3 =	rddreg [dreg:$0x2];
	[bflag:$0x3] =	sbarrier.arrive $0xFFFF;
	s2 =	simm.s32 @!p0 $0x1C05  }
0x65: {  	[timem:s3], [sflag:s2] =	dma.local @!p0 [hbm:s0], s1  }
0x66: {  	s0 =	simm.s32 @!p0 $0x5  }
0x67: {  	_ =	swait.ge @!p0 [sflag:s0], s1  }
0x68: {  	s1 =	ssub.s32 @!p0 $0x0, s1;
	[sflag:s0] =	ssyncset.done @!p0 $0x0  }
0x69: {  	[sflag:s0] =	ssyncadd.s32 @!p0 s1  }
0x6a: {  	[bflag:$0x3] =	sbarrier.arrive $0xFFFF  }
0x6b: {  	_ =	shalt  }

</sc_bundles>
